<compile_context>
chip_gen: v7x
topology: tpu7x:2x2x1
jax: 0.10.2.dev20260603
libtpu: 0.0.44.dev20260713+nightly
codegen_flags: <defaults>
</compile_context>

<pallas_src>
import dataclasses
import functools

import numpy as _np

import jax
import jax.numpy as jnp
from jax.experimental import pallas as pl
from jax.experimental.pallas import tpu as pltpu
from jax.experimental.pallas import tpu_sc as plsc

B, C, H, W = 8, 19, 512, 512
N = B * H * W
HB = 64

NTILES = 32
ROWS = B * H
TROWS = ROWS // NTILES
SLABR = 16
NSLABS = TROWS // SLABR
TBL = 2048


def _dense_body(p_ref, t_ref, g_ref, ce_ref):
    t = t_ref[0]
    m = p_ref[0, 0]
    for c in range(1, C):
        m = jnp.maximum(m, p_ref[0, c])
    s = jnp.zeros_like(m)
    pt = jnp.zeros_like(m)
    for c in range(C):
        pc = p_ref[0, c]
        s = s + jnp.exp(pc - m)
        pt = pt + jnp.where(t == c, pc, 0.0)
    g_ref[...] = 1.0 - 1.0 / s
    ce_ref[...] = m + jnp.log(s) - pt


def _dense(preds, targets):
    grid = (B, H // HB)
    return pl.pallas_call(
        _dense_body,
        grid=grid,
        in_specs=[
            pl.BlockSpec((1, C, HB, W), lambda b, h: (b, 0, h, 0)),
            pl.BlockSpec((1, HB, W), lambda b, h: (b, h, 0)),
        ],
        out_specs=[
            pl.BlockSpec((HB, W), lambda b, h: (b * (H // HB) + h, 0)),
            pl.BlockSpec((HB, W), lambda b, h: (b * (H // HB) + h, 0)),
        ],
        out_shape=[
            jax.ShapeDtypeStruct((ROWS, W), jnp.float32),
            jax.ShapeDtypeStruct((ROWS, W), jnp.float32),
        ],
    )(preds, targets)


def _sc_bin_body(g_hbm, ce_hbm, out_hbm,
                 gbuf0, gbuf1, cebuf0, cebuf1, acc, etab,
                 semg0, semg1, semc0, semc1):
    cid = jax.lax.axis_index("c")
    sid = jax.lax.axis_index("s")
    wid = sid * 2 + cid
    row0 = wid * TROWS

    zeros16 = jnp.zeros((16,), jnp.float32)
    ones16 = jnp.ones((16,), jnp.float32)
    lane = jax.lax.iota(jnp.int32, 16)
    laneoff = lane * 128

    for k in range(31):
        ek = float(_np.float32(k) / _np.float32(30.0))
        etab[pl.ds(k * 16, 16)] = jnp.full((16,), ek, jnp.float32)

    @pl.loop(0, TBL, step=16)
    def _(i):
        acc[pl.ds(i, 16)] = zeros16

    bufs = [(gbuf0, cebuf0, semg0, semc0), (gbuf1, cebuf1, semg1, semc1)]

    def dma(si):
        gb, cb, sg, sc = bufs[si % 2]
        rows = pl.ds(row0 + si * SLABR, SLABR)
        return (pltpu.make_async_copy(g_hbm.at[rows], gb, sg),
                pltpu.make_async_copy(ce_hbm.at[rows], cb, sc))

    for c in dma(0):
        c.start()
    for si in range(NSLABS):
        gb, cb, _, _ = bufs[si % 2]
        for c in dma(si):
            c.wait()
        if si + 1 < NSLABS:
            for c in dma(si + 1):
                c.start()

        @pl.loop(0, SLABR)
        def _(r):
            @pl.loop(0, W, step=64)
            def _(cc):
                for u in range(4):
                    g16 = gb[r, pl.ds(cc + u * 16, 16)]
                    c16 = cb[r, pl.ds(cc + u * 16, 16)]
                    j = (g16 * 30.0).astype(jnp.int32)
                    jl = j * 16 + lane
                    ej = plsc.load_gather(etab, [jl])
                    ej1 = plsc.load_gather(etab, [jl + 16])
                    b1 = (g16 > ej).astype(jnp.int32)
                    b2 = (g16 > ej1).astype(jnp.int32)
                    idx_h = laneoff + j
                    idx_w = idx_h + (b1 + b2 + 32)
                    idx_c = idx_w + 32
                    plsc.addupdate_scatter(acc, [idx_h], ones16)
                    plsc.addupdate_scatter(acc, [idx_w], ones16)
                    plsc.addupdate_scatter(acc, [idx_c], c16)

    pltpu.sync_copy(acc, out_hbm.at[wid])


def _sc_params():
    cp = pltpu.CompilerParams()
    if "needs_layout_passes" in pltpu.CompilerParams.__dataclass_fields__:
        cp = dataclasses.replace(cp, needs_layout_passes=False)
    return cp


def _sc_bin(g_flat, ce_flat):
    kern = pl.kernel(
        _sc_bin_body,
        out_type=jax.ShapeDtypeStruct((NTILES, TBL), jnp.float32),
        mesh=plsc.VectorSubcoreMesh(core_axis_name="c", subcore_axis_name="s"),
        compiler_params=_sc_params(),
        scratch_types=[
            pltpu.VMEM((SLABR, W), jnp.float32),
            pltpu.VMEM((SLABR, W), jnp.float32),
            pltpu.VMEM((SLABR, W), jnp.float32),
            pltpu.VMEM((SLABR, W), jnp.float32),
            pltpu.VMEM((TBL,), jnp.float32),
            pltpu.VMEM((31 * 16, ), jnp.float32),
            pltpu.SemaphoreType.DMA,
            pltpu.SemaphoreType.DMA,
            pltpu.SemaphoreType.DMA,
            pltpu.SemaphoreType.DMA,
        ],
    )
    return kern(g_flat, ce_flat)


def _combine_body(x_ref, o_ref):
    x = x_ref[...]
    s = jnp.sum(x, axis=0, keepdims=True)
    bins = s[:, 0:30]
    wc = s[:, 33:63]
    cs = s[:, 65:95]
    pos = wc > 0.0
    num = jnp.sum(jnp.where(pos, cs / bins, 0.0))
    den = jnp.sum(jnp.where(pos, wc / bins, 0.0))
    o_ref[...] = (num / (den + 1e-7)).reshape(1, 1)


def _combine(tables):
    return pl.pallas_call(
        _combine_body,
        out_shape=jax.ShapeDtypeStruct((1, 1), jnp.float32),
    )(tables)


def kernel(preds, targets):
    targets = targets.astype(jnp.int32)
    g, ce = _dense(preds, targets)
    tables = _sc_bin(g, ce)
    out = _combine(tables.reshape(NTILES * 16, 128))
    return out.reshape(())

# --- scband reference (transcript-rebuilt; emitter-appended) ---
"""Pipeline reference for scband-ghmloss-38654705664131 (READ-ONLY COPY).

The authoritative reference and input builder live on the scoring server;
editing this copy changes nothing except your own understanding.
"""

import jax, jax.numpy as jnp
import numpy as np

BINS = 30
MOMENTUM = 0.0
IGNORE_LABEL = -1


def _edges():
    e = np.array([float(x) / BINS for x in range(BINS + 1)], dtype=np.float32)
    e[-1] = e[-1] + 0.001
    return jnp.asarray(e)


def setup_inputs(seed: int = 0) -> dict:
    key = jax.random.key(seed)
    k1, k2 = jax.random.split(key)
    B, C, H, W = 8, 19, 512, 512
    preds = jax.random.normal(k1, (B, C, H, W), dtype=jnp.float32)
    targets = jax.random.randint(k2, (B, H, W), 0, C).astype(jnp.int64)
    return {"preds": preds, "targets": targets}


def reference(preds, targets):
    n_classes = preds.shape[1]
    p = jnp.transpose(preds, (0, 2, 3, 1)).reshape(-1, n_classes)
    prob = jax.nn.softmax(p, axis=1)
    prob_max = jnp.max(prob, axis=1)
    t = targets.reshape(-1)
    gradient = jnp.abs(prob_max - 1.0)
    cond_ignore = (t == IGNORE_LABEL) | (t < 0) | (t >= n_classes)
    gradient = jnp.where(cond_ignore, -1.0, gradient)
    # torch.histc(gradient, bins=BINS, min=0, max=1): values outside [0,1] ignored
    in_range = (gradient >= 0.0) & (gradient <= 1.0)
    bin_idx = jnp.clip(jnp.floor(gradient * BINS).astype(jnp.int32), 0, BINS - 1)
    bins = jnp.bincount(jnp.where(in_range, bin_idx, 0),
                        weights=in_range.astype(jnp.float32), length=BINS)
    # torch.bucketize(gradient, edges) with right=False == searchsorted side='left'
    edges = _edges()
    inds = jnp.searchsorted(edges, gradient, side='left')
    cond_weights = (inds > 0) & (inds <= BINS)
    safe = jnp.clip(inds - 1, 0, BINS - 1)
    w = jnp.where(cond_weights, 1.0 / bins[safe], 0.0)
    weights = jnp.where(jnp.sum(cond_weights) > 0, w, jnp.zeros_like(w))
    weights = jax.lax.stop_gradient(weights)  # weights.detach()
    # cross_entropy(preds, targets, reduction='none', ignore_index=IGNORE_LABEL)
    logp = jax.nn.log_softmax(p, axis=1)
    valid = t != IGNORE_LABEL
    t_safe = jnp.clip(t, 0, n_classes - 1)
    ce = -jnp.take_along_axis(logp, t_safe[:, None], axis=1)[:, 0]
    ce = jnp.where(valid, ce, 0.0)
    loss = ce * weights
    return jnp.sum(loss) / (jnp.sum(weights) + 1e-07)

if __name__ == "__main__":
    import jax
    _d = setup_inputs()
    print(jax.jit(kernel)(*tuple(_d.values())))

</pallas_src>

<mosaic_0001>
#map = affine_map<(d0, d1) -> (0, 0)>
module attributes {stable_mosaic.version = 14 : i64} {
  func.func @_sc_bin_body(%arg0: i32, %arg1: i32, %arg2: memref<4096x512xf32, #tpu.memory_space<hbm>>, %arg3: memref<4096x512xf32, #tpu.memory_space<hbm>>, %arg4: memref<32x2048xf32, #tpu.memory_space<hbm>>, %arg5: memref<16x512xf32, #tpu.memory_space<vmem>>, %arg6: memref<16x512xf32, #tpu.memory_space<vmem>>, %arg7: memref<16x512xf32, #tpu.memory_space<vmem>>, %arg8: memref<16x512xf32, #tpu.memory_space<vmem>>, %arg9: memref<2048xf32, #tpu.memory_space<vmem>>, %arg10: memref<496xf32, #tpu.memory_space<vmem>>, %arg11: memref<!tpu.dma_semaphore, #tpu.memory_space<semaphore_mem>>, %arg12: memref<!tpu.dma_semaphore, #tpu.memory_space<semaphore_mem>>, %arg13: memref<!tpu.dma_semaphore, #tpu.memory_space<semaphore_mem>>, %arg14: memref<!tpu.dma_semaphore, #tpu.memory_space<semaphore_mem>>) attributes {dimension_semantics = [#tpu.dimension_semantics<core_parallel>, #tpu.dimension_semantics<subcore_parallel>], iteration_bounds = array<i64: 2, 16>, scalar_prefetch = 0 : i64, scratch_operands = 10 : i64, tpu.core_type = #tpu.core_type<sc_vector_subcore>, window_params = [{transform_indices = #map}, {transform_indices = #map}, {transform_indices = #map}]} {
    %mul3A = arith.constant 2 : i32
    %mul3A_0 = arith.muli %arg1, %mul3A : i32
    %add3A = arith.addi %mul3A_0, %arg0 : i32
    %mul3A_1 = arith.constant 128 : i32
    %mul3A_2 = arith.muli %add3A, %mul3A_1 : i32
    %broadcast_in_dim3A = arith.constant 0.000000e+00 : f32
    %broadcast_in_dim3A_3 = vector.broadcast %broadcast_in_dim3A : f32 to vector<16xf32>
    %broadcast_in_dim3A_4 = arith.constant 1.000000e+00 : f32
    %broadcast_in_dim3A_5 = vector.broadcast %broadcast_in_dim3A_4 : f32 to vector<16xf32>
    %iota3A = tpu.iota {dimensions = array<i32: 0>} : vector<16xi32>
    %mul3A_6 = arith.constant 128 : i32
    %mul3A_7 = vector.broadcast %mul3A_6 : i32 to vector<16xi32>
    %mul3A_8 = arith.muli %iota3A, %mul3A_7 : vector<16xi32>
    %broadcast_in_dim3A_9 = arith.constant 0.000000e+00 : f32
    %broadcast_in_dim3A_10 = vector.broadcast %broadcast_in_dim3A_9 : f32 to vector<16xf32>
    %swap3A = arith.constant 0 : index
    %swap3A_11 = tpu.vector_load %arg10[%swap3A] {strides = array<i32>} : memref<496xf32, #tpu.memory_space<vmem>>, vector<16xf32>,
    tpu.vector_store %arg10[%swap3A], %broadcast_in_dim3A_10 {strides = array<i32>} : memref<496xf32, #tpu.memory_space<vmem>>, vector<16xf32>,
    %broadcast_in_dim3A_12 = arith.constant 0.0333333351 : f32
    %broadcast_in_dim3A_13 = vector.broadcast %broadcast_in_dim3A_12 : f32 to vector<16xf32>
    %swap3A_14 = arith.constant 16 : index
    %swap3A_15 = tpu.vector_load %arg10[%swap3A_14] {strides = array<i32>} : memref<496xf32, #tpu.memory_space<vmem>>, vector<16xf32>,
    tpu.vector_store %arg10[%swap3A_14], %broadcast_in_dim3A_13 {strides = array<i32>} : memref<496xf32, #tpu.memory_space<vmem>>, vector<16xf32>,
    %broadcast_in_dim3A_16 = arith.constant 0.0666666701 : f32
    %broadcast_in_dim3A_17 = vector.broadcast %broadcast_in_dim3A_16 : f32 to vector<16xf32>
    %swap3A_18 = arith.constant 32 : index
    %swap3A_19 = tpu.vector_load %arg10[%swap3A_18] {strides = array<i32>} : memref<496xf32, #tpu.memory_space<vmem>>, vector<16xf32>,
    tpu.vector_store %arg10[%swap3A_18], %broadcast_in_dim3A_17 {strides = array<i32>} : memref<496xf32, #tpu.memory_space<vmem>>, vector<16xf32>,
    %broadcast_in_dim3A_20 = arith.constant 1.000000e-01 : f32
    %broadcast_in_dim3A_21 = vector.broadcast %broadcast_in_dim3A_20 : f32 to vector<16xf32>
    %swap3A_22 = arith.constant 48 : index
    %swap3A_23 = tpu.vector_load %arg10[%swap3A_22] {strides = array<i32>} : memref<496xf32, #tpu.memory_space<vmem>>, vector<16xf32>,
    tpu.vector_store %arg10[%swap3A_22], %broadcast_in_dim3A_21 {strides = array<i32>} : memref<496xf32, #tpu.memory_space<vmem>>, vector<16xf32>,
    %broadcast_in_dim3A_24 = arith.constant 0.13333334 : f32
    %broadcast_in_dim3A_25 = vector.broadcast %broadcast_in_dim3A_24 : f32 to vector<16xf32>
    %swap3A_26 = arith.constant 64 : index
    %swap3A_27 = tpu.vector_load %arg10[%swap3A_26] {strides = array<i32>} : memref<496xf32, #tpu.memory_space<vmem>>, vector<16xf32>,
    tpu.vector_store %arg10[%swap3A_26], %broadcast_in_dim3A_25 {strides = array<i32>} : memref<496xf32, #tpu.memory_space<vmem>>, vector<16xf32>,
    %broadcast_in_dim3A_28 = arith.constant 0.166666672 : f32
    %broadcast_in_dim3A_29 = vector.broadcast %broadcast_in_dim3A_28 : f32 to vector<16xf32>
    %swap3A_30 = arith.constant 80 : index
    %swap3A_31 = tpu.vector_load %arg10[%swap3A_30] {strides = array<i32>} : memref<496xf32, #tpu.memory_space<vmem>>, vector<16xf32>,
    tpu.vector_store %arg10[%swap3A_30], %broadcast_in_dim3A_29 {strides = array<i32>} : memref<496xf32, #tpu.memory_space<vmem>>, vector<16xf32>,
    %broadcast_in_dim3A_32 = arith.constant 2.000000e-01 : f32
    %broadcast_in_dim3A_33 = vector.broadcast %broadcast_in_dim3A_32 : f32 to vector<16xf32>
    %swap3A_34 = arith.constant 96 : index
    %swap3A_35 = tpu.vector_load %arg10[%swap3A_34] {strides = array<i32>} : memref<496xf32, #tpu.memory_space<vmem>>, vector<16xf32>,
    tpu.vector_store %arg10[%swap3A_34], %broadcast_in_dim3A_33 {strides = array<i32>} : memref<496xf32, #tpu.memory_space<vmem>>, vector<16xf32>,
    %broadcast_in_dim3A_36 = arith.constant 0.233333334 : f32
    %broadcast_in_dim3A_37 = vector.broadcast %broadcast_in_dim3A_36 : f32 to vector<16xf32>
    %swap3A_38 = arith.constant 112 : index
    %swap3A_39 = tpu.vector_load %arg10[%swap3A_38] {strides = array<i32>} : memref<496xf32, #tpu.memory_space<vmem>>, vector<16xf32>,
    tpu.vector_store %arg10[%swap3A_38], %broadcast_in_dim3A_37 {strides = array<i32>} : memref<496xf32, #tpu.memory_space<vmem>>, vector<16xf32>,
    %broadcast_in_dim3A_40 = arith.constant 0.266666681 : f32
    %broadcast_in_dim3A_41 = vector.broadcast %broadcast_in_dim3A_40 : f32 to vector<16xf32>
    %swap3A_42 = arith.constant 128 : index
    %swap3A_43 = tpu.vector_load %arg10[%swap3A_42] {strides = array<i32>} : memref<496xf32, #tpu.memory_space<vmem>>, vector<16xf32>,
    tpu.vector_store %arg10[%swap3A_42], %broadcast_in_dim3A_41 {strides = array<i32>} : memref<496xf32, #tpu.memory_space<vmem>>, vector<16xf32>,
    %broadcast_in_dim3A_44 = arith.constant 3.000000e-01 : f32
    %broadcast_in_dim3A_45 = vector.broadcast %broadcast_in_dim3A_44 : f32 to vector<16xf32>
    %swap3A_46 = arith.constant 144 : index
    %swap3A_47 = tpu.vector_load %arg10[%swap3A_46] {strides = array<i32>} : memref<496xf32, #tpu.memory_space<vmem>>, vector<16xf32>,
    tpu.vector_store %arg10[%swap3A_46], %broadcast_in_dim3A_45 {strides = array<i32>} : memref<496xf32, #tpu.memory_space<vmem>>, vector<16xf32>,
    %broadcast_in_dim3A_48 = arith.constant 0.333333343 : f32
    %broadcast_in_dim3A_49 = vector.broadcast %broadcast_in_dim3A_48 : f32 to vector<16xf32>
    %swap3A_50 = arith.constant 160 : index
    %swap3A_51 = tpu.vector_load %arg10[%swap3A_50] {strides = array<i32>} : memref<496xf32, #tpu.memory_space<vmem>>, vector<16xf32>,
    tpu.vector_store %arg10[%swap3A_50], %broadcast_in_dim3A_49 {strides = array<i32>} : memref<496xf32, #tpu.memory_space<vmem>>, vector<16xf32>,
    %broadcast_in_dim3A_52 = arith.constant 0.366666675 : f32
    %broadcast_in_dim3A_53 = vector.broadcast %broadcast_in_dim3A_52 : f32 to vector<16xf32>
    %swap3A_54 = arith.constant 176 : index
    %swap3A_55 = tpu.vector_load %arg10[%swap3A_54] {strides = array<i32>} : memref<496xf32, #tpu.memory_space<vmem>>, vector<16xf32>,
    tpu.vector_store %arg10[%swap3A_54], %broadcast_in_dim3A_53 {strides = array<i32>} : memref<496xf32, #tpu.memory_space<vmem>>, vector<16xf32>,
    %broadcast_in_dim3A_56 = arith.constant 4.000000e-01 : f32
    %broadcast_in_dim3A_57 = vector.broadcast %broadcast_in_dim3A_56 : f32 to vector<16xf32>
    %swap3A_58 = arith.constant 192 : index
    %swap3A_59 = tpu.vector_load %arg10[%swap3A_58] {strides = array<i32>} : memref<496xf32, #tpu.memory_space<vmem>>, vector<16xf32>,
    tpu.vector_store %arg10[%swap3A_58], %broadcast_in_dim3A_57 {strides = array<i32>} : memref<496xf32, #tpu.memory_space<vmem>>, vector<16xf32>,
    %broadcast_in_dim3A_60 = arith.constant 0.433333337 : f32
    %broadcast_in_dim3A_61 = vector.broadcast %broadcast_in_dim3A_60 : f32 to vector<16xf32>
    %swap3A_62 = arith.constant 208 : index
    %swap3A_63 = tpu.vector_load %arg10[%swap3A_62] {strides = array<i32>} : memref<496xf32, #tpu.memory_space<vmem>>, vector<16xf32>,
    tpu.vector_store %arg10[%swap3A_62], %broadcast_in_dim3A_61 {strides = array<i32>} : memref<496xf32, #tpu.memory_space<vmem>>, vector<16xf32>,
    %broadcast_in_dim3A_64 = arith.constant 0.466666669 : f32
    %broadcast_in_dim3A_65 = vector.broadcast %broadcast_in_dim3A_64 : f32 to vector<16xf32>
    %swap3A_66 = arith.constant 224 : index
    %swap3A_67 = tpu.vector_load %arg10[%swap3A_66] {strides = array<i32>} : memref<496xf32, #tpu.memory_space<vmem>>, vector<16xf32>,
    tpu.vector_store %arg10[%swap3A_66], %broadcast_in_dim3A_65 {strides = array<i32>} : memref<496xf32, #tpu.memory_space<vmem>>, vector<16xf32>,
    %broadcast_in_dim3A_68 = arith.constant 5.000000e-01 : f32
    %broadcast_in_dim3A_69 = vector.broadcast %broadcast_in_dim3A_68 : f32 to vector<16xf32>
    %swap3A_70 = arith.constant 240 : index
    %swap3A_71 = tpu.vector_load %arg10[%swap3A_70] {strides = array<i32>} : memref<496xf32, #tpu.memory_space<vmem>>, vector<16xf32>,
    tpu.vector_store %arg10[%swap3A_70], %broadcast_in_dim3A_69 {strides = array<i32>} : memref<496xf32, #tpu.memory_space<vmem>>, vector<16xf32>,
    %broadcast_in_dim3A_72 = arith.constant 0.533333361 : f32
    %broadcast_in_dim3A_73 = vector.broadcast %broadcast_in_dim3A_72 : f32 to vector<16xf32>
    %swap3A_74 = arith.constant 256 : index
    %swap3A_75 = tpu.vector_load %arg10[%swap3A_74] {strides = array<i32>} : memref<496xf32, #tpu.memory_space<vmem>>, vector<16xf32>,
    tpu.vector_store %arg10[%swap3A_74], %broadcast_in_dim3A_73 {strides = array<i32>} : memref<496xf32, #tpu.memory_space<vmem>>, vector<16xf32>,
    %broadcast_in_dim3A_76 = arith.constant 0.566666663 : f32
    %broadcast_in_dim3A_77 = vector.broadcast %broadcast_in_dim3A_76 : f32 to vector<16xf32>
    %swap3A_78 = arith.constant 272 : index
    %swap3A_79 = tpu.vector_load %arg10[%swap3A_78] {strides = array<i32>} : memref<496xf32, #tpu.memory_space<vmem>>, vector<16xf32>,
    tpu.vector_store %arg10[%swap3A_78], %broadcast_in_dim3A_77 {strides = array<i32>} : memref<496xf32, #tpu.memory_space<vmem>>, vector<16xf32>,
    %broadcast_in_dim3A_80 = arith.constant 6.000000e-01 : f32
    %broadcast_in_dim3A_81 = vector.broadcast %broadcast_in_dim3A_80 : f32 to vector<16xf32>
    %swap3A_82 = arith.constant 288 : index
    %swap3A_83 = tpu.vector_load %arg10[%swap3A_82] {strides = array<i32>} : memref<496xf32, #tpu.memory_space<vmem>>, vector<16xf32>,
    tpu.vector_store %arg10[%swap3A_82], %broadcast_in_dim3A_81 {strides = array<i32>} : memref<496xf32, #tpu.memory_space<vmem>>, vector<16xf32>,
    %broadcast_in_dim3A_84 = arith.constant 0.633333325 : f32
    %broadcast_in_dim3A_85 = vector.broadcast %broadcast_in_dim3A_84 : f32 to vector<16xf32>
    %swap3A_86 = arith.constant 304 : index
    %swap3A_87 = tpu.vector_load %arg10[%swap3A_86] {strides = array<i32>} : memref<496xf32, #tpu.memory_space<vmem>>, vector<16xf32>,
    tpu.vector_store %arg10[%swap3A_86], %broadcast_in_dim3A_85 {strides = array<i32>} : memref<496xf32, #tpu.memory_space<vmem>>, vector<16xf32>,
    %broadcast_in_dim3A_88 = arith.constant 0.666666686 : f32
    %broadcast_in_dim3A_89 = vector.broadcast %broadcast_in_dim3A_88 : f32 to vector<16xf32>
    %swap3A_90 = arith.constant 320 : index
    %swap3A_91 = tpu.vector_load %arg10[%swap3A_90] {strides = array<i32>} : memref<496xf32, #tpu.memory_space<vmem>>, vector<16xf32>,
    tpu.vector_store %arg10[%swap3A_90], %broadcast_in_dim3A_89 {strides = array<i32>} : memref<496xf32, #tpu.memory_space<vmem>>, vector<16xf32>,
    %broadcast_in_dim3A_92 = arith.constant 0.699999988 : f32
    %broadcast_in_dim3A_93 = vector.broadcast %broadcast_in_dim3A_92 : f32 to vector<16xf32>
    %swap3A_94 = arith.constant 336 : index
    %swap3A_95 = tpu.vector_load %arg10[%swap3A_94] {strides = array<i32>} : memref<496xf32, #tpu.memory_space<vmem>>, vector<16xf32>,
    tpu.vector_store %arg10[%swap3A_94], %broadcast_in_dim3A_93 {strides = array<i32>} : memref<496xf32, #tpu.memory_space<vmem>>, vector<16xf32>,
    %broadcast_in_dim3A_96 = arith.constant 0.733333349 : f32
    %broadcast_in_dim3A_97 = vector.broadcast %broadcast_in_dim3A_96 : f32 to vector<16xf32>
    %swap3A_98 = arith.constant 352 : index
    %swap3A_99 = tpu.vector_load %arg10[%swap3A_98] {strides = array<i32>} : memref<496xf32, #tpu.memory_space<vmem>>, vector<16xf32>,
    tpu.vector_store %arg10[%swap3A_98], %broadcast_in_dim3A_97 {strides = array<i32>} : memref<496xf32, #tpu.memory_space<vmem>>, vector<16xf32>,
    %broadcast_in_dim3A_100 = arith.constant 0.766666651 : f32
    %broadcast_in_dim3A_101 = vector.broadcast %broadcast_in_dim3A_100 : f32 to vector<16xf32>
    %swap3A_102 = arith.constant 368 : index
    %swap3A_103 = tpu.vector_load %arg10[%swap3A_102] {strides = array<i32>} : memref<496xf32, #tpu.memory_space<vmem>>, vector<16xf32>,
    tpu.vector_store %arg10[%swap3A_102], %broadcast_in_dim3A_101 {strides = array<i32>} : memref<496xf32, #tpu.memory_space<vmem>>, vector<16xf32>,
    %broadcast_in_dim3A_104 = arith.constant 8.000000e-01 : f32
    %broadcast_in_dim3A_105 = vector.broadcast %broadcast_in_dim3A_104 : f32 to vector<16xf32>
    %swap3A_106 = arith.constant 384 : index
    %swap3A_107 = tpu.vector_load %arg10[%swap3A_106] {strides = array<i32>} : memref<496xf32, #tpu.memory_space<vmem>>, vector<16xf32>,
    tpu.vector_store %arg10[%swap3A_106], %broadcast_in_dim3A_105 {strides = array<i32>} : memref<496xf32, #tpu.memory_space<vmem>>, vector<16xf32>,
    %broadcast_in_dim3A_108 = arith.constant 0.833333313 : f32
    %broadcast_in_dim3A_109 = vector.broadcast %broadcast_in_dim3A_108 : f32 to vector<16xf32>
    %swap3A_110 = arith.constant 400 : index
    %swap3A_111 = tpu.vector_load %arg10[%swap3A_110] {strides = array<i32>} : memref<496xf32, #tpu.memory_space<vmem>>, vector<16xf32>,
    tpu.vector_store %arg10[%swap3A_110], %broadcast_in_dim3A_109 {strides = array<i32>} : memref<496xf32, #tpu.memory_space<vmem>>, vector<16xf32>,
    %broadcast_in_dim3A_112 = arith.constant 0.866666674 : f32
    %broadcast_in_dim3A_113 = vector.broadcast %broadcast_in_dim3A_112 : f32 to vector<16xf32>
    %swap3A_114 = arith.constant 416 : index
    %swap3A_115 = tpu.vector_load %arg10[%swap3A_114] {strides = array<i32>} : memref<496xf32, #tpu.memory_space<vmem>>, vector<16xf32>,
    tpu.vector_store %arg10[%swap3A_114], %broadcast_in_dim3A_113 {strides = array<i32>} : memref<496xf32, #tpu.memory_space<vmem>>, vector<16xf32>,
    %broadcast_in_dim3A_116 = arith.constant 0.899999976 : f32
    %broadcast_in_dim3A_117 = vector.broadcast %broadcast_in_dim3A_116 : f32 to vector<16xf32>
    %swap3A_118 = arith.constant 432 : index
    %swap3A_119 = tpu.vector_load %arg10[%swap3A_118] {strides = array<i32>} : memref<496xf32, #tpu.memory_space<vmem>>, vector<16xf32>,
    tpu.vector_store %arg10[%swap3A_118], %broadcast_in_dim3A_117 {strides = array<i32>} : memref<496xf32, #tpu.memory_space<vmem>>, vector<16xf32>,
    %broadcast_in_dim3A_120 = arith.constant 0.933333337 : f32
    %broadcast_in_dim3A_121 = vector.broadcast %broadcast_in_dim3A_120 : f32 to vector<16xf32>
    %swap3A_122 = arith.constant 448 : index
    %swap3A_123 = tpu.vector_load %arg10[%swap3A_122] {strides = array<i32>} : memref<496xf32, #tpu.memory_space<vmem>>, vector<16xf32>,
    tpu.vector_store %arg10[%swap3A_122], %broadcast_in_dim3A_121 {strides = array<i32>} : memref<496xf32, #tpu.memory_space<vmem>>, vector<16xf32>,
    %broadcast_in_dim3A_124 = arith.constant 0.966666638 : f32
    %broadcast_in_dim3A_125 = vector.broadcast %broadcast_in_dim3A_124 : f32 to vector<16xf32>
    %swap3A_126 = arith.constant 464 : index
    %swap3A_127 = tpu.vector_load %arg10[%swap3A_126] {strides = array<i32>} : memref<496xf32, #tpu.memory_space<vmem>>, vector<16xf32>,
    tpu.vector_store %arg10[%swap3A_126], %broadcast_in_dim3A_125 {strides = array<i32>} : memref<496xf32, #tpu.memory_space<vmem>>, vector<16xf32>,
    %broadcast_in_dim3A_128 = arith.constant 1.000000e+00 : f32
    %broadcast_in_dim3A_129 = vector.broadcast %broadcast_in_dim3A_128 : f32 to vector<16xf32>
    %swap3A_130 = arith.constant 480 : index
    %swap3A_131 = tpu.vector_load %arg10[%swap3A_130] {strides = array<i32>} : memref<496xf32, #tpu.memory_space<vmem>>, vector<16xf32>,
    tpu.vector_store %arg10[%swap3A_130], %broadcast_in_dim3A_129 {strides = array<i32>} : memref<496xf32, #tpu.memory_space<vmem>>, vector<16xf32>,
    %scan3A = arith.constant 0 : i32
    %scan3A_132 = arith.constant 128 : i32
    %scan3A_133 = arith.addi %scan3A, %scan3A_132 : i32
    %scan3A_134 = arith.constant 1 : i32
    scf.for %scan3A_334 = %scan3A to %scan3A_133 step %scan3A_134  : i32 {
      %mul3A_335 = arith.constant 16 : i32
      %mul3A_336 = arith.muli %scan3A_334, %mul3A_335 : i32
      %add3A_337 = arith.constant 0 : i32
      %add3A_338 = arith.addi %add3A_337, %mul3A_336 : i32
      %swap3A_339 = arith.index_cast %add3A_338 : i32 to index
      %swap3A_340 = tpu.vector_load %arg9[%swap3A_339] {strides = array<i32>} : memref<2048xf32, #tpu.memory_space<vmem>>, vector<16xf32>,
      tpu.vector_store %arg9[%swap3A_339], %broadcast_in_dim3A_3 {strides = array<i32>} : memref<2048xf32, #tpu.memory_space<vmem>>, vector<16xf32>,
    }
    %scan3A_135 = arith.constant 128 : i32
    %add3A_136 = arith.constant 0 : i32
    %add3A_137 = arith.addi %mul3A_2, %add3A_136 : i32
    %dma_start3A = arith.constant 0 : i32
    %dma_start3A_138 = tpu.memref_slice %arg2[%add3A_137, %dma_start3A] : memref<4096x512xf32, #tpu.memory_space<hbm>> -> memref<16x512xf32, #tpu.memory_space<hbm>>
    %dma_start3A_139 = arith.constant 0 : i32
    %dma_start3A_140 = tpu.memref_slice %arg2[%add3A_137, %dma_start3A_139] : memref<4096x512xf32, #tpu.memory_space<hbm>> -> memref<16x512xf32, #tpu.memory_space<hbm>>
    tpu.enqueue_dma source(%dma_start3A_140 : memref<16x512xf32, #tpu.memory_space<hbm>>) target(%arg5 : memref<16x512xf32, #tpu.memory_space<vmem>>) target_semaphore(%arg11 : memref<!tpu.dma_semaphore, #tpu.memory_space<semaphore_mem>>)
    %dma_start3A_141 = arith.constant 0 : i32
    %dma_start3A_142 = tpu.memref_slice %arg3[%add3A_137, %dma_start3A_141] : memref<4096x512xf32, #tpu.memory_space<hbm>> -> memref<16x512xf32, #tpu.memory_space<hbm>>
    %dma_start3A_143 = arith.constant 0 : i32
    %dma_start3A_144 = tpu.memref_slice %arg3[%add3A_137, %dma_start3A_143] : memref<4096x512xf32, #tpu.memory_space<hbm>> -> memref<16x512xf32, #tpu.memory_space<hbm>>
    tpu.enqueue_dma source(%dma_start3A_144 : memref<16x512xf32, #tpu.memory_space<hbm>>) target(%arg7 : memref<16x512xf32, #tpu.memory_space<vmem>>) target_semaphore(%arg13 : memref<!tpu.dma_semaphore, #tpu.memory_space<semaphore_mem>>)
    %add3A_145 = arith.constant 0 : i32
    %add3A_146 = arith.addi %mul3A_2, %add3A_145 : i32
    %dma_wait3A = arith.constant 0 : i32
    %dma_wait3A_147 = tpu.memref_slice %arg2[%add3A_146, %dma_wait3A] : memref<4096x512xf32, #tpu.memory_space<hbm>> -> memref<16x512xf32, #tpu.memory_space<hbm>>
    %dma_wait3A_148 = arith.constant 0 : i32
    %dma_wait3A_149 = tpu.memref_slice %arg2[%add3A_146, %dma_wait3A_148] : memref<4096x512xf32, #tpu.memory_space<hbm>> -> memref<16x512xf32, #tpu.memory_space<hbm>>
    tpu.wait_dma2 semaphore(%arg11 : memref<!tpu.dma_semaphore, #tpu.memory_space<semaphore_mem>>) src(%dma_wait3A_149 : memref<16x512xf32, #tpu.memory_space<hbm>>) dst(%arg5 : memref<16x512xf32, #tpu.memory_space<vmem>>)
    %dma_wait3A_150 = arith.constant 0 : i32
    %dma_wait3A_151 = tpu.memref_slice %arg3[%add3A_146, %dma_wait3A_150] : memref<4096x512xf32, #tpu.memory_space<hbm>> -> memref<16x512xf32, #tpu.memory_space<hbm>>
    %dma_wait3A_152 = arith.constant 0 : i32
    %dma_wait3A_153 = tpu.memref_slice %arg3[%add3A_146, %dma_wait3A_152] : memref<4096x512xf32, #tpu.memory_space<hbm>> -> memref<16x512xf32, #tpu.memory_space<hbm>>
    tpu.wait_dma2 semaphore(%arg13 : memref<!tpu.dma_semaphore, #tpu.memory_space<semaphore_mem>>) src(%dma_wait3A_153 : memref<16x512xf32, #tpu.memory_space<hbm>>) dst(%arg7 : memref<16x512xf32, #tpu.memory_space<vmem>>)
    %add3A_154 = arith.constant 16 : i32
    %add3A_155 = arith.addi %mul3A_2, %add3A_154 : i32
    %dma_start3A_156 = arith.constant 0 : i32
    %dma_start3A_157 = tpu.memref_slice %arg2[%add3A_155, %dma_start3A_156] : memref<4096x512xf32, #tpu.memory_space<hbm>> -> memref<16x512xf32, #tpu.memory_space<hbm>>
    %dma_start3A_158 = arith.constant 0 : i32
    %dma_start3A_159 = tpu.memref_slice %arg2[%add3A_155, %dma_start3A_158] : memref<4096x512xf32, #tpu.memory_space<hbm>> -> memref<16x512xf32, #tpu.memory_space<hbm>>
    tpu.enqueue_dma source(%dma_start3A_159 : memref<16x512xf32, #tpu.memory_space<hbm>>) target(%arg6 : memref<16x512xf32, #tpu.memory_space<vmem>>) target_semaphore(%arg12 : memref<!tpu.dma_semaphore, #tpu.memory_space<semaphore_mem>>)
    %dma_start3A_160 = arith.constant 0 : i32
    %dma_start3A_161 = tpu.memref_slice %arg3[%add3A_155, %dma_start3A_160] : memref<4096x512xf32, #tpu.memory_space<hbm>> -> memref<16x512xf32, #tpu.memory_space<hbm>>
    %dma_start3A_162 = arith.constant 0 : i32
    %dma_start3A_163 = tpu.memref_slice %arg3[%add3A_155, %dma_start3A_162] : memref<4096x512xf32, #tpu.memory_space<hbm>> -> memref<16x512xf32, #tpu.memory_space<hbm>>
    tpu.enqueue_dma source(%dma_start3A_163 : memref<16x512xf32, #tpu.memory_space<hbm>>) target(%arg8 : memref<16x512xf32, #tpu.memory_space<vmem>>) target_semaphore(%arg14 : memref<!tpu.dma_semaphore, #tpu.memory_space<semaphore_mem>>)
    %scan3A_164 = arith.constant 0 : i32
    %scan3A_165 = arith.constant 16 : i32
    %scan3A_166 = arith.addi %scan3A_164, %scan3A_165 : i32
    %scan3A_167 = arith.constant 1 : i32
    scf.for %scan3A_334 = %scan3A_164 to %scan3A_166 step %scan3A_167  : i32 {
      %mul3A_335 = arith.constant 1 : i32
      %mul3A_336 = arith.muli %scan3A_334, %mul3A_335 : i32
      %add3A_337 = arith.constant 0 : i32
      %add3A_338 = arith.addi %add3A_337, %mul3A_336 : i32
      %scan3A_339 = arith.constant 0 : i32
      %scan3A_340 = arith.constant 8 : i32
      %scan3A_341 = arith.addi %scan3A_339, %scan3A_340 : i32
      %scan3A_342 = arith.constant 1 : i32
      scf.for %scan3A_344 = %scan3A_339 to %scan3A_341 step %scan3A_342  : i32 {
        %mul3A_345 = arith.constant 64 : i32
        %mul3A_346 = arith.muli %scan3A_344, %mul3A_345 : i32
        %add3A_347 = arith.constant 0 : i32
        %add3A_348 = arith.addi %add3A_347, %mul3A_346 : i32
        %add3A_349 = arith.constant 0 : i32
        %add3A_350 = arith.addi %add3A_348, %add3A_349 : i32
        %get3A = arith.index_cast %add3A_338 : i32 to index
        %get3A_351 = arith.index_cast %add3A_350 : i32 to index
        %get3A_352 = tpu.vector_load %arg5[%get3A, %get3A_351] {strides = array<i32>} : memref<16x512xf32, #tpu.memory_space<vmem>>, vector<16xf32>,
        %add3A_353 = arith.constant 0 : i32
        %add3A_354 = arith.addi %add3A_348, %add3A_353 : i32
        %get3A_355 = arith.index_cast %add3A_338 : i32 to index
        %get3A_356 = arith.index_cast %add3A_354 : i32 to index
        %get3A_357 = tpu.vector_load %arg7[%get3A_355, %get3A_356] {strides = array<i32>} : memref<16x512xf32, #tpu.memory_space<vmem>>, vector<16xf32>,
        %mul3A_358 = arith.constant 3.000000e+01 : f32
        %mul3A_359 = vector.broadcast %mul3A_358 : f32 to vector<16xf32>
        %mul3A_360 = arith.mulf %get3A_352, %mul3A_359 : vector<16xf32>
        %convert_element_type3A = arith.fptosi %mul3A_360 : vector<16xf32> to vector<16xi32>
        %mul3A_361 = arith.constant 16 : i32
        %mul3A_362 = vector.broadcast %mul3A_361 : i32 to vector<16xi32>
        %mul3A_363 = arith.muli %convert_element_type3A, %mul3A_362 : vector<16xi32>
        %add3A_364 = arith.addi %mul3A_363, %iota3A : vector<16xi32>
        %gather3A = tpu.vector_load_idx %arg10[%add3A_364] : memref<496xf32, #tpu.memory_space<vmem>>[vector<16xi32>], vector<16xf32>,
        %add3A_365 = arith.constant 16 : i32
        %add3A_366 = vector.broadcast %add3A_365 : i32 to vector<16xi32>
        %add3A_367 = arith.addi %add3A_364, %add3A_366 : vector<16xi32>
        %gather3A_368 = tpu.vector_load_idx %arg10[%add3A_367] : memref<496xf32, #tpu.memory_space<vmem>>[vector<16xi32>], vector<16xf32>,
        %gt3A = arith.cmpf ogt, %get3A_352, %gather3A : vector<16xf32>
        %convert_element_type3A_369 = arith.extui %gt3A : vector<16xi1> to vector<16xi32>
        %gt3A_370 = arith.cmpf ogt, %get3A_352, %gather3A_368 : vector<16xf32>
        %convert_element_type3A_371 = arith.extui %gt3A_370 : vector<16xi1> to vector<16xi32>
        %add3A_372 = arith.addi %mul3A_8, %convert_element_type3A : vector<16xi32>
        %add3A_373 = arith.addi %convert_element_type3A_369, %convert_element_type3A_371 : vector<16xi32>
        %add3A_374 = arith.constant 32 : i32
        %add3A_375 = vector.broadcast %add3A_374 : i32 to vector<16xi32>
        %add3A_376 = arith.addi %add3A_373, %add3A_375 : vector<16xi32>
        %add3A_377 = arith.addi %add3A_372, %add3A_376 : vector<16xi32>
        %add3A_378 = arith.constant 32 : i32
        %add3A_379 = vector.broadcast %add3A_378 : i32 to vector<16xi32>
        %add3A_380 = arith.addi %add3A_377, %add3A_379 : vector<16xi32>
        tpu.vector_store_idx %arg9[%add3A_372], %broadcast_in_dim3A_5 {add = true} : memref<2048xf32, #tpu.memory_space<vmem>>[vector<16xi32>], vector<16xf32>,
        tpu.vector_store_idx %arg9[%add3A_377], %broadcast_in_dim3A_5 {add = true} : memref<2048xf32, #tpu.memory_space<vmem>>[vector<16xi32>], vector<16xf32>,
        tpu.vector_store_idx %arg9[%add3A_380], %get3A_357 {add = true} : memref<2048xf32, #tpu.memory_space<vmem>>[vector<16xi32>], vector<16xf32>,
        %add3A_381 = arith.constant 16 : i32
        %add3A_382 = arith.addi %add3A_348, %add3A_381 : i32
        %get3A_383 = arith.index_cast %add3A_338 : i32 to index
        %get3A_384 = arith.index_cast %add3A_382 : i32 to index
        %get3A_385 = tpu.vector_load %arg5[%get3A_383, %get3A_384] {strides = array<i32>} : memref<16x512xf32, #tpu.memory_space<vmem>>, vector<16xf32>,
        %add3A_386 = arith.constant 16 : i32
        %add3A_387 = arith.addi %add3A_348, %add3A_386 : i32
        %get3A_388 = arith.index_cast %add3A_338 : i32 to index
        %get3A_389 = arith.index_cast %add3A_387 : i32 to index
        %get3A_390 = tpu.vector_load %arg7[%get3A_388, %get3A_389] {strides = array<i32>} : memref<16x512xf32, #tpu.memory_space<vmem>>, vector<16xf32>,
        %mul3A_391 = arith.constant 3.000000e+01 : f32
        %mul3A_392 = vector.broadcast %mul3A_391 : f32 to vector<16xf32>
        %mul3A_393 = arith.mulf %get3A_385, %mul3A_392 : vector<16xf32>
        %convert_element_type3A_394 = arith.fptosi %mul3A_393 : vector<16xf32> to vector<16xi32>
        %mul3A_395 = arith.constant 16 : i32
        %mul3A_396 = vector.broadcast %mul3A_395 : i32 to vector<16xi32>
        %mul3A_397 = arith.muli %convert_element_type3A_394, %mul3A_396 : vector<16xi32>
        %add3A_398 = arith.addi %mul3A_397, %iota3A : vector<16xi32>
        %gather3A_399 = tpu.vector_load_idx %arg10[%add3A_398] : memref<496xf32, #tpu.memory_space<vmem>>[vector<16xi32>], vector<16xf32>,
        %add3A_400 = arith.constant 16 : i32
        %add3A_401 = vector.broadcast %add3A_400 : i32 to vector<16xi32>
        %add3A_402 = arith.addi %add3A_398, %add3A_401 : vector<16xi32>
        %gather3A_403 = tpu.vector_load_idx %arg10[%add3A_402] : memref<496xf32, #tpu.memory_space<vmem>>[vector<16xi32>], vector<16xf32>,
        %gt3A_404 = arith.cmpf ogt, %get3A_385, %gather3A_399 : vector<16xf32>
        %convert_element_type3A_405 = arith.extui %gt3A_404 : vector<16xi1> to vector<16xi32>
        %gt3A_406 = arith.cmpf ogt, %get3A_385, %gather3A_403 : vector<16xf32>
        %convert_element_type3A_407 = arith.extui %gt3A_406 : vector<16xi1> to vector<16xi32>
        %add3A_408 = arith.addi %mul3A_8, %convert_element_type3A_394 : vector<16xi32>
        %add3A_409 = arith.addi %convert_element_type3A_405, %convert_element_type3A_407 : vector<16xi32>
        %add3A_410 = arith.constant 32 : i32
        %add3A_411 = vector.broadcast %add3A_410 : i32 to vector<16xi32>
        %add3A_412 = arith.addi %add3A_409, %add3A_411 : vector<16xi32>
        %add3A_413 = arith.addi %add3A_408, %add3A_412 : vector<16xi32>
        %add3A_414 = arith.constant 32 : i32
        %add3A_415 = vector.broadcast %add3A_414 : i32 to vector<16xi32>
        %add3A_416 = arith.addi %add3A_413, %add3A_415 : vector<16xi32>
        tpu.vector_store_idx %arg9[%add3A_408], %broadcast_in_dim3A_5 {add = true} : memref<2048xf32, #tpu.memory_space<vmem>>[vector<16xi32>], vector<16xf32>,
        tpu.vector_store_idx %arg9[%add3A_413], %broadcast_in_dim3A_5 {add = true} : memref<2048xf32, #tpu.memory_space<vmem>>[vector<16xi32>], vector<16xf32>,
        tpu.vector_store_idx %arg9[%add3A_416], %get3A_390 {add = true} : memref<2048xf32, #tpu.memory_space<vmem>>[vector<16xi32>], vector<16xf32>,
        %add3A_417 = arith.constant 32 : i32
        %add3A_418 = arith.addi %add3A_348, %add3A_417 : i32
        %get3A_419 = arith.index_cast %add3A_338 : i32 to index
        %get3A_420 = arith.index_cast %add3A_418 : i32 to index
        %get3A_421 = tpu.vector_load %arg5[%get3A_419, %get3A_420] {strides = array<i32>} : memref<16x512xf32, #tpu.memory_space<vmem>>, vector<16xf32>,
        %add3A_422 = arith.constant 32 : i32
        %add3A_423 = arith.addi %add3A_348, %add3A_422 : i32
        %get3A_424 = arith.index_cast %add3A_338 : i32 to index
        %get3A_425 = arith.index_cast %add3A_423 : i32 to index
        %get3A_426 = tpu.vector_load %arg7[%get3A_424, %get3A_425] {strides = array<i32>} : memref<16x512xf32, #tpu.memory_space<vmem>>, vector<16xf32>,
        %mul3A_427 = arith.constant 3.000000e+01 : f32
        %mul3A_428 = vector.broadcast %mul3A_427 : f32 to vector<16xf32>
        %mul3A_429 = arith.mulf %get3A_421, %mul3A_428 : vector<16xf32>
        %convert_element_type3A_430 = arith.fptosi %mul3A_429 : vector<16xf32> to vector<16xi32>
        %mul3A_431 = arith.constant 16 : i32
        %mul3A_432 = vector.broadcast %mul3A_431 : i32 to vector<16xi32>
        %mul3A_433 = arith.muli %convert_element_type3A_430, %mul3A_432 : vector<16xi32>
        %add3A_434 = arith.addi %mul3A_433, %iota3A : vector<16xi32>
        %gather3A_435 = tpu.vector_load_idx %arg10[%add3A_434] : memref<496xf32, #tpu.memory_space<vmem>>[vector<16xi32>], vector<16xf32>,
        %add3A_436 = arith.constant 16 : i32
        %add3A_437 = vector.broadcast %add3A_436 : i32 to vector<16xi32>
        %add3A_438 = arith.addi %add3A_434, %add3A_437 : vector<16xi32>
        %gather3A_439 = tpu.vector_load_idx %arg10[%add3A_438] : memref<496xf32, #tpu.memory_space<vmem>>[vector<16xi32>], vector<16xf32>,
        %gt3A_440 = arith.cmpf ogt, %get3A_421, %gather3A_435 : vector<16xf32>
        %convert_element_type3A_441 = arith.extui %gt3A_440 : vector<16xi1> to vector<16xi32>
        %gt3A_442 = arith.cmpf ogt, %get3A_421, %gather3A_439 : vector<16xf32>
        %convert_element_type3A_443 = arith.extui %gt3A_442 : vector<16xi1> to vector<16xi32>
        %add3A_444 = arith.addi %mul3A_8, %convert_element_type3A_430 : vector<16xi32>
        %add3A_445 = arith.addi %convert_element_type3A_441, %convert_element_type3A_443 : vector<16xi32>
        %add3A_446 = arith.constant 32 : i32
        %add3A_447 = vector.broadcast %add3A_446 : i32 to vector<16xi32>
        %add3A_448 = arith.addi %add3A_445, %add3A_447 : vector<16xi32>
        %add3A_449 = arith.addi %add3A_444, %add3A_448 : vector<16xi32>
        %add3A_450 = arith.constant 32 : i32
        %add3A_451 = vector.broadcast %add3A_450 : i32 to vector<16xi32>
        %add3A_452 = arith.addi %add3A_449, %add3A_451 : vector<16xi32>
        tpu.vector_store_idx %arg9[%add3A_444], %broadcast_in_dim3A_5 {add = true} : memref<2048xf32, #tpu.memory_space<vmem>>[vector<16xi32>], vector<16xf32>,
        tpu.vector_store_idx %arg9[%add3A_449], %broadcast_in_dim3A_5 {add = true} : memref<2048xf32, #tpu.memory_space<vmem>>[vector<16xi32>], vector<16xf32>,
        tpu.vector_store_idx %arg9[%add3A_452], %get3A_426 {add = true} : memref<2048xf32, #tpu.memory_space<vmem>>[vector<16xi32>], vector<16xf32>,
        %add3A_453 = arith.constant 48 : i32
        %add3A_454 = arith.addi %add3A_348, %add3A_453 : i32
        %get3A_455 = arith.index_cast %add3A_338 : i32 to index
        %get3A_456 = arith.index_cast %add3A_454 : i32 to index
        %get3A_457 = tpu.vector_load %arg5[%get3A_455, %get3A_456] {strides = array<i32>} : memref<16x512xf32, #tpu.memory_space<vmem>>, vector<16xf32>,
        %add3A_458 = arith.constant 48 : i32
        %add3A_459 = arith.addi %add3A_348, %add3A_458 : i32
        %get3A_460 = arith.index_cast %add3A_338 : i32 to index
        %get3A_461 = arith.index_cast %add3A_459 : i32 to index
        %get3A_462 = tpu.vector_load %arg7[%get3A_460, %get3A_461] {strides = array<i32>} : memref<16x512xf32, #tpu.memory_space<vmem>>, vector<16xf32>,
        %mul3A_463 = arith.constant 3.000000e+01 : f32
        %mul3A_464 = vector.broadcast %mul3A_463 : f32 to vector<16xf32>
        %mul3A_465 = arith.mulf %get3A_457, %mul3A_464 : vector<16xf32>
        %convert_element_type3A_466 = arith.fptosi %mul3A_465 : vector<16xf32> to vector<16xi32>
        %mul3A_467 = arith.constant 16 : i32
        %mul3A_468 = vector.broadcast %mul3A_467 : i32 to vector<16xi32>
        %mul3A_469 = arith.muli %convert_element_type3A_466, %mul3A_468 : vector<16xi32>
        %add3A_470 = arith.addi %mul3A_469, %iota3A : vector<16xi32>
        %gather3A_471 = tpu.vector_load_idx %arg10[%add3A_470] : memref<496xf32, #tpu.memory_space<vmem>>[vector<16xi32>], vector<16xf32>,
        %add3A_472 = arith.constant 16 : i32
        %add3A_473 = vector.broadcast %add3A_472 : i32 to vector<16xi32>
        %add3A_474 = arith.addi %add3A_470, %add3A_473 : vector<16xi32>
        %gather3A_475 = tpu.vector_load_idx %arg10[%add3A_474] : memref<496xf32, #tpu.memory_space<vmem>>[vector<16xi32>], vector<16xf32>,
        %gt3A_476 = arith.cmpf ogt, %get3A_457, %gather3A_471 : vector<16xf32>
        %convert_element_type3A_477 = arith.extui %gt3A_476 : vector<16xi1> to vector<16xi32>
        %gt3A_478 = arith.cmpf ogt, %get3A_457, %gather3A_475 : vector<16xf32>
        %convert_element_type3A_479 = arith.extui %gt3A_478 : vector<16xi1> to vector<16xi32>
        %add3A_480 = arith.addi %mul3A_8, %convert_element_type3A_466 : vector<16xi32>
        %add3A_481 = arith.addi %convert_element_type3A_477, %convert_element_type3A_479 : vector<16xi32>
        %add3A_482 = arith.constant 32 : i32
        %add3A_483 = vector.broadcast %add3A_482 : i32 to vector<16xi32>
        %add3A_484 = arith.addi %add3A_481, %add3A_483 : vector<16xi32>
        %add3A_485 = arith.addi %add3A_480, %add3A_484 : vector<16xi32>
        %add3A_486 = arith.constant 32 : i32
        %add3A_487 = vector.broadcast %add3A_486 : i32 to vector<16xi32>
        %add3A_488 = arith.addi %add3A_485, %add3A_487 : vector<16xi32>
        tpu.vector_store_idx %arg9[%add3A_480], %broadcast_in_dim3A_5 {add = true} : memref<2048xf32, #tpu.memory_space<vmem>>[vector<16xi32>], vector<16xf32>,
        tpu.vector_store_idx %arg9[%add3A_485], %broadcast_in_dim3A_5 {add = true} : memref<2048xf32, #tpu.memory_space<vmem>>[vector<16xi32>], vector<16xf32>,
        tpu.vector_store_idx %arg9[%add3A_488], %get3A_462 {add = true} : memref<2048xf32, #tpu.memory_space<vmem>>[vector<16xi32>], vector<16xf32>,
      }
      %scan3A_343 = arith.constant 8 : i32
    }
    %scan3A_168 = arith.constant 16 : i32
    %add3A_169 = arith.constant 16 : i32
    %add3A_170 = arith.addi %mul3A_2, %add3A_169 : i32
    %dma_wait3A_171 = arith.constant 0 : i32
    %dma_wait3A_172 = tpu.memref_slice %arg2[%add3A_170, %dma_wait3A_171] : memref<4096x512xf32, #tpu.memory_space<hbm>> -> memref<16x512xf32, #tpu.memory_space<hbm>>
    %dma_wait3A_173 = arith.constant 0 : i32
    %dma_wait3A_174 = tpu.memref_slice %arg2[%add3A_170, %dma_wait3A_173] : memref<4096x512xf32, #tpu.memory_space<hbm>> -> memref<16x512xf32, #tpu.memory_space<hbm>>
    tpu.wait_dma2 semaphore(%arg12 : memref<!tpu.dma_semaphore, #tpu.memory_space<semaphore_mem>>) src(%dma_wait3A_174 : memref<16x512xf32, #tpu.memory_space<hbm>>) dst(%arg6 : memref<16x512xf32, #tpu.memory_space<vmem>>)
    %dma_wait3A_175 = arith.constant 0 : i32
    %dma_wait3A_176 = tpu.memref_slice %arg3[%add3A_170, %dma_wait3A_175] : memref<4096x512xf32, #tpu.memory_space<hbm>> -> memref<16x512xf32, #tpu.memory_space<hbm>>
    %dma_wait3A_177 = arith.constant 0 : i32
    %dma_wait3A_178 = tpu.memref_slice %arg3[%add3A_170, %dma_wait3A_177] : memref<4096x512xf32, #tpu.memory_space<hbm>> -> memref<16x512xf32, #tpu.memory_space<hbm>>
    tpu.wait_dma2 semaphore(%arg14 : memref<!tpu.dma_semaphore, #tpu.memory_space<semaphore_mem>>) src(%dma_wait3A_178 : memref<16x512xf32, #tpu.memory_space<hbm>>) dst(%arg8 : memref<16x512xf32, #tpu.memory_space<vmem>>)
    %add3A_179 = arith.constant 32 : i32
    %add3A_180 = arith.addi %mul3A_2, %add3A_179 : i32
    %dma_start3A_181 = arith.constant 0 : i32
    %dma_start3A_182 = tpu.memref_slice %arg2[%add3A_180, %dma_start3A_181] : memref<4096x512xf32, #tpu.memory_space<hbm>> -> memref<16x512xf32, #tpu.memory_space<hbm>>
    %dma_start3A_183 = arith.constant 0 : i32
    %dma_start3A_184 = tpu.memref_slice %arg2[%add3A_180, %dma_start3A_183] : memref<4096x512xf32, #tpu.memory_space<hbm>> -> memref<16x512xf32, #tpu.memory_space<hbm>>
    tpu.enqueue_dma source(%dma_start3A_184 : memref<16x512xf32, #tpu.memory_space<hbm>>) target(%arg5 : memref<16x512xf32, #tpu.memory_space<vmem>>) target_semaphore(%arg11 : memref<!tpu.dma_semaphore, #tpu.memory_space<semaphore_mem>>)
    %dma_start3A_185 = arith.constant 0 : i32
    %dma_start3A_186 = tpu.memref_slice %arg3[%add3A_180, %dma_start3A_185] : memref<4096x512xf32, #tpu.memory_space<hbm>> -> memref<16x512xf32, #tpu.memory_space<hbm>>
    %dma_start3A_187 = arith.constant 0 : i32
    %dma_start3A_188 = tpu.memref_slice %arg3[%add3A_180, %dma_start3A_187] : memref<4096x512xf32, #tpu.memory_space<hbm>> -> memref<16x512xf32, #tpu.memory_space<hbm>>
    tpu.enqueue_dma source(%dma_start3A_188 : memref<16x512xf32, #tpu.memory_space<hbm>>) target(%arg7 : memref<16x512xf32, #tpu.memory_space<vmem>>) target_semaphore(%arg13 : memref<!tpu.dma_semaphore, #tpu.memory_space<semaphore_mem>>)
    %scan3A_189 = arith.constant 0 : i32
    %scan3A_190 = arith.constant 16 : i32
    %scan3A_191 = arith.addi %scan3A_189, %scan3A_190 : i32
    %scan3A_192 = arith.constant 1 : i32
    scf.for %scan3A_334 = %scan3A_189 to %scan3A_191 step %scan3A_192  : i32 {
      %mul3A_335 = arith.constant 1 : i32
      %mul3A_336 = arith.muli %scan3A_334, %mul3A_335 : i32
      %add3A_337 = arith.constant 0 : i32
      %add3A_338 = arith.addi %add3A_337, %mul3A_336 : i32
      %scan3A_339 = arith.constant 0 : i32
      %scan3A_340 = arith.constant 8 : i32
      %scan3A_341 = arith.addi %scan3A_339, %scan3A_340 : i32
      %scan3A_342 = arith.constant 1 : i32
      scf.for %scan3A_344 = %scan3A_339 to %scan3A_341 step %scan3A_342  : i32 {
        %mul3A_345 = arith.constant 64 : i32
        %mul3A_346 = arith.muli %scan3A_344, %mul3A_345 : i32
        %add3A_347 = arith.constant 0 : i32
        %add3A_348 = arith.addi %add3A_347, %mul3A_346 : i32
        %add3A_349 = arith.constant 0 : i32
        %add3A_350 = arith.addi %add3A_348, %add3A_349 : i32
        %get3A = arith.index_cast %add3A_338 : i32 to index
        %get3A_351 = arith.index_cast %add3A_350 : i32 to index
        %get3A_352 = tpu.vector_load %arg6[%get3A, %get3A_351] {strides = array<i32>} : memref<16x512xf32, #tpu.memory_space<vmem>>, vector<16xf32>,
        %add3A_353 = arith.constant 0 : i32
        %add3A_354 = arith.addi %add3A_348, %add3A_353 : i32
        %get3A_355 = arith.index_cast %add3A_338 : i32 to index
        %get3A_356 = arith.index_cast %add3A_354 : i32 to index
        %get3A_357 = tpu.vector_load %arg8[%get3A_355, %get3A_356] {strides = array<i32>} : memref<16x512xf32, #tpu.memory_space<vmem>>, vector<16xf32>,
        %mul3A_358 = arith.constant 3.000000e+01 : f32
        %mul3A_359 = vector.broadcast %mul3A_358 : f32 to vector<16xf32>
        %mul3A_360 = arith.mulf %get3A_352, %mul3A_359 : vector<16xf32>
        %convert_element_type3A = arith.fptosi %mul3A_360 : vector<16xf32> to vector<16xi32>
        %mul3A_361 = arith.constant 16 : i32
        %mul3A_362 = vector.broadcast %mul3A_361 : i32 to vector<16xi32>
        %mul3A_363 = arith.muli %convert_element_type3A, %mul3A_362 : vector<16xi32>
        %add3A_364 = arith.addi %mul3A_363, %iota3A : vector<16xi32>
        %gather3A = tpu.vector_load_idx %arg10[%add3A_364] : memref<496xf32, #tpu.memory_space<vmem>>[vector<16xi32>], vector<16xf32>,
        %add3A_365 = arith.constant 16 : i32
        %add3A_366 = vector.broadcast %add3A_365 : i32 to vector<16xi32>
        %add3A_367 = arith.addi %add3A_364, %add3A_366 : vector<16xi32>
        %gather3A_368 = tpu.vector_load_idx %arg10[%add3A_367] : memref<496xf32, #tpu.memory_space<vmem>>[vector<16xi32>], vector<16xf32>,
        %gt3A = arith.cmpf ogt, %get3A_352, %gather3A : vector<16xf32>
        %convert_element_type3A_369 = arith.extui %gt3A : vector<16xi1> to vector<16xi32>
        %gt3A_370 = arith.cmpf ogt, %get3A_352, %gather3A_368 : vector<16xf32>
        %convert_element_type3A_371 = arith.extui %gt3A_370 : vector<16xi1> to vector<16xi32>
        %add3A_372 = arith.addi %mul3A_8, %convert_element_type3A : vector<16xi32>
        %add3A_373 = arith.addi %convert_element_type3A_369, %convert_element_type3A_371 : vector<16xi32>
        %add3A_374 = arith.constant 32 : i32
        %add3A_375 = vector.broadcast %add3A_374 : i32 to vector<16xi32>
        %add3A_376 = arith.addi %add3A_373, %add3A_375 : vector<16xi32>
        %add3A_377 = arith.addi %add3A_372, %add3A_376 : vector<16xi32>
        %add3A_378 = arith.constant 32 : i32
        %add3A_379 = vector.broadcast %add3A_378 : i32 to vector<16xi32>
        %add3A_380 = arith.addi %add3A_377, %add3A_379 : vector<16xi32>
        tpu.vector_store_idx %arg9[%add3A_372], %broadcast_in_dim3A_5 {add = true} : memref<2048xf32, #tpu.memory_space<vmem>>[vector<16xi32>], vector<16xf32>,
        tpu.vector_store_idx %arg9[%add3A_377], %broadcast_in_dim3A_5 {add = true} : memref<2048xf32, #tpu.memory_space<vmem>>[vector<16xi32>], vector<16xf32>,
        tpu.vector_store_idx %arg9[%add3A_380], %get3A_357 {add = true} : memref<2048xf32, #tpu.memory_space<vmem>>[vector<16xi32>], vector<16xf32>,
        %add3A_381 = arith.constant 16 : i32
        %add3A_382 = arith.addi %add3A_348, %add3A_381 : i32
        %get3A_383 = arith.index_cast %add3A_338 : i32 to index
        %get3A_384 = arith.index_cast %add3A_382 : i32 to index
        %get3A_385 = tpu.vector_load %arg6[%get3A_383, %get3A_384] {strides = array<i32>} : memref<16x512xf32, #tpu.memory_space<vmem>>, vector<16xf32>,
        %add3A_386 = arith.constant 16 : i32
        %add3A_387 = arith.addi %add3A_348, %add3A_386 : i32
        %get3A_388 = arith.index_cast %add3A_338 : i32 to index
        %get3A_389 = arith.index_cast %add3A_387 : i32 to index
        %get3A_390 = tpu.vector_load %arg8[%get3A_388, %get3A_389] {strides = array<i32>} : memref<16x512xf32, #tpu.memory_space<vmem>>, vector<16xf32>,
        %mul3A_391 = arith.constant 3.000000e+01 : f32
        %mul3A_392 = vector.broadcast %mul3A_391 : f32 to vector<16xf32>
        %mul3A_393 = arith.mulf %get3A_385, %mul3A_392 : vector<16xf32>
        %convert_element_type3A_394 = arith.fptosi %mul3A_393 : vector<16xf32> to vector<16xi32>
        %mul3A_395 = arith.constant 16 : i32
        %mul3A_396 = vector.broadcast %mul3A_395 : i32 to vector<16xi32>
        %mul3A_397 = arith.muli %convert_element_type3A_394, %mul3A_396 : vector<16xi32>
        %add3A_398 = arith.addi %mul3A_397, %iota3A : vector<16xi32>
        %gather3A_399 = tpu.vector_load_idx %arg10[%add3A_398] : memref<496xf32, #tpu.memory_space<vmem>>[vector<16xi32>], vector<16xf32>,
        %add3A_400 = arith.constant 16 : i32
        %add3A_401 = vector.broadcast %add3A_400 : i32 to vector<16xi32>
        %add3A_402 = arith.addi %add3A_398, %add3A_401 : vector<16xi32>
        %gather3A_403 = tpu.vector_load_idx %arg10[%add3A_402] : memref<496xf32, #tpu.memory_space<vmem>>[vector<16xi32>], vector<16xf32>,
        %gt3A_404 = arith.cmpf ogt, %get3A_385, %gather3A_399 : vector<16xf32>
        %convert_element_type3A_405 = arith.extui %gt3A_404 : vector<16xi1> to vector<16xi32>
        %gt3A_406 = arith.cmpf ogt, %get3A_385, %gather3A_403 : vector<16xf32>
        %convert_element_type3A_407 = arith.extui %gt3A_406 : vector<16xi1> to vector<16xi32>
        %add3A_408 = arith.addi %mul3A_8, %convert_element_type3A_394 : vector<16xi32>
        %add3A_409 = arith.addi %convert_element_type3A_405, %convert_element_type3A_407 : vector<16xi32>
        %add3A_410 = arith.constant 32 : i32
        %add3A_411 = vector.broadcast %add3A_410 : i32 to vector<16xi32>
        %add3A_412 = arith.addi %add3A_409, %add3A_411 : vector<16xi32>
        %add3A_413 = arith.addi %add3A_408, %add3A_412 : vector<16xi32>
        %add3A_414 = arith.constant 32 : i32
        %add3A_415 = vector.broadcast %add3A_414 : i32 to vector<16xi32>
        %add3A_416 = arith.addi %add3A_413, %add3A_415 : vector<16xi32>
        tpu.vector_store_idx %arg9[%add3A_408], %broadcast_in_dim3A_5 {add = true} : memref<2048xf32, #tpu.memory_space<vmem>>[vector<16xi32>], vector<16xf32>,
        tpu.vector_store_idx %arg9[%add3A_413], %broadcast_in_dim3A_5 {add = true} : memref<2048xf32, #tpu.memory_space<vmem>>[vector<16xi32>], vector<16xf32>,
        tpu.vector_store_idx %arg9[%add3A_416], %get3A_390 {add = true} : memref<2048xf32, #tpu.memory_space<vmem>>[vector<16xi32>], vector<16xf32>,
        %add3A_417 = arith.constant 32 : i32
        %add3A_418 = arith.addi %add3A_348, %add3A_417 : i32
        %get3A_419 = arith.index_cast %add3A_338 : i32 to index
        %get3A_420 = arith.index_cast %add3A_418 : i32 to index
        %get3A_421 = tpu.vector_load %arg6[%get3A_419, %get3A_420] {strides = array<i32>} : memref<16x512xf32, #tpu.memory_space<vmem>>, vector<16xf32>,
        %add3A_422 = arith.constant 32 : i32
        %add3A_423 = arith.addi %add3A_348, %add3A_422 : i32
        %get3A_424 = arith.index_cast %add3A_338 : i32 to index
        %get3A_425 = arith.index_cast %add3A_423 : i32 to index
        %get3A_426 = tpu.vector_load %arg8[%get3A_424, %get3A_425] {strides = array<i32>} : memref<16x512xf32, #tpu.memory_space<vmem>>, vector<16xf32>,
        %mul3A_427 = arith.constant 3.000000e+01 : f32
        %mul3A_428 = vector.broadcast %mul3A_427 : f32 to vector<16xf32>
        %mul3A_429 = arith.mulf %get3A_421, %mul3A_428 : vector<16xf32>
        %convert_element_type3A_430 = arith.fptosi %mul3A_429 : vector<16xf32> to vector<16xi32>
        %mul3A_431 = arith.constant 16 : i32
        %mul3A_432 = vector.broadcast %mul3A_431 : i32 to vector<16xi32>
        %mul3A_433 = arith.muli %convert_element_type3A_430, %mul3A_432 : vector<16xi32>
        %add3A_434 = arith.addi %mul3A_433, %iota3A : vector<16xi32>
        %gather3A_435 = tpu.vector_load_idx %arg10[%add3A_434] : memref<496xf32, #tpu.memory_space<vmem>>[vector<16xi32>], vector<16xf32>,
        %add3A_436 = arith.constant 16 : i32
        %add3A_437 = vector.broadcast %add3A_436 : i32 to vector<16xi32>
        %add3A_438 = arith.addi %add3A_434, %add3A_437 : vector<16xi32>
        %gather3A_439 = tpu.vector_load_idx %arg10[%add3A_438] : memref<496xf32, #tpu.memory_space<vmem>>[vector<16xi32>], vector<16xf32>,
        %gt3A_440 = arith.cmpf ogt, %get3A_421, %gather3A_435 : vector<16xf32>
        %convert_element_type3A_441 = arith.extui %gt3A_440 : vector<16xi1> to vector<16xi32>
        %gt3A_442 = arith.cmpf ogt, %get3A_421, %gather3A_439 : vector<16xf32>
        %convert_element_type3A_443 = arith.extui %gt3A_442 : vector<16xi1> to vector<16xi32>
        %add3A_444 = arith.addi %mul3A_8, %convert_element_type3A_430 : vector<16xi32>
        %add3A_445 = arith.addi %convert_element_type3A_441, %convert_element_type3A_443 : vector<16xi32>
        %add3A_446 = arith.constant 32 : i32
        %add3A_447 = vector.broadcast %add3A_446 : i32 to vector<16xi32>
        %add3A_448 = arith.addi %add3A_445, %add3A_447 : vector<16xi32>
        %add3A_449 = arith.addi %add3A_444, %add3A_448 : vector<16xi32>
        %add3A_450 = arith.constant 32 : i32
        %add3A_451 = vector.broadcast %add3A_450 : i32 to vector<16xi32>
        %add3A_452 = arith.addi %add3A_449, %add3A_451 : vector<16xi32>
        tpu.vector_store_idx %arg9[%add3A_444], %broadcast_in_dim3A_5 {add = true} : memref<2048xf32, #tpu.memory_space<vmem>>[vector<16xi32>], vector<16xf32>,
        tpu.vector_store_idx %arg9[%add3A_449], %broadcast_in_dim3A_5 {add = true} : memref<2048xf32, #tpu.memory_space<vmem>>[vector<16xi32>], vector<16xf32>,
        tpu.vector_store_idx %arg9[%add3A_452], %get3A_426 {add = true} : memref<2048xf32, #tpu.memory_space<vmem>>[vector<16xi32>], vector<16xf32>,
        %add3A_453 = arith.constant 48 : i32
        %add3A_454 = arith.addi %add3A_348, %add3A_453 : i32
        %get3A_455 = arith.index_cast %add3A_338 : i32 to index
        %get3A_456 = arith.index_cast %add3A_454 : i32 to index
        %get3A_457 = tpu.vector_load %arg6[%get3A_455, %get3A_456] {strides = array<i32>} : memref<16x512xf32, #tpu.memory_space<vmem>>, vector<16xf32>,
        %add3A_458 = arith.constant 48 : i32
        %add3A_459 = arith.addi %add3A_348, %add3A_458 : i32
        %get3A_460 = arith.index_cast %add3A_338 : i32 to index
        %get3A_461 = arith.index_cast %add3A_459 : i32 to index
        %get3A_462 = tpu.vector_load %arg8[%get3A_460, %get3A_461] {strides = array<i32>} : memref<16x512xf32, #tpu.memory_space<vmem>>, vector<16xf32>,
        %mul3A_463 = arith.constant 3.000000e+01 : f32
        %mul3A_464 = vector.broadcast %mul3A_463 : f32 to vector<16xf32>
        %mul3A_465 = arith.mulf %get3A_457, %mul3A_464 : vector<16xf32>
        %convert_element_type3A_466 = arith.fptosi %mul3A_465 : vector<16xf32> to vector<16xi32>
        %mul3A_467 = arith.constant 16 : i32
        %mul3A_468 = vector.broadcast %mul3A_467 : i32 to vector<16xi32>
        %mul3A_469 = arith.muli %convert_element_type3A_466, %mul3A_468 : vector<16xi32>
        %add3A_470 = arith.addi %mul3A_469, %iota3A : vector<16xi32>
        %gather3A_471 = tpu.vector_load_idx %arg10[%add3A_470] : memref<496xf32, #tpu.memory_space<vmem>>[vector<16xi32>], vector<16xf32>,
        %add3A_472 = arith.constant 16 : i32
        %add3A_473 = vector.broadcast %add3A_472 : i32 to vector<16xi32>
        %add3A_474 = arith.addi %add3A_470, %add3A_473 : vector<16xi32>
        %gather3A_475 = tpu.vector_load_idx %arg10[%add3A_474] : memref<496xf32, #tpu.memory_space<vmem>>[vector<16xi32>], vector<16xf32>,
        %gt3A_476 = arith.cmpf ogt, %get3A_457, %gather3A_471 : vector<16xf32>
        %convert_element_type3A_477 = arith.extui %gt3A_476 : vector<16xi1> to vector<16xi32>
        %gt3A_478 = arith.cmpf ogt, %get3A_457, %gather3A_475 : vector<16xf32>
        %convert_element_type3A_479 = arith.extui %gt3A_478 : vector<16xi1> to vector<16xi32>
        %add3A_480 = arith.addi %mul3A_8, %convert_element_type3A_466 : vector<16xi32>
        %add3A_481 = arith.addi %convert_element_type3A_477, %convert_element_type3A_479 : vector<16xi32>
        %add3A_482 = arith.constant 32 : i32
        %add3A_483 = vector.broadcast %add3A_482 : i32 to vector<16xi32>
        %add3A_484 = arith.addi %add3A_481, %add3A_483 : vector<16xi32>
        %add3A_485 = arith.addi %add3A_480, %add3A_484 : vector<16xi32>
        %add3A_486 = arith.constant 32 : i32
        %add3A_487 = vector.broadcast %add3A_486 : i32 to vector<16xi32>
        %add3A_488 = arith.addi %add3A_485, %add3A_487 : vector<16xi32>
        tpu.vector_store_idx %arg9[%add3A_480], %broadcast_in_dim3A_5 {add = true} : memref<2048xf32, #tpu.memory_space<vmem>>[vector<16xi32>], vector<16xf32>,
        tpu.vector_store_idx %arg9[%add3A_485], %broadcast_in_dim3A_5 {add = true} : memref<2048xf32, #tpu.memory_space<vmem>>[vector<16xi32>], vector<16xf32>,
        tpu.vector_store_idx %arg9[%add3A_488], %get3A_462 {add = true} : memref<2048xf32, #tpu.memory_space<vmem>>[vector<16xi32>], vector<16xf32>,
      }
      %scan3A_343 = arith.constant 8 : i32
    }
    %scan3A_193 = arith.constant 16 : i32
    %add3A_194 = arith.constant 32 : i32
    %add3A_195 = arith.addi %mul3A_2, %add3A_194 : i32
    %dma_wait3A_196 = arith.constant 0 : i32
    %dma_wait3A_197 = tpu.memref_slice %arg2[%add3A_195, %dma_wait3A_196] : memref<4096x512xf32, #tpu.memory_space<hbm>> -> memref<16x512xf32, #tpu.memory_space<hbm>>
    %dma_wait3A_198 = arith.constant 0 : i32
    %dma_wait3A_199 = tpu.memref_slice %arg2[%add3A_195, %dma_wait3A_198] : memref<4096x512xf32, #tpu.memory_space<hbm>> -> memref<16x512xf32, #tpu.memory_space<hbm>>
    tpu.wait_dma2 semaphore(%arg11 : memref<!tpu.dma_semaphore, #tpu.memory_space<semaphore_mem>>) src(%dma_wait3A_199 : memref<16x512xf32, #tpu.memory_space<hbm>>) dst(%arg5 : memref<16x512xf32, #tpu.memory_space<vmem>>)
    %dma_wait3A_200 = arith.constant 0 : i32
    %dma_wait3A_201 = tpu.memref_slice %arg3[%add3A_195, %dma_wait3A_200] : memref<4096x512xf32, #tpu.memory_space<hbm>> -> memref<16x512xf32, #tpu.memory_space<hbm>>
    %dma_wait3A_202 = arith.constant 0 : i32
    %dma_wait3A_203 = tpu.memref_slice %arg3[%add3A_195, %dma_wait3A_202] : memref<4096x512xf32, #tpu.memory_space<hbm>> -> memref<16x512xf32, #tpu.memory_space<hbm>>
    tpu.wait_dma2 semaphore(%arg13 : memref<!tpu.dma_semaphore, #tpu.memory_space<semaphore_mem>>) src(%dma_wait3A_203 : memref<16x512xf32, #tpu.memory_space<hbm>>) dst(%arg7 : memref<16x512xf32, #tpu.memory_space<vmem>>)
    %add3A_204 = arith.constant 48 : i32
    %add3A_205 = arith.addi %mul3A_2, %add3A_204 : i32
    %dma_start3A_206 = arith.constant 0 : i32
    %dma_start3A_207 = tpu.memref_slice %arg2[%add3A_205, %dma_start3A_206] : memref<4096x512xf32, #tpu.memory_space<hbm>> -> memref<16x512xf32, #tpu.memory_space<hbm>>
    %dma_start3A_208 = arith.constant 0 : i32
    %dma_start3A_209 = tpu.memref_slice %arg2[%add3A_205, %dma_start3A_208] : memref<4096x512xf32, #tpu.memory_space<hbm>> -> memref<16x512xf32, #tpu.memory_space<hbm>>
    tpu.enqueue_dma source(%dma_start3A_209 : memref<16x512xf32, #tpu.memory_space<hbm>>) target(%arg6 : memref<16x512xf32, #tpu.memory_space<vmem>>) target_semaphore(%arg12 : memref<!tpu.dma_semaphore, #tpu.memory_space<semaphore_mem>>)
    %dma_start3A_210 = arith.constant 0 : i32
    %dma_start3A_211 = tpu.memref_slice %arg3[%add3A_205, %dma_start3A_210] : memref<4096x512xf32, #tpu.memory_space<hbm>> -> memref<16x512xf32, #tpu.memory_space<hbm>>
    %dma_start3A_212 = arith.constant 0 : i32
    %dma_start3A_213 = tpu.memref_slice %arg3[%add3A_205, %dma_start3A_212] : memref<4096x512xf32, #tpu.memory_space<hbm>> -> memref<16x512xf32, #tpu.memory_space<hbm>>
    tpu.enqueue_dma source(%dma_start3A_213 : memref<16x512xf32, #tpu.memory_space<hbm>>) target(%arg8 : memref<16x512xf32, #tpu.memory_space<vmem>>) target_semaphore(%arg14 : memref<!tpu.dma_semaphore, #tpu.memory_space<semaphore_mem>>)
    %scan3A_214 = arith.constant 0 : i32
    %scan3A_215 = arith.constant 16 : i32
    %scan3A_216 = arith.addi %scan3A_214, %scan3A_215 : i32
    %scan3A_217 = arith.constant 1 : i32
    scf.for %scan3A_334 = %scan3A_214 to %scan3A_216 step %scan3A_217  : i32 {
      %mul3A_335 = arith.constant 1 : i32
      %mul3A_336 = arith.muli %scan3A_334, %mul3A_335 : i32
      %add3A_337 = arith.constant 0 : i32
      %add3A_338 = arith.addi %add3A_337, %mul3A_336 : i32
      %scan3A_339 = arith.constant 0 : i32
      %scan3A_340 = arith.constant 8 : i32
      %scan3A_341 = arith.addi %scan3A_339, %scan3A_340 : i32
      %scan3A_342 = arith.constant 1 : i32
      scf.for %scan3A_344 = %scan3A_339 to %scan3A_341 step %scan3A_342  : i32 {
        %mul3A_345 = arith.constant 64 : i32
        %mul3A_346 = arith.muli %scan3A_344, %mul3A_345 : i32
        %add3A_347 = arith.constant 0 : i32
        %add3A_348 = arith.addi %add3A_347, %mul3A_346 : i32
        %add3A_349 = arith.constant 0 : i32
        %add3A_350 = arith.addi %add3A_348, %add3A_349 : i32
        %get3A = arith.index_cast %add3A_338 : i32 to index
        %get3A_351 = arith.index_cast %add3A_350 : i32 to index
        %get3A_352 = tpu.vector_load %arg5[%get3A, %get3A_351] {strides = array<i32>} : memref<16x512xf32, #tpu.memory_space<vmem>>, vector<16xf32>,
        %add3A_353 = arith.constant 0 : i32
        %add3A_354 = arith.addi %add3A_348, %add3A_353 : i32
        %get3A_355 = arith.index_cast %add3A_338 : i32 to index
        %get3A_356 = arith.index_cast %add3A_354 : i32 to index
        %get3A_357 = tpu.vector_load %arg7[%get3A_355, %get3A_356] {strides = array<i32>} : memref<16x512xf32, #tpu.memory_space<vmem>>, vector<16xf32>,
        %mul3A_358 = arith.constant 3.000000e+01 : f32
        %mul3A_359 = vector.broadcast %mul3A_358 : f32 to vector<16xf32>
        %mul3A_360 = arith.mulf %get3A_352, %mul3A_359 : vector<16xf32>
        %convert_element_type3A = arith.fptosi %mul3A_360 : vector<16xf32> to vector<16xi32>
        %mul3A_361 = arith.constant 16 : i32
        %mul3A_362 = vector.broadcast %mul3A_361 : i32 to vector<16xi32>
        %mul3A_363 = arith.muli %convert_element_type3A, %mul3A_362 : vector<16xi32>
        %add3A_364 = arith.addi %mul3A_363, %iota3A : vector<16xi32>
        %gather3A = tpu.vector_load_idx %arg10[%add3A_364] : memref<496xf32, #tpu.memory_space<vmem>>[vector<16xi32>], vector<16xf32>,
        %add3A_365 = arith.constant 16 : i32
        %add3A_366 = vector.broadcast %add3A_365 : i32 to vector<16xi32>
        %add3A_367 = arith.addi %add3A_364, %add3A_366 : vector<16xi32>
        %gather3A_368 = tpu.vector_load_idx %arg10[%add3A_367] : memref<496xf32, #tpu.memory_space<vmem>>[vector<16xi32>], vector<16xf32>,
        %gt3A = arith.cmpf ogt, %get3A_352, %gather3A : vector<16xf32>
        %convert_element_type3A_369 = arith.extui %gt3A : vector<16xi1> to vector<16xi32>
        %gt3A_370 = arith.cmpf ogt, %get3A_352, %gather3A_368 : vector<16xf32>
        %convert_element_type3A_371 = arith.extui %gt3A_370 : vector<16xi1> to vector<16xi32>
        %add3A_372 = arith.addi %mul3A_8, %convert_element_type3A : vector<16xi32>
        %add3A_373 = arith.addi %convert_element_type3A_369, %convert_element_type3A_371 : vector<16xi32>
        %add3A_374 = arith.constant 32 : i32
        %add3A_375 = vector.broadcast %add3A_374 : i32 to vector<16xi32>
        %add3A_376 = arith.addi %add3A_373, %add3A_375 : vector<16xi32>
        %add3A_377 = arith.addi %add3A_372, %add3A_376 : vector<16xi32>
        %add3A_378 = arith.constant 32 : i32
        %add3A_379 = vector.broadcast %add3A_378 : i32 to vector<16xi32>
        %add3A_380 = arith.addi %add3A_377, %add3A_379 : vector<16xi32>
        tpu.vector_store_idx %arg9[%add3A_372], %broadcast_in_dim3A_5 {add = true} : memref<2048xf32, #tpu.memory_space<vmem>>[vector<16xi32>], vector<16xf32>,
        tpu.vector_store_idx %arg9[%add3A_377], %broadcast_in_dim3A_5 {add = true} : memref<2048xf32, #tpu.memory_space<vmem>>[vector<16xi32>], vector<16xf32>,
        tpu.vector_store_idx %arg9[%add3A_380], %get3A_357 {add = true} : memref<2048xf32, #tpu.memory_space<vmem>>[vector<16xi32>], vector<16xf32>,
        %add3A_381 = arith.constant 16 : i32
        %add3A_382 = arith.addi %add3A_348, %add3A_381 : i32
        %get3A_383 = arith.index_cast %add3A_338 : i32 to index
        %get3A_384 = arith.index_cast %add3A_382 : i32 to index
        %get3A_385 = tpu.vector_load %arg5[%get3A_383, %get3A_384] {strides = array<i32>} : memref<16x512xf32, #tpu.memory_space<vmem>>, vector<16xf32>,
        %add3A_386 = arith.constant 16 : i32
        %add3A_387 = arith.addi %add3A_348, %add3A_386 : i32
        %get3A_388 = arith.index_cast %add3A_338 : i32 to index
        %get3A_389 = arith.index_cast %add3A_387 : i32 to index
        %get3A_390 = tpu.vector_load %arg7[%get3A_388, %get3A_389] {strides = array<i32>} : memref<16x512xf32, #tpu.memory_space<vmem>>, vector<16xf32>,
        %mul3A_391 = arith.constant 3.000000e+01 : f32
        %mul3A_392 = vector.broadcast %mul3A_391 : f32 to vector<16xf32>
        %mul3A_393 = arith.mulf %get3A_385, %mul3A_392 : vector<16xf32>
        %convert_element_type3A_394 = arith.fptosi %mul3A_393 : vector<16xf32> to vector<16xi32>
        %mul3A_395 = arith.constant 16 : i32
        %mul3A_396 = vector.broadcast %mul3A_395 : i32 to vector<16xi32>
        %mul3A_397 = arith.muli %convert_element_type3A_394, %mul3A_396 : vector<16xi32>
        %add3A_398 = arith.addi %mul3A_397, %iota3A : vector<16xi32>
        %gather3A_399 = tpu.vector_load_idx %arg10[%add3A_398] : memref<496xf32, #tpu.memory_space<vmem>>[vector<16xi32>], vector<16xf32>,
        %add3A_400 = arith.constant 16 : i32
        %add3A_401 = vector.broadcast %add3A_400 : i32 to vector<16xi32>
        %add3A_402 = arith.addi %add3A_398, %add3A_401 : vector<16xi32>
        %gather3A_403 = tpu.vector_load_idx %arg10[%add3A_402] : memref<496xf32, #tpu.memory_space<vmem>>[vector<16xi32>], vector<16xf32>,
        %gt3A_404 = arith.cmpf ogt, %get3A_385, %gather3A_399 : vector<16xf32>
        %convert_element_type3A_405 = arith.extui %gt3A_404 : vector<16xi1> to vector<16xi32>
        %gt3A_406 = arith.cmpf ogt, %get3A_385, %gather3A_403 : vector<16xf32>
        %convert_element_type3A_407 = arith.extui %gt3A_406 : vector<16xi1> to vector<16xi32>
        %add3A_408 = arith.addi %mul3A_8, %convert_element_type3A_394 : vector<16xi32>
        %add3A_409 = arith.addi %convert_element_type3A_405, %convert_element_type3A_407 : vector<16xi32>
        %add3A_410 = arith.constant 32 : i32
        %add3A_411 = vector.broadcast %add3A_410 : i32 to vector<16xi32>
        %add3A_412 = arith.addi %add3A_409, %add3A_411 : vector<16xi32>
        %add3A_413 = arith.addi %add3A_408, %add3A_412 : vector<16xi32>
        %add3A_414 = arith.constant 32 : i32
        %add3A_415 = vector.broadcast %add3A_414 : i32 to vector<16xi32>
        %add3A_416 = arith.addi %add3A_413, %add3A_415 : vector<16xi32>
        tpu.vector_store_idx %arg9[%add3A_408], %broadcast_in_dim3A_5 {add = true} : memref<2048xf32, #tpu.memory_space<vmem>>[vector<16xi32>], vector<16xf32>,
        tpu.vector_store_idx %arg9[%add3A_413], %broadcast_in_dim3A_5 {add = true} : memref<2048xf32, #tpu.memory_space<vmem>>[vector<16xi32>], vector<16xf32>,
        tpu.vector_store_idx %arg9[%add3A_416], %get3A_390 {add = true} : memref<2048xf32, #tpu.memory_space<vmem>>[vector<16xi32>], vector<16xf32>,
        %add3A_417 = arith.constant 32 : i32
        %add3A_418 = arith.addi %add3A_348, %add3A_417 : i32
        %get3A_419 = arith.index_cast %add3A_338 : i32 to index
        %get3A_420 = arith.index_cast %add3A_418 : i32 to index
        %get3A_421 = tpu.vector_load %arg5[%get3A_419, %get3A_420] {strides = array<i32>} : memref<16x512xf32, #tpu.memory_space<vmem>>, vector<16xf32>,
        %add3A_422 = arith.constant 32 : i32
        %add3A_423 = arith.addi %add3A_348, %add3A_422 : i32
        %get3A_424 = arith.index_cast %add3A_338 : i32 to index
        %get3A_425 = arith.index_cast %add3A_423 : i32 to index
        %get3A_426 = tpu.vector_load %arg7[%get3A_424, %get3A_425] {strides = array<i32>} : memref<16x512xf32, #tpu.memory_space<vmem>>, vector<16xf32>,
        %mul3A_427 = arith.constant 3.000000e+01 : f32
        %mul3A_428 = vector.broadcast %mul3A_427 : f32 to vector<16xf32>
        %mul3A_429 = arith.mulf %get3A_421, %mul3A_428 : vector<16xf32>
        %convert_element_type3A_430 = arith.fptosi %mul3A_429 : vector<16xf32> to vector<16xi32>
        %mul3A_431 = arith.constant 16 : i32
        %mul3A_432 = vector.broadcast %mul3A_431 : i32 to vector<16xi32>
        %mul3A_433 = arith.muli %convert_element_type3A_430, %mul3A_432 : vector<16xi32>
        %add3A_434 = arith.addi %mul3A_433, %iota3A : vector<16xi32>
        %gather3A_435 = tpu.vector_load_idx %arg10[%add3A_434] : memref<496xf32, #tpu.memory_space<vmem>>[vector<16xi32>], vector<16xf32>,
        %add3A_436 = arith.constant 16 : i32
        %add3A_437 = vector.broadcast %add3A_436 : i32 to vector<16xi32>
        %add3A_438 = arith.addi %add3A_434, %add3A_437 : vector<16xi32>
        %gather3A_439 = tpu.vector_load_idx %arg10[%add3A_438] : memref<496xf32, #tpu.memory_space<vmem>>[vector<16xi32>], vector<16xf32>,
        %gt3A_440 = arith.cmpf ogt, %get3A_421, %gather3A_435 : vector<16xf32>
        %convert_element_type3A_441 = arith.extui %gt3A_440 : vector<16xi1> to vector<16xi32>
        %gt3A_442 = arith.cmpf ogt, %get3A_421, %gather3A_439 : vector<16xf32>
        %convert_element_type3A_443 = arith.extui %gt3A_442 : vector<16xi1> to vector<16xi32>
        %add3A_444 = arith.addi %mul3A_8, %convert_element_type3A_430 : vector<16xi32>
        %add3A_445 = arith.addi %convert_element_type3A_441, %convert_element_type3A_443 : vector<16xi32>
        %add3A_446 = arith.constant 32 : i32
        %add3A_447 = vector.broadcast %add3A_446 : i32 to vector<16xi32>
        %add3A_448 = arith.addi %add3A_445, %add3A_447 : vector<16xi32>
        %add3A_449 = arith.addi %add3A_444, %add3A_448 : vector<16xi32>
        %add3A_450 = arith.constant 32 : i32
        %add3A_451 = vector.broadcast %add3A_450 : i32 to vector<16xi32>
        %add3A_452 = arith.addi %add3A_449, %add3A_451 : vector<16xi32>
        tpu.vector_store_idx %arg9[%add3A_444], %broadcast_in_dim3A_5 {add = true} : memref<2048xf32, #tpu.memory_space<vmem>>[vector<16xi32>], vector<16xf32>,
        tpu.vector_store_idx %arg9[%add3A_449], %broadcast_in_dim3A_5 {add = true} : memref<2048xf32, #tpu.memory_space<vmem>>[vector<16xi32>], vector<16xf32>,
        tpu.vector_store_idx %arg9[%add3A_452], %get3A_426 {add = true} : memref<2048xf32, #tpu.memory_space<vmem>>[vector<16xi32>], vector<16xf32>,
        %add3A_453 = arith.constant 48 : i32
        %add3A_454 = arith.addi %add3A_348, %add3A_453 : i32
        %get3A_455 = arith.index_cast %add3A_338 : i32 to index
        %get3A_456 = arith.index_cast %add3A_454 : i32 to index
        %get3A_457 = tpu.vector_load %arg5[%get3A_455, %get3A_456] {strides = array<i32>} : memref<16x512xf32, #tpu.memory_space<vmem>>, vector<16xf32>,
        %add3A_458 = arith.constant 48 : i32
        %add3A_459 = arith.addi %add3A_348, %add3A_458 : i32
        %get3A_460 = arith.index_cast %add3A_338 : i32 to index
        %get3A_461 = arith.index_cast %add3A_459 : i32 to index
        %get3A_462 = tpu.vector_load %arg7[%get3A_460, %get3A_461] {strides = array<i32>} : memref<16x512xf32, #tpu.memory_space<vmem>>, vector<16xf32>,
        %mul3A_463 = arith.constant 3.000000e+01 : f32
        %mul3A_464 = vector.broadcast %mul3A_463 : f32 to vector<16xf32>
        %mul3A_465 = arith.mulf %get3A_457, %mul3A_464 : vector<16xf32>
        %convert_element_type3A_466 = arith.fptosi %mul3A_465 : vector<16xf32> to vector<16xi32>
        %mul3A_467 = arith.constant 16 : i32
        %mul3A_468 = vector.broadcast %mul3A_467 : i32 to vector<16xi32>
        %mul3A_469 = arith.muli %convert_element_type3A_466, %mul3A_468 : vector<16xi32>
        %add3A_470 = arith.addi %mul3A_469, %iota3A : vector<16xi32>
        %gather3A_471 = tpu.vector_load_idx %arg10[%add3A_470] : memref<496xf32, #tpu.memory_space<vmem>>[vector<16xi32>], vector<16xf32>,
        %add3A_472 = arith.constant 16 : i32
        %add3A_473 = vector.broadcast %add3A_472 : i32 to vector<16xi32>
        %add3A_474 = arith.addi %add3A_470, %add3A_473 : vector<16xi32>
        %gather3A_475 = tpu.vector_load_idx %arg10[%add3A_474] : memref<496xf32, #tpu.memory_space<vmem>>[vector<16xi32>], vector<16xf32>,
        %gt3A_476 = arith.cmpf ogt, %get3A_457, %gather3A_471 : vector<16xf32>
        %convert_element_type3A_477 = arith.extui %gt3A_476 : vector<16xi1> to vector<16xi32>
        %gt3A_478 = arith.cmpf ogt, %get3A_457, %gather3A_475 : vector<16xf32>
        %convert_element_type3A_479 = arith.extui %gt3A_478 : vector<16xi1> to vector<16xi32>
        %add3A_480 = arith.addi %mul3A_8, %convert_element_type3A_466 : vector<16xi32>
        %add3A_481 = arith.addi %convert_element_type3A_477, %convert_element_type3A_479 : vector<16xi32>
        %add3A_482 = arith.constant 32 : i32
        %add3A_483 = vector.broadcast %add3A_482 : i32 to vector<16xi32>
        %add3A_484 = arith.addi %add3A_481, %add3A_483 : vector<16xi32>
        %add3A_485 = arith.addi %add3A_480, %add3A_484 : vector<16xi32>
        %add3A_486 = arith.constant 32 : i32
        %add3A_487 = vector.broadcast %add3A_486 : i32 to vector<16xi32>
        %add3A_488 = arith.addi %add3A_485, %add3A_487 : vector<16xi32>
        tpu.vector_store_idx %arg9[%add3A_480], %broadcast_in_dim3A_5 {add = true} : memref<2048xf32, #tpu.memory_space<vmem>>[vector<16xi32>], vector<16xf32>,
        tpu.vector_store_idx %arg9[%add3A_485], %broadcast_in_dim3A_5 {add = true} : memref<2048xf32, #tpu.memory_space<vmem>>[vector<16xi32>], vector<16xf32>,
        tpu.vector_store_idx %arg9[%add3A_488], %get3A_462 {add = true} : memref<2048xf32, #tpu.memory_space<vmem>>[vector<16xi32>], vector<16xf32>,
      }
      %scan3A_343 = arith.constant 8 : i32
    }
    %scan3A_218 = arith.constant 16 : i32
    %add3A_219 = arith.constant 48 : i32
    %add3A_220 = arith.addi %mul3A_2, %add3A_219 : i32
    %dma_wait3A_221 = arith.constant 0 : i32
    %dma_wait3A_222 = tpu.memref_slice %arg2[%add3A_220, %dma_wait3A_221] : memref<4096x512xf32, #tpu.memory_space<hbm>> -> memref<16x512xf32, #tpu.memory_space<hbm>>
    %dma_wait3A_223 = arith.constant 0 : i32
    %dma_wait3A_224 = tpu.memref_slice %arg2[%add3A_220, %dma_wait3A_223] : memref<4096x512xf32, #tpu.memory_space<hbm>> -> memref<16x512xf32, #tpu.memory_space<hbm>>
    tpu.wait_dma2 semaphore(%arg12 : memref<!tpu.dma_semaphore, #tpu.memory_space<semaphore_mem>>) src(%dma_wait3A_224 : memref<16x512xf32, #tpu.memory_space<hbm>>) dst(%arg6 : memref<16x512xf32, #tpu.memory_space<vmem>>)
    %dma_wait3A_225 = arith.constant 0 : i32
    %dma_wait3A_226 = tpu.memref_slice %arg3[%add3A_220, %dma_wait3A_225] : memref<4096x512xf32, #tpu.memory_space<hbm>> -> memref<16x512xf32, #tpu.memory_space<hbm>>
    %dma_wait3A_227 = arith.constant 0 : i32
    %dma_wait3A_228 = tpu.memref_slice %arg3[%add3A_220, %dma_wait3A_227] : memref<4096x512xf32, #tpu.memory_space<hbm>> -> memref<16x512xf32, #tpu.memory_space<hbm>>
    tpu.wait_dma2 semaphore(%arg14 : memref<!tpu.dma_semaphore, #tpu.memory_space<semaphore_mem>>) src(%dma_wait3A_228 : memref<16x512xf32, #tpu.memory_space<hbm>>) dst(%arg8 : memref<16x512xf32, #tpu.memory_space<vmem>>)
    %add3A_229 = arith.constant 64 : i32
    %add3A_230 = arith.addi %mul3A_2, %add3A_229 : i32
    %dma_start3A_231 = arith.constant 0 : i32
    %dma_start3A_232 = tpu.memref_slice %arg2[%add3A_230, %dma_start3A_231] : memref<4096x512xf32, #tpu.memory_space<hbm>> -> memref<16x512xf32, #tpu.memory_space<hbm>>
    %dma_start3A_233 = arith.constant 0 : i32
    %dma_start3A_234 = tpu.memref_slice %arg2[%add3A_230, %dma_start3A_233] : memref<4096x512xf32, #tpu.memory_space<hbm>> -> memref<16x512xf32, #tpu.memory_space<hbm>>
    tpu.enqueue_dma source(%dma_start3A_234 : memref<16x512xf32, #tpu.memory_space<hbm>>) target(%arg5 : memref<16x512xf32, #tpu.memory_space<vmem>>) target_semaphore(%arg11 : memref<!tpu.dma_semaphore, #tpu.memory_space<semaphore_mem>>)
    %dma_start3A_235 = arith.constant 0 : i32
    %dma_start3A_236 = tpu.memref_slice %arg3[%add3A_230, %dma_start3A_235] : memref<4096x512xf32, #tpu.memory_space<hbm>> -> memref<16x512xf32, #tpu.memory_space<hbm>>
    %dma_start3A_237 = arith.constant 0 : i32
    %dma_start3A_238 = tpu.memref_slice %arg3[%add3A_230, %dma_start3A_237] : memref<4096x512xf32, #tpu.memory_space<hbm>> -> memref<16x512xf32, #tpu.memory_space<hbm>>
    tpu.enqueue_dma source(%dma_start3A_238 : memref<16x512xf32, #tpu.memory_space<hbm>>) target(%arg7 : memref<16x512xf32, #tpu.memory_space<vmem>>) target_semaphore(%arg13 : memref<!tpu.dma_semaphore, #tpu.memory_space<semaphore_mem>>)
    %scan3A_239 = arith.constant 0 : i32
    %scan3A_240 = arith.constant 16 : i32
    %scan3A_241 = arith.addi %scan3A_239, %scan3A_240 : i32
    %scan3A_242 = arith.constant 1 : i32
    scf.for %scan3A_334 = %scan3A_239 to %scan3A_241 step %scan3A_242  : i32 {
      %mul3A_335 = arith.constant 1 : i32
      %mul3A_336 = arith.muli %scan3A_334, %mul3A_335 : i32
      %add3A_337 = arith.constant 0 : i32
      %add3A_338 = arith.addi %add3A_337, %mul3A_336 : i32
      %scan3A_339 = arith.constant 0 : i32
      %scan3A_340 = arith.constant 8 : i32
      %scan3A_341 = arith.addi %scan3A_339, %scan3A_340 : i32
      %scan3A_342 = arith.constant 1 : i32
      scf.for %scan3A_344 = %scan3A_339 to %scan3A_341 step %scan3A_342  : i32 {
        %mul3A_345 = arith.constant 64 : i32
        %mul3A_346 = arith.muli %scan3A_344, %mul3A_345 : i32
        %add3A_347 = arith.constant 0 : i32
        %add3A_348 = arith.addi %add3A_347, %mul3A_346 : i32
        %add3A_349 = arith.constant 0 : i32
        %add3A_350 = arith.addi %add3A_348, %add3A_349 : i32
        %get3A = arith.index_cast %add3A_338 : i32 to index
        %get3A_351 = arith.index_cast %add3A_350 : i32 to index
        %get3A_352 = tpu.vector_load %arg6[%get3A, %get3A_351] {strides = array<i32>} : memref<16x512xf32, #tpu.memory_space<vmem>>, vector<16xf32>,
        %add3A_353 = arith.constant 0 : i32
        %add3A_354 = arith.addi %add3A_348, %add3A_353 : i32
        %get3A_355 = arith.index_cast %add3A_338 : i32 to index
        %get3A_356 = arith.index_cast %add3A_354 : i32 to index
        %get3A_357 = tpu.vector_load %arg8[%get3A_355, %get3A_356] {strides = array<i32>} : memref<16x512xf32, #tpu.memory_space<vmem>>, vector<16xf32>,
        %mul3A_358 = arith.constant 3.000000e+01 : f32
        %mul3A_359 = vector.broadcast %mul3A_358 : f32 to vector<16xf32>
        %mul3A_360 = arith.mulf %get3A_352, %mul3A_359 : vector<16xf32>
        %convert_element_type3A = arith.fptosi %mul3A_360 : vector<16xf32> to vector<16xi32>
        %mul3A_361 = arith.constant 16 : i32
        %mul3A_362 = vector.broadcast %mul3A_361 : i32 to vector<16xi32>
        %mul3A_363 = arith.muli %convert_element_type3A, %mul3A_362 : vector<16xi32>
        %add3A_364 = arith.addi %mul3A_363, %iota3A : vector<16xi32>
        %gather3A = tpu.vector_load_idx %arg10[%add3A_364] : memref<496xf32, #tpu.memory_space<vmem>>[vector<16xi32>], vector<16xf32>,
        %add3A_365 = arith.constant 16 : i32
        %add3A_366 = vector.broadcast %add3A_365 : i32 to vector<16xi32>
        %add3A_367 = arith.addi %add3A_364, %add3A_366 : vector<16xi32>
        %gather3A_368 = tpu.vector_load_idx %arg10[%add3A_367] : memref<496xf32, #tpu.memory_space<vmem>>[vector<16xi32>], vector<16xf32>,
        %gt3A = arith.cmpf ogt, %get3A_352, %gather3A : vector<16xf32>
        %convert_element_type3A_369 = arith.extui %gt3A : vector<16xi1> to vector<16xi32>
        %gt3A_370 = arith.cmpf ogt, %get3A_352, %gather3A_368 : vector<16xf32>
        %convert_element_type3A_371 = arith.extui %gt3A_370 : vector<16xi1> to vector<16xi32>
        %add3A_372 = arith.addi %mul3A_8, %convert_element_type3A : vector<16xi32>
        %add3A_373 = arith.addi %convert_element_type3A_369, %convert_element_type3A_371 : vector<16xi32>
        %add3A_374 = arith.constant 32 : i32
        %add3A_375 = vector.broadcast %add3A_374 : i32 to vector<16xi32>
        %add3A_376 = arith.addi %add3A_373, %add3A_375 : vector<16xi32>
        %add3A_377 = arith.addi %add3A_372, %add3A_376 : vector<16xi32>
        %add3A_378 = arith.constant 32 : i32
        %add3A_379 = vector.broadcast %add3A_378 : i32 to vector<16xi32>
        %add3A_380 = arith.addi %add3A_377, %add3A_379 : vector<16xi32>
        tpu.vector_store_idx %arg9[%add3A_372], %broadcast_in_dim3A_5 {add = true} : memref<2048xf32, #tpu.memory_space<vmem>>[vector<16xi32>], vector<16xf32>,
        tpu.vector_store_idx %arg9[%add3A_377], %broadcast_in_dim3A_5 {add = true} : memref<2048xf32, #tpu.memory_space<vmem>>[vector<16xi32>], vector<16xf32>,
        tpu.vector_store_idx %arg9[%add3A_380], %get3A_357 {add = true} : memref<2048xf32, #tpu.memory_space<vmem>>[vector<16xi32>], vector<16xf32>,
        %add3A_381 = arith.constant 16 : i32
        %add3A_382 = arith.addi %add3A_348, %add3A_381 : i32
        %get3A_383 = arith.index_cast %add3A_338 : i32 to index
        %get3A_384 = arith.index_cast %add3A_382 : i32 to index
        %get3A_385 = tpu.vector_load %arg6[%get3A_383, %get3A_384] {strides = array<i32>} : memref<16x512xf32, #tpu.memory_space<vmem>>, vector<16xf32>,
        %add3A_386 = arith.constant 16 : i32
        %add3A_387 = arith.addi %add3A_348, %add3A_386 : i32
        %get3A_388 = arith.index_cast %add3A_338 : i32 to index
        %get3A_389 = arith.index_cast %add3A_387 : i32 to index
        %get3A_390 = tpu.vector_load %arg8[%get3A_388, %get3A_389] {strides = array<i32>} : memref<16x512xf32, #tpu.memory_space<vmem>>, vector<16xf32>,
        %mul3A_391 = arith.constant 3.000000e+01 : f32
        %mul3A_392 = vector.broadcast %mul3A_391 : f32 to vector<16xf32>
        %mul3A_393 = arith.mulf %get3A_385, %mul3A_392 : vector<16xf32>
        %convert_element_type3A_394 = arith.fptosi %mul3A_393 : vector<16xf32> to vector<16xi32>
        %mul3A_395 = arith.constant 16 : i32
        %mul3A_396 = vector.broadcast %mul3A_395 : i32 to vector<16xi32>
        %mul3A_397 = arith.muli %convert_element_type3A_394, %mul3A_396 : vector<16xi32>
        %add3A_398 = arith.addi %mul3A_397, %iota3A : vector<16xi32>
        %gather3A_399 = tpu.vector_load_idx %arg10[%add3A_398] : memref<496xf32, #tpu.memory_space<vmem>>[vector<16xi32>], vector<16xf32>,
        %add3A_400 = arith.constant 16 : i32
        %add3A_401 = vector.broadcast %add3A_400 : i32 to vector<16xi32>
        %add3A_402 = arith.addi %add3A_398, %add3A_401 : vector<16xi32>
        %gather3A_403 = tpu.vector_load_idx %arg10[%add3A_402] : memref<496xf32, #tpu.memory_space<vmem>>[vector<16xi32>], vector<16xf32>,
        %gt3A_404 = arith.cmpf ogt, %get3A_385, %gather3A_399 : vector<16xf32>
        %convert_element_type3A_405 = arith.extui %gt3A_404 : vector<16xi1> to vector<16xi32>
        %gt3A_406 = arith.cmpf ogt, %get3A_385, %gather3A_403 : vector<16xf32>
        %convert_element_type3A_407 = arith.extui %gt3A_406 : vector<16xi1> to vector<16xi32>
        %add3A_408 = arith.addi %mul3A_8, %convert_element_type3A_394 : vector<16xi32>
        %add3A_409 = arith.addi %convert_element_type3A_405, %convert_element_type3A_407 : vector<16xi32>
        %add3A_410 = arith.constant 32 : i32
        %add3A_411 = vector.broadcast %add3A_410 : i32 to vector<16xi32>
        %add3A_412 = arith.addi %add3A_409, %add3A_411 : vector<16xi32>
        %add3A_413 = arith.addi %add3A_408, %add3A_412 : vector<16xi32>
        %add3A_414 = arith.constant 32 : i32
        %add3A_415 = vector.broadcast %add3A_414 : i32 to vector<16xi32>
        %add3A_416 = arith.addi %add3A_413, %add3A_415 : vector<16xi32>
        tpu.vector_store_idx %arg9[%add3A_408], %broadcast_in_dim3A_5 {add = true} : memref<2048xf32, #tpu.memory_space<vmem>>[vector<16xi32>], vector<16xf32>,
        tpu.vector_store_idx %arg9[%add3A_413], %broadcast_in_dim3A_5 {add = true} : memref<2048xf32, #tpu.memory_space<vmem>>[vector<16xi32>], vector<16xf32>,
        tpu.vector_store_idx %arg9[%add3A_416], %get3A_390 {add = true} : memref<2048xf32, #tpu.memory_space<vmem>>[vector<16xi32>], vector<16xf32>,
        %add3A_417 = arith.constant 32 : i32
        %add3A_418 = arith.addi %add3A_348, %add3A_417 : i32
        %get3A_419 = arith.index_cast %add3A_338 : i32 to index
        %get3A_420 = arith.index_cast %add3A_418 : i32 to index
        %get3A_421 = tpu.vector_load %arg6[%get3A_419, %get3A_420] {strides = array<i32>} : memref<16x512xf32, #tpu.memory_space<vmem>>, vector<16xf32>,
        %add3A_422 = arith.constant 32 : i32
        %add3A_423 = arith.addi %add3A_348, %add3A_422 : i32
        %get3A_424 = arith.index_cast %add3A_338 : i32 to index
        %get3A_425 = arith.index_cast %add3A_423 : i32 to index
        %get3A_426 = tpu.vector_load %arg8[%get3A_424, %get3A_425] {strides = array<i32>} : memref<16x512xf32, #tpu.memory_space<vmem>>, vector<16xf32>,
        %mul3A_427 = arith.constant 3.000000e+01 : f32
        %mul3A_428 = vector.broadcast %mul3A_427 : f32 to vector<16xf32>
        %mul3A_429 = arith.mulf %get3A_421, %mul3A_428 : vector<16xf32>
        %convert_element_type3A_430 = arith.fptosi %mul3A_429 : vector<16xf32> to vector<16xi32>
        %mul3A_431 = arith.constant 16 : i32
        %mul3A_432 = vector.broadcast %mul3A_431 : i32 to vector<16xi32>
        %mul3A_433 = arith.muli %convert_element_type3A_430, %mul3A_432 : vector<16xi32>
        %add3A_434 = arith.addi %mul3A_433, %iota3A : vector<16xi32>
        %gather3A_435 = tpu.vector_load_idx %arg10[%add3A_434] : memref<496xf32, #tpu.memory_space<vmem>>[vector<16xi32>], vector<16xf32>,
        %add3A_436 = arith.constant 16 : i32
        %add3A_437 = vector.broadcast %add3A_436 : i32 to vector<16xi32>
        %add3A_438 = arith.addi %add3A_434, %add3A_437 : vector<16xi32>
        %gather3A_439 = tpu.vector_load_idx %arg10[%add3A_438] : memref<496xf32, #tpu.memory_space<vmem>>[vector<16xi32>], vector<16xf32>,
        %gt3A_440 = arith.cmpf ogt, %get3A_421, %gather3A_435 : vector<16xf32>
        %convert_element_type3A_441 = arith.extui %gt3A_440 : vector<16xi1> to vector<16xi32>
        %gt3A_442 = arith.cmpf ogt, %get3A_421, %gather3A_439 : vector<16xf32>
        %convert_element_type3A_443 = arith.extui %gt3A_442 : vector<16xi1> to vector<16xi32>
        %add3A_444 = arith.addi %mul3A_8, %convert_element_type3A_430 : vector<16xi32>
        %add3A_445 = arith.addi %convert_element_type3A_441, %convert_element_type3A_443 : vector<16xi32>
        %add3A_446 = arith.constant 32 : i32
        %add3A_447 = vector.broadcast %add3A_446 : i32 to vector<16xi32>
        %add3A_448 = arith.addi %add3A_445, %add3A_447 : vector<16xi32>
        %add3A_449 = arith.addi %add3A_444, %add3A_448 : vector<16xi32>
        %add3A_450 = arith.constant 32 : i32
        %add3A_451 = vector.broadcast %add3A_450 : i32 to vector<16xi32>
        %add3A_452 = arith.addi %add3A_449, %add3A_451 : vector<16xi32>
        tpu.vector_store_idx %arg9[%add3A_444], %broadcast_in_dim3A_5 {add = true} : memref<2048xf32, #tpu.memory_space<vmem>>[vector<16xi32>], vector<16xf32>,
        tpu.vector_store_idx %arg9[%add3A_449], %broadcast_in_dim3A_5 {add = true} : memref<2048xf32, #tpu.memory_space<vmem>>[vector<16xi32>], vector<16xf32>,
        tpu.vector_store_idx %arg9[%add3A_452], %get3A_426 {add = true} : memref<2048xf32, #tpu.memory_space<vmem>>[vector<16xi32>], vector<16xf32>,
        %add3A_453 = arith.constant 48 : i32
        %add3A_454 = arith.addi %add3A_348, %add3A_453 : i32
        %get3A_455 = arith.index_cast %add3A_338 : i32 to index
        %get3A_456 = arith.index_cast %add3A_454 : i32 to index
        %get3A_457 = tpu.vector_load %arg6[%get3A_455, %get3A_456] {strides = array<i32>} : memref<16x512xf32, #tpu.memory_space<vmem>>, vector<16xf32>,
        %add3A_458 = arith.constant 48 : i32
        %add3A_459 = arith.addi %add3A_348, %add3A_458 : i32
        %get3A_460 = arith.index_cast %add3A_338 : i32 to index
        %get3A_461 = arith.index_cast %add3A_459 : i32 to index
        %get3A_462 = tpu.vector_load %arg8[%get3A_460, %get3A_461] {strides = array<i32>} : memref<16x512xf32, #tpu.memory_space<vmem>>, vector<16xf32>,
        %mul3A_463 = arith.constant 3.000000e+01 : f32
        %mul3A_464 = vector.broadcast %mul3A_463 : f32 to vector<16xf32>
        %mul3A_465 = arith.mulf %get3A_457, %mul3A_464 : vector<16xf32>
        %convert_element_type3A_466 = arith.fptosi %mul3A_465 : vector<16xf32> to vector<16xi32>
        %mul3A_467 = arith.constant 16 : i32
        %mul3A_468 = vector.broadcast %mul3A_467 : i32 to vector<16xi32>
        %mul3A_469 = arith.muli %convert_element_type3A_466, %mul3A_468 : vector<16xi32>
        %add3A_470 = arith.addi %mul3A_469, %iota3A : vector<16xi32>
        %gather3A_471 = tpu.vector_load_idx %arg10[%add3A_470] : memref<496xf32, #tpu.memory_space<vmem>>[vector<16xi32>], vector<16xf32>,
        %add3A_472 = arith.constant 16 : i32
        %add3A_473 = vector.broadcast %add3A_472 : i32 to vector<16xi32>
        %add3A_474 = arith.addi %add3A_470, %add3A_473 : vector<16xi32>
        %gather3A_475 = tpu.vector_load_idx %arg10[%add3A_474] : memref<496xf32, #tpu.memory_space<vmem>>[vector<16xi32>], vector<16xf32>,
        %gt3A_476 = arith.cmpf ogt, %get3A_457, %gather3A_471 : vector<16xf32>
        %convert_element_type3A_477 = arith.extui %gt3A_476 : vector<16xi1> to vector<16xi32>
        %gt3A_478 = arith.cmpf ogt, %get3A_457, %gather3A_475 : vector<16xf32>
        %convert_element_type3A_479 = arith.extui %gt3A_478 : vector<16xi1> to vector<16xi32>
        %add3A_480 = arith.addi %mul3A_8, %convert_element_type3A_466 : vector<16xi32>
        %add3A_481 = arith.addi %convert_element_type3A_477, %convert_element_type3A_479 : vector<16xi32>
        %add3A_482 = arith.constant 32 : i32
        %add3A_483 = vector.broadcast %add3A_482 : i32 to vector<16xi32>
        %add3A_484 = arith.addi %add3A_481, %add3A_483 : vector<16xi32>
        %add3A_485 = arith.addi %add3A_480, %add3A_484 : vector<16xi32>
        %add3A_486 = arith.constant 32 : i32
        %add3A_487 = vector.broadcast %add3A_486 : i32 to vector<16xi32>
        %add3A_488 = arith.addi %add3A_485, %add3A_487 : vector<16xi32>
        tpu.vector_store_idx %arg9[%add3A_480], %broadcast_in_dim3A_5 {add = true} : memref<2048xf32, #tpu.memory_space<vmem>>[vector<16xi32>], vector<16xf32>,
        tpu.vector_store_idx %arg9[%add3A_485], %broadcast_in_dim3A_5 {add = true} : memref<2048xf32, #tpu.memory_space<vmem>>[vector<16xi32>], vector<16xf32>,
        tpu.vector_store_idx %arg9[%add3A_488], %get3A_462 {add = true} : memref<2048xf32, #tpu.memory_space<vmem>>[vector<16xi32>], vector<16xf32>,
      }
      %scan3A_343 = arith.constant 8 : i32
    }
    %scan3A_243 = arith.constant 16 : i32
    %add3A_244 = arith.constant 64 : i32
    %add3A_245 = arith.addi %mul3A_2, %add3A_244 : i32
    %dma_wait3A_246 = arith.constant 0 : i32
    %dma_wait3A_247 = tpu.memref_slice %arg2[%add3A_245, %dma_wait3A_246] : memref<4096x512xf32, #tpu.memory_space<hbm>> -> memref<16x512xf32, #tpu.memory_space<hbm>>
    %dma_wait3A_248 = arith.constant 0 : i32
    %dma_wait3A_249 = tpu.memref_slice %arg2[%add3A_245, %dma_wait3A_248] : memref<4096x512xf32, #tpu.memory_space<hbm>> -> memref<16x512xf32, #tpu.memory_space<hbm>>
    tpu.wait_dma2 semaphore(%arg11 : memref<!tpu.dma_semaphore, #tpu.memory_space<semaphore_mem>>) src(%dma_wait3A_249 : memref<16x512xf32, #tpu.memory_space<hbm>>) dst(%arg5 : memref<16x512xf32, #tpu.memory_space<vmem>>)
    %dma_wait3A_250 = arith.constant 0 : i32
    %dma_wait3A_251 = tpu.memref_slice %arg3[%add3A_245, %dma_wait3A_250] : memref<4096x512xf32, #tpu.memory_space<hbm>> -> memref<16x512xf32, #tpu.memory_space<hbm>>
    %dma_wait3A_252 = arith.constant 0 : i32
    %dma_wait3A_253 = tpu.memref_slice %arg3[%add3A_245, %dma_wait3A_252] : memref<4096x512xf32, #tpu.memory_space<hbm>> -> memref<16x512xf32, #tpu.memory_space<hbm>>
    tpu.wait_dma2 semaphore(%arg13 : memref<!tpu.dma_semaphore, #tpu.memory_space<semaphore_mem>>) src(%dma_wait3A_253 : memref<16x512xf32, #tpu.memory_space<hbm>>) dst(%arg7 : memref<16x512xf32, #tpu.memory_space<vmem>>)
    %add3A_254 = arith.constant 80 : i32
    %add3A_255 = arith.addi %mul3A_2, %add3A_254 : i32
    %dma_start3A_256 = arith.constant 0 : i32
    %dma_start3A_257 = tpu.memref_slice %arg2[%add3A_255, %dma_start3A_256] : memref<4096x512xf32, #tpu.memory_space<hbm>> -> memref<16x512xf32, #tpu.memory_space<hbm>>
    %dma_start3A_258 = arith.constant 0 : i32
    %dma_start3A_259 = tpu.memref_slice %arg2[%add3A_255, %dma_start3A_258] : memref<4096x512xf32, #tpu.memory_space<hbm>> -> memref<16x512xf32, #tpu.memory_space<hbm>>
    tpu.enqueue_dma source(%dma_start3A_259 : memref<16x512xf32, #tpu.memory_space<hbm>>) target(%arg6 : memref<16x512xf32, #tpu.memory_space<vmem>>) target_semaphore(%arg12 : memref<!tpu.dma_semaphore, #tpu.memory_space<semaphore_mem>>)
    %dma_start3A_260 = arith.constant 0 : i32
    %dma_start3A_261 = tpu.memref_slice %arg3[%add3A_255, %dma_start3A_260] : memref<4096x512xf32, #tpu.memory_space<hbm>> -> memref<16x512xf32, #tpu.memory_space<hbm>>
    %dma_start3A_262 = arith.constant 0 : i32
    %dma_start3A_263 = tpu.memref_slice %arg3[%add3A_255, %dma_start3A_262] : memref<4096x512xf32, #tpu.memory_space<hbm>> -> memref<16x512xf32, #tpu.memory_space<hbm>>
    tpu.enqueue_dma source(%dma_start3A_263 : memref<16x512xf32, #tpu.memory_space<hbm>>) target(%arg8 : memref<16x512xf32, #tpu.memory_space<vmem>>) target_semaphore(%arg14 : memref<!tpu.dma_semaphore, #tpu.memory_space<semaphore_mem>>)
    %scan3A_264 = arith.constant 0 : i32
    %scan3A_265 = arith.constant 16 : i32
    %scan3A_266 = arith.addi %scan3A_264, %scan3A_265 : i32
    %scan3A_267 = arith.constant 1 : i32
    scf.for %scan3A_334 = %scan3A_264 to %scan3A_266 step %scan3A_267  : i32 {
      %mul3A_335 = arith.constant 1 : i32
      %mul3A_336 = arith.muli %scan3A_334, %mul3A_335 : i32
      %add3A_337 = arith.constant 0 : i32
      %add3A_338 = arith.addi %add3A_337, %mul3A_336 : i32
      %scan3A_339 = arith.constant 0 : i32
      %scan3A_340 = arith.constant 8 : i32
      %scan3A_341 = arith.addi %scan3A_339, %scan3A_340 : i32
      %scan3A_342 = arith.constant 1 : i32
      scf.for %scan3A_344 = %scan3A_339 to %scan3A_341 step %scan3A_342  : i32 {
        %mul3A_345 = arith.constant 64 : i32
        %mul3A_346 = arith.muli %scan3A_344, %mul3A_345 : i32
        %add3A_347 = arith.constant 0 : i32
        %add3A_348 = arith.addi %add3A_347, %mul3A_346 : i32
        %add3A_349 = arith.constant 0 : i32
        %add3A_350 = arith.addi %add3A_348, %add3A_349 : i32
        %get3A = arith.index_cast %add3A_338 : i32 to index
        %get3A_351 = arith.index_cast %add3A_350 : i32 to index
        %get3A_352 = tpu.vector_load %arg5[%get3A, %get3A_351] {strides = array<i32>} : memref<16x512xf32, #tpu.memory_space<vmem>>, vector<16xf32>,
        %add3A_353 = arith.constant 0 : i32
        %add3A_354 = arith.addi %add3A_348, %add3A_353 : i32
        %get3A_355 = arith.index_cast %add3A_338 : i32 to index
        %get3A_356 = arith.index_cast %add3A_354 : i32 to index
        %get3A_357 = tpu.vector_load %arg7[%get3A_355, %get3A_356] {strides = array<i32>} : memref<16x512xf32, #tpu.memory_space<vmem>>, vector<16xf32>,
        %mul3A_358 = arith.constant 3.000000e+01 : f32
        %mul3A_359 = vector.broadcast %mul3A_358 : f32 to vector<16xf32>
        %mul3A_360 = arith.mulf %get3A_352, %mul3A_359 : vector<16xf32>
        %convert_element_type3A = arith.fptosi %mul3A_360 : vector<16xf32> to vector<16xi32>
        %mul3A_361 = arith.constant 16 : i32
        %mul3A_362 = vector.broadcast %mul3A_361 : i32 to vector<16xi32>
        %mul3A_363 = arith.muli %convert_element_type3A, %mul3A_362 : vector<16xi32>
        %add3A_364 = arith.addi %mul3A_363, %iota3A : vector<16xi32>
        %gather3A = tpu.vector_load_idx %arg10[%add3A_364] : memref<496xf32, #tpu.memory_space<vmem>>[vector<16xi32>], vector<16xf32>,
        %add3A_365 = arith.constant 16 : i32
        %add3A_366 = vector.broadcast %add3A_365 : i32 to vector<16xi32>
        %add3A_367 = arith.addi %add3A_364, %add3A_366 : vector<16xi32>
        %gather3A_368 = tpu.vector_load_idx %arg10[%add3A_367] : memref<496xf32, #tpu.memory_space<vmem>>[vector<16xi32>], vector<16xf32>,
        %gt3A = arith.cmpf ogt, %get3A_352, %gather3A : vector<16xf32>
        %convert_element_type3A_369 = arith.extui %gt3A : vector<16xi1> to vector<16xi32>
        %gt3A_370 = arith.cmpf ogt, %get3A_352, %gather3A_368 : vector<16xf32>
        %convert_element_type3A_371 = arith.extui %gt3A_370 : vector<16xi1> to vector<16xi32>
        %add3A_372 = arith.addi %mul3A_8, %convert_element_type3A : vector<16xi32>
        %add3A_373 = arith.addi %convert_element_type3A_369, %convert_element_type3A_371 : vector<16xi32>
        %add3A_374 = arith.constant 32 : i32
        %add3A_375 = vector.broadcast %add3A_374 : i32 to vector<16xi32>
        %add3A_376 = arith.addi %add3A_373, %add3A_375 : vector<16xi32>
        %add3A_377 = arith.addi %add3A_372, %add3A_376 : vector<16xi32>
        %add3A_378 = arith.constant 32 : i32
        %add3A_379 = vector.broadcast %add3A_378 : i32 to vector<16xi32>
        %add3A_380 = arith.addi %add3A_377, %add3A_379 : vector<16xi32>
        tpu.vector_store_idx %arg9[%add3A_372], %broadcast_in_dim3A_5 {add = true} : memref<2048xf32, #tpu.memory_space<vmem>>[vector<16xi32>], vector<16xf32>,
        tpu.vector_store_idx %arg9[%add3A_377], %broadcast_in_dim3A_5 {add = true} : memref<2048xf32, #tpu.memory_space<vmem>>[vector<16xi32>], vector<16xf32>,
        tpu.vector_store_idx %arg9[%add3A_380], %get3A_357 {add = true} : memref<2048xf32, #tpu.memory_space<vmem>>[vector<16xi32>], vector<16xf32>,
        %add3A_381 = arith.constant 16 : i32
        %add3A_382 = arith.addi %add3A_348, %add3A_381 : i32
        %get3A_383 = arith.index_cast %add3A_338 : i32 to index
        %get3A_384 = arith.index_cast %add3A_382 : i32 to index
        %get3A_385 = tpu.vector_load %arg5[%get3A_383, %get3A_384] {strides = array<i32>} : memref<16x512xf32, #tpu.memory_space<vmem>>, vector<16xf32>,
        %add3A_386 = arith.constant 16 : i32
        %add3A_387 = arith.addi %add3A_348, %add3A_386 : i32
        %get3A_388 = arith.index_cast %add3A_338 : i32 to index
        %get3A_389 = arith.index_cast %add3A_387 : i32 to index
        %get3A_390 = tpu.vector_load %arg7[%get3A_388, %get3A_389] {strides = array<i32>} : memref<16x512xf32, #tpu.memory_space<vmem>>, vector<16xf32>,
        %mul3A_391 = arith.constant 3.000000e+01 : f32
        %mul3A_392 = vector.broadcast %mul3A_391 : f32 to vector<16xf32>
        %mul3A_393 = arith.mulf %get3A_385, %mul3A_392 : vector<16xf32>
        %convert_element_type3A_394 = arith.fptosi %mul3A_393 : vector<16xf32> to vector<16xi32>
        %mul3A_395 = arith.constant 16 : i32
        %mul3A_396 = vector.broadcast %mul3A_395 : i32 to vector<16xi32>
        %mul3A_397 = arith.muli %convert_element_type3A_394, %mul3A_396 : vector<16xi32>
        %add3A_398 = arith.addi %mul3A_397, %iota3A : vector<16xi32>
        %gather3A_399 = tpu.vector_load_idx %arg10[%add3A_398] : memref<496xf32, #tpu.memory_space<vmem>>[vector<16xi32>], vector<16xf32>,
        %add3A_400 = arith.constant 16 : i32
        %add3A_401 = vector.broadcast %add3A_400 : i32 to vector<16xi32>
        %add3A_402 = arith.addi %add3A_398, %add3A_401 : vector<16xi32>
        %gather3A_403 = tpu.vector_load_idx %arg10[%add3A_402] : memref<496xf32, #tpu.memory_space<vmem>>[vector<16xi32>], vector<16xf32>,
        %gt3A_404 = arith.cmpf ogt, %get3A_385, %gather3A_399 : vector<16xf32>
        %convert_element_type3A_405 = arith.extui %gt3A_404 : vector<16xi1> to vector<16xi32>
        %gt3A_406 = arith.cmpf ogt, %get3A_385, %gather3A_403 : vector<16xf32>
        %convert_element_type3A_407 = arith.extui %gt3A_406 : vector<16xi1> to vector<16xi32>
        %add3A_408 = arith.addi %mul3A_8, %convert_element_type3A_394 : vector<16xi32>
        %add3A_409 = arith.addi %convert_element_type3A_405, %convert_element_type3A_407 : vector<16xi32>
        %add3A_410 = arith.constant 32 : i32
        %add3A_411 = vector.broadcast %add3A_410 : i32 to vector<16xi32>
        %add3A_412 = arith.addi %add3A_409, %add3A_411 : vector<16xi32>
        %add3A_413 = arith.addi %add3A_408, %add3A_412 : vector<16xi32>
        %add3A_414 = arith.constant 32 : i32
        %add3A_415 = vector.broadcast %add3A_414 : i32 to vector<16xi32>
        %add3A_416 = arith.addi %add3A_413, %add3A_415 : vector<16xi32>
        tpu.vector_store_idx %arg9[%add3A_408], %broadcast_in_dim3A_5 {add = true} : memref<2048xf32, #tpu.memory_space<vmem>>[vector<16xi32>], vector<16xf32>,
        tpu.vector_store_idx %arg9[%add3A_413], %broadcast_in_dim3A_5 {add = true} : memref<2048xf32, #tpu.memory_space<vmem>>[vector<16xi32>], vector<16xf32>,
        tpu.vector_store_idx %arg9[%add3A_416], %get3A_390 {add = true} : memref<2048xf32, #tpu.memory_space<vmem>>[vector<16xi32>], vector<16xf32>,
        %add3A_417 = arith.constant 32 : i32
        %add3A_418 = arith.addi %add3A_348, %add3A_417 : i32
        %get3A_419 = arith.index_cast %add3A_338 : i32 to index
        %get3A_420 = arith.index_cast %add3A_418 : i32 to index
        %get3A_421 = tpu.vector_load %arg5[%get3A_419, %get3A_420] {strides = array<i32>} : memref<16x512xf32, #tpu.memory_space<vmem>>, vector<16xf32>,
        %add3A_422 = arith.constant 32 : i32
        %add3A_423 = arith.addi %add3A_348, %add3A_422 : i32
        %get3A_424 = arith.index_cast %add3A_338 : i32 to index
        %get3A_425 = arith.index_cast %add3A_423 : i32 to index
        %get3A_426 = tpu.vector_load %arg7[%get3A_424, %get3A_425] {strides = array<i32>} : memref<16x512xf32, #tpu.memory_space<vmem>>, vector<16xf32>,
        %mul3A_427 = arith.constant 3.000000e+01 : f32
        %mul3A_428 = vector.broadcast %mul3A_427 : f32 to vector<16xf32>
        %mul3A_429 = arith.mulf %get3A_421, %mul3A_428 : vector<16xf32>
        %convert_element_type3A_430 = arith.fptosi %mul3A_429 : vector<16xf32> to vector<16xi32>
        %mul3A_431 = arith.constant 16 : i32
        %mul3A_432 = vector.broadcast %mul3A_431 : i32 to vector<16xi32>
        %mul3A_433 = arith.muli %convert_element_type3A_430, %mul3A_432 : vector<16xi32>
        %add3A_434 = arith.addi %mul3A_433, %iota3A : vector<16xi32>
        %gather3A_435 = tpu.vector_load_idx %arg10[%add3A_434] : memref<496xf32, #tpu.memory_space<vmem>>[vector<16xi32>], vector<16xf32>,
        %add3A_436 = arith.constant 16 : i32
        %add3A_437 = vector.broadcast %add3A_436 : i32 to vector<16xi32>
        %add3A_438 = arith.addi %add3A_434, %add3A_437 : vector<16xi32>
        %gather3A_439 = tpu.vector_load_idx %arg10[%add3A_438] : memref<496xf32, #tpu.memory_space<vmem>>[vector<16xi32>], vector<16xf32>,
        %gt3A_440 = arith.cmpf ogt, %get3A_421, %gather3A_435 : vector<16xf32>
        %convert_element_type3A_441 = arith.extui %gt3A_440 : vector<16xi1> to vector<16xi32>
        %gt3A_442 = arith.cmpf ogt, %get3A_421, %gather3A_439 : vector<16xf32>
        %convert_element_type3A_443 = arith.extui %gt3A_442 : vector<16xi1> to vector<16xi32>
        %add3A_444 = arith.addi %mul3A_8, %convert_element_type3A_430 : vector<16xi32>
        %add3A_445 = arith.addi %convert_element_type3A_441, %convert_element_type3A_443 : vector<16xi32>
        %add3A_446 = arith.constant 32 : i32
        %add3A_447 = vector.broadcast %add3A_446 : i32 to vector<16xi32>
        %add3A_448 = arith.addi %add3A_445, %add3A_447 : vector<16xi32>
        %add3A_449 = arith.addi %add3A_444, %add3A_448 : vector<16xi32>
        %add3A_450 = arith.constant 32 : i32
        %add3A_451 = vector.broadcast %add3A_450 : i32 to vector<16xi32>
        %add3A_452 = arith.addi %add3A_449, %add3A_451 : vector<16xi32>
        tpu.vector_store_idx %arg9[%add3A_444], %broadcast_in_dim3A_5 {add = true} : memref<2048xf32, #tpu.memory_space<vmem>>[vector<16xi32>], vector<16xf32>,
        tpu.vector_store_idx %arg9[%add3A_449], %broadcast_in_dim3A_5 {add = true} : memref<2048xf32, #tpu.memory_space<vmem>>[vector<16xi32>], vector<16xf32>,
        tpu.vector_store_idx %arg9[%add3A_452], %get3A_426 {add = true} : memref<2048xf32, #tpu.memory_space<vmem>>[vector<16xi32>], vector<16xf32>,
        %add3A_453 = arith.constant 48 : i32
        %add3A_454 = arith.addi %add3A_348, %add3A_453 : i32
        %get3A_455 = arith.index_cast %add3A_338 : i32 to index
        %get3A_456 = arith.index_cast %add3A_454 : i32 to index
        %get3A_457 = tpu.vector_load %arg5[%get3A_455, %get3A_456] {strides = array<i32>} : memref<16x512xf32, #tpu.memory_space<vmem>>, vector<16xf32>,
        %add3A_458 = arith.constant 48 : i32
        %add3A_459 = arith.addi %add3A_348, %add3A_458 : i32
        %get3A_460 = arith.index_cast %add3A_338 : i32 to index
        %get3A_461 = arith.index_cast %add3A_459 : i32 to index
        %get3A_462 = tpu.vector_load %arg7[%get3A_460, %get3A_461] {strides = array<i32>} : memref<16x512xf32, #tpu.memory_space<vmem>>, vector<16xf32>,
        %mul3A_463 = arith.constant 3.000000e+01 : f32
        %mul3A_464 = vector.broadcast %mul3A_463 : f32 to vector<16xf32>
        %mul3A_465 = arith.mulf %get3A_457, %mul3A_464 : vector<16xf32>
        %convert_element_type3A_466 = arith.fptosi %mul3A_465 : vector<16xf32> to vector<16xi32>
        %mul3A_467 = arith.constant 16 : i32
        %mul3A_468 = vector.broadcast %mul3A_467 : i32 to vector<16xi32>
        %mul3A_469 = arith.muli %convert_element_type3A_466, %mul3A_468 : vector<16xi32>
        %add3A_470 = arith.addi %mul3A_469, %iota3A : vector<16xi32>
        %gather3A_471 = tpu.vector_load_idx %arg10[%add3A_470] : memref<496xf32, #tpu.memory_space<vmem>>[vector<16xi32>], vector<16xf32>,
        %add3A_472 = arith.constant 16 : i32
        %add3A_473 = vector.broadcast %add3A_472 : i32 to vector<16xi32>
        %add3A_474 = arith.addi %add3A_470, %add3A_473 : vector<16xi32>
        %gather3A_475 = tpu.vector_load_idx %arg10[%add3A_474] : memref<496xf32, #tpu.memory_space<vmem>>[vector<16xi32>], vector<16xf32>,
        %gt3A_476 = arith.cmpf ogt, %get3A_457, %gather3A_471 : vector<16xf32>
        %convert_element_type3A_477 = arith.extui %gt3A_476 : vector<16xi1> to vector<16xi32>
        %gt3A_478 = arith.cmpf ogt, %get3A_457, %gather3A_475 : vector<16xf32>
        %convert_element_type3A_479 = arith.extui %gt3A_478 : vector<16xi1> to vector<16xi32>
        %add3A_480 = arith.addi %mul3A_8, %convert_element_type3A_466 : vector<16xi32>
        %add3A_481 = arith.addi %convert_element_type3A_477, %convert_element_type3A_479 : vector<16xi32>
        %add3A_482 = arith.constant 32 : i32
        %add3A_483 = vector.broadcast %add3A_482 : i32 to vector<16xi32>
        %add3A_484 = arith.addi %add3A_481, %add3A_483 : vector<16xi32>
        %add3A_485 = arith.addi %add3A_480, %add3A_484 : vector<16xi32>
        %add3A_486 = arith.constant 32 : i32
        %add3A_487 = vector.broadcast %add3A_486 : i32 to vector<16xi32>
        %add3A_488 = arith.addi %add3A_485, %add3A_487 : vector<16xi32>
        tpu.vector_store_idx %arg9[%add3A_480], %broadcast_in_dim3A_5 {add = true} : memref<2048xf32, #tpu.memory_space<vmem>>[vector<16xi32>], vector<16xf32>,
        tpu.vector_store_idx %arg9[%add3A_485], %broadcast_in_dim3A_5 {add = true} : memref<2048xf32, #tpu.memory_space<vmem>>[vector<16xi32>], vector<16xf32>,
        tpu.vector_store_idx %arg9[%add3A_488], %get3A_462 {add = true} : memref<2048xf32, #tpu.memory_space<vmem>>[vector<16xi32>], vector<16xf32>,
      }
      %scan3A_343 = arith.constant 8 : i32
    }
    %scan3A_268 = arith.constant 16 : i32
    %add3A_269 = arith.constant 80 : i32
    %add3A_270 = arith.addi %mul3A_2, %add3A_269 : i32
    %dma_wait3A_271 = arith.constant 0 : i32
    %dma_wait3A_272 = tpu.memref_slice %arg2[%add3A_270, %dma_wait3A_271] : memref<4096x512xf32, #tpu.memory_space<hbm>> -> memref<16x512xf32, #tpu.memory_space<hbm>>
    %dma_wait3A_273 = arith.constant 0 : i32
    %dma_wait3A_274 = tpu.memref_slice %arg2[%add3A_270, %dma_wait3A_273] : memref<4096x512xf32, #tpu.memory_space<hbm>> -> memref<16x512xf32, #tpu.memory_space<hbm>>
    tpu.wait_dma2 semaphore(%arg12 : memref<!tpu.dma_semaphore, #tpu.memory_space<semaphore_mem>>) src(%dma_wait3A_274 : memref<16x512xf32, #tpu.memory_space<hbm>>) dst(%arg6 : memref<16x512xf32, #tpu.memory_space<vmem>>)
    %dma_wait3A_275 = arith.constant 0 : i32
    %dma_wait3A_276 = tpu.memref_slice %arg3[%add3A_270, %dma_wait3A_275] : memref<4096x512xf32, #tpu.memory_space<hbm>> -> memref<16x512xf32, #tpu.memory_space<hbm>>
    %dma_wait3A_277 = arith.constant 0 : i32
    %dma_wait3A_278 = tpu.memref_slice %arg3[%add3A_270, %dma_wait3A_277] : memref<4096x512xf32, #tpu.memory_space<hbm>> -> memref<16x512xf32, #tpu.memory_space<hbm>>
    tpu.wait_dma2 semaphore(%arg14 : memref<!tpu.dma_semaphore, #tpu.memory_space<semaphore_mem>>) src(%dma_wait3A_278 : memref<16x512xf32, #tpu.memory_space<hbm>>) dst(%arg8 : memref<16x512xf32, #tpu.memory_space<vmem>>)
    %add3A_279 = arith.constant 96 : i32
    %add3A_280 = arith.addi %mul3A_2, %add3A_279 : i32
    %dma_start3A_281 = arith.constant 0 : i32
    %dma_start3A_282 = tpu.memref_slice %arg2[%add3A_280, %dma_start3A_281] : memref<4096x512xf32, #tpu.memory_space<hbm>> -> memref<16x512xf32, #tpu.memory_space<hbm>>
    %dma_start3A_283 = arith.constant 0 : i32
    %dma_start3A_284 = tpu.memref_slice %arg2[%add3A_280, %dma_start3A_283] : memref<4096x512xf32, #tpu.memory_space<hbm>> -> memref<16x512xf32, #tpu.memory_space<hbm>>
    tpu.enqueue_dma source(%dma_start3A_284 : memref<16x512xf32, #tpu.memory_space<hbm>>) target(%arg5 : memref<16x512xf32, #tpu.memory_space<vmem>>) target_semaphore(%arg11 : memref<!tpu.dma_semaphore, #tpu.memory_space<semaphore_mem>>)
    %dma_start3A_285 = arith.constant 0 : i32
    %dma_start3A_286 = tpu.memref_slice %arg3[%add3A_280, %dma_start3A_285] : memref<4096x512xf32, #tpu.memory_space<hbm>> -> memref<16x512xf32, #tpu.memory_space<hbm>>
    %dma_start3A_287 = arith.constant 0 : i32
    %dma_start3A_288 = tpu.memref_slice %arg3[%add3A_280, %dma_start3A_287] : memref<4096x512xf32, #tpu.memory_space<hbm>> -> memref<16x512xf32, #tpu.memory_space<hbm>>
    tpu.enqueue_dma source(%dma_start3A_288 : memref<16x512xf32, #tpu.memory_space<hbm>>) target(%arg7 : memref<16x512xf32, #tpu.memory_space<vmem>>) target_semaphore(%arg13 : memref<!tpu.dma_semaphore, #tpu.memory_space<semaphore_mem>>)
    %scan3A_289 = arith.constant 0 : i32
    %scan3A_290 = arith.constant 16 : i32
    %scan3A_291 = arith.addi %scan3A_289, %scan3A_290 : i32
    %scan3A_292 = arith.constant 1 : i32
    scf.for %scan3A_334 = %scan3A_289 to %scan3A_291 step %scan3A_292  : i32 {
      %mul3A_335 = arith.constant 1 : i32
      %mul3A_336 = arith.muli %scan3A_334, %mul3A_335 : i32
      %add3A_337 = arith.constant 0 : i32
      %add3A_338 = arith.addi %add3A_337, %mul3A_336 : i32
      %scan3A_339 = arith.constant 0 : i32
      %scan3A_340 = arith.constant 8 : i32
      %scan3A_341 = arith.addi %scan3A_339, %scan3A_340 : i32
      %scan3A_342 = arith.constant 1 : i32
      scf.for %scan3A_344 = %scan3A_339 to %scan3A_341 step %scan3A_342  : i32 {
        %mul3A_345 = arith.constant 64 : i32
        %mul3A_346 = arith.muli %scan3A_344, %mul3A_345 : i32
        %add3A_347 = arith.constant 0 : i32
        %add3A_348 = arith.addi %add3A_347, %mul3A_346 : i32
        %add3A_349 = arith.constant 0 : i32
        %add3A_350 = arith.addi %add3A_348, %add3A_349 : i32
        %get3A = arith.index_cast %add3A_338 : i32 to index
        %get3A_351 = arith.index_cast %add3A_350 : i32 to index
        %get3A_352 = tpu.vector_load %arg6[%get3A, %get3A_351] {strides = array<i32>} : memref<16x512xf32, #tpu.memory_space<vmem>>, vector<16xf32>,
        %add3A_353 = arith.constant 0 : i32
        %add3A_354 = arith.addi %add3A_348, %add3A_353 : i32
        %get3A_355 = arith.index_cast %add3A_338 : i32 to index
        %get3A_356 = arith.index_cast %add3A_354 : i32 to index
        %get3A_357 = tpu.vector_load %arg8[%get3A_355, %get3A_356] {strides = array<i32>} : memref<16x512xf32, #tpu.memory_space<vmem>>, vector<16xf32>,
        %mul3A_358 = arith.constant 3.000000e+01 : f32
        %mul3A_359 = vector.broadcast %mul3A_358 : f32 to vector<16xf32>
        %mul3A_360 = arith.mulf %get3A_352, %mul3A_359 : vector<16xf32>
        %convert_element_type3A = arith.fptosi %mul3A_360 : vector<16xf32> to vector<16xi32>
        %mul3A_361 = arith.constant 16 : i32
        %mul3A_362 = vector.broadcast %mul3A_361 : i32 to vector<16xi32>
        %mul3A_363 = arith.muli %convert_element_type3A, %mul3A_362 : vector<16xi32>
        %add3A_364 = arith.addi %mul3A_363, %iota3A : vector<16xi32>
        %gather3A = tpu.vector_load_idx %arg10[%add3A_364] : memref<496xf32, #tpu.memory_space<vmem>>[vector<16xi32>], vector<16xf32>,
        %add3A_365 = arith.constant 16 : i32
        %add3A_366 = vector.broadcast %add3A_365 : i32 to vector<16xi32>
        %add3A_367 = arith.addi %add3A_364, %add3A_366 : vector<16xi32>
        %gather3A_368 = tpu.vector_load_idx %arg10[%add3A_367] : memref<496xf32, #tpu.memory_space<vmem>>[vector<16xi32>], vector<16xf32>,
        %gt3A = arith.cmpf ogt, %get3A_352, %gather3A : vector<16xf32>
        %convert_element_type3A_369 = arith.extui %gt3A : vector<16xi1> to vector<16xi32>
        %gt3A_370 = arith.cmpf ogt, %get3A_352, %gather3A_368 : vector<16xf32>
        %convert_element_type3A_371 = arith.extui %gt3A_370 : vector<16xi1> to vector<16xi32>
        %add3A_372 = arith.addi %mul3A_8, %convert_element_type3A : vector<16xi32>
        %add3A_373 = arith.addi %convert_element_type3A_369, %convert_element_type3A_371 : vector<16xi32>
        %add3A_374 = arith.constant 32 : i32
        %add3A_375 = vector.broadcast %add3A_374 : i32 to vector<16xi32>
        %add3A_376 = arith.addi %add3A_373, %add3A_375 : vector<16xi32>
        %add3A_377 = arith.addi %add3A_372, %add3A_376 : vector<16xi32>
        %add3A_378 = arith.constant 32 : i32
        %add3A_379 = vector.broadcast %add3A_378 : i32 to vector<16xi32>
        %add3A_380 = arith.addi %add3A_377, %add3A_379 : vector<16xi32>
        tpu.vector_store_idx %arg9[%add3A_372], %broadcast_in_dim3A_5 {add = true} : memref<2048xf32, #tpu.memory_space<vmem>>[vector<16xi32>], vector<16xf32>,
        tpu.vector_store_idx %arg9[%add3A_377], %broadcast_in_dim3A_5 {add = true} : memref<2048xf32, #tpu.memory_space<vmem>>[vector<16xi32>], vector<16xf32>,
        tpu.vector_store_idx %arg9[%add3A_380], %get3A_357 {add = true} : memref<2048xf32, #tpu.memory_space<vmem>>[vector<16xi32>], vector<16xf32>,
        %add3A_381 = arith.constant 16 : i32
        %add3A_382 = arith.addi %add3A_348, %add3A_381 : i32
        %get3A_383 = arith.index_cast %add3A_338 : i32 to index
        %get3A_384 = arith.index_cast %add3A_382 : i32 to index
        %get3A_385 = tpu.vector_load %arg6[%get3A_383, %get3A_384] {strides = array<i32>} : memref<16x512xf32, #tpu.memory_space<vmem>>, vector<16xf32>,
        %add3A_386 = arith.constant 16 : i32
        %add3A_387 = arith.addi %add3A_348, %add3A_386 : i32
        %get3A_388 = arith.index_cast %add3A_338 : i32 to index
        %get3A_389 = arith.index_cast %add3A_387 : i32 to index
        %get3A_390 = tpu.vector_load %arg8[%get3A_388, %get3A_389] {strides = array<i32>} : memref<16x512xf32, #tpu.memory_space<vmem>>, vector<16xf32>,
        %mul3A_391 = arith.constant 3.000000e+01 : f32
        %mul3A_392 = vector.broadcast %mul3A_391 : f32 to vector<16xf32>
        %mul3A_393 = arith.mulf %get3A_385, %mul3A_392 : vector<16xf32>
        %convert_element_type3A_394 = arith.fptosi %mul3A_393 : vector<16xf32> to vector<16xi32>
        %mul3A_395 = arith.constant 16 : i32
        %mul3A_396 = vector.broadcast %mul3A_395 : i32 to vector<16xi32>
        %mul3A_397 = arith.muli %convert_element_type3A_394, %mul3A_396 : vector<16xi32>
        %add3A_398 = arith.addi %mul3A_397, %iota3A : vector<16xi32>
        %gather3A_399 = tpu.vector_load_idx %arg10[%add3A_398] : memref<496xf32, #tpu.memory_space<vmem>>[vector<16xi32>], vector<16xf32>,
        %add3A_400 = arith.constant 16 : i32
        %add3A_401 = vector.broadcast %add3A_400 : i32 to vector<16xi32>
        %add3A_402 = arith.addi %add3A_398, %add3A_401 : vector<16xi32>
        %gather3A_403 = tpu.vector_load_idx %arg10[%add3A_402] : memref<496xf32, #tpu.memory_space<vmem>>[vector<16xi32>], vector<16xf32>,
        %gt3A_404 = arith.cmpf ogt, %get3A_385, %gather3A_399 : vector<16xf32>
        %convert_element_type3A_405 = arith.extui %gt3A_404 : vector<16xi1> to vector<16xi32>
        %gt3A_406 = arith.cmpf ogt, %get3A_385, %gather3A_403 : vector<16xf32>
        %convert_element_type3A_407 = arith.extui %gt3A_406 : vector<16xi1> to vector<16xi32>
        %add3A_408 = arith.addi %mul3A_8, %convert_element_type3A_394 : vector<16xi32>
        %add3A_409 = arith.addi %convert_element_type3A_405, %convert_element_type3A_407 : vector<16xi32>
        %add3A_410 = arith.constant 32 : i32
        %add3A_411 = vector.broadcast %add3A_410 : i32 to vector<16xi32>
        %add3A_412 = arith.addi %add3A_409, %add3A_411 : vector<16xi32>
        %add3A_413 = arith.addi %add3A_408, %add3A_412 : vector<16xi32>
        %add3A_414 = arith.constant 32 : i32
        %add3A_415 = vector.broadcast %add3A_414 : i32 to vector<16xi32>
        %add3A_416 = arith.addi %add3A_413, %add3A_415 : vector<16xi32>
        tpu.vector_store_idx %arg9[%add3A_408], %broadcast_in_dim3A_5 {add = true} : memref<2048xf32, #tpu.memory_space<vmem>>[vector<16xi32>], vector<16xf32>,
        tpu.vector_store_idx %arg9[%add3A_413], %broadcast_in_dim3A_5 {add = true} : memref<2048xf32, #tpu.memory_space<vmem>>[vector<16xi32>], vector<16xf32>,
        tpu.vector_store_idx %arg9[%add3A_416], %get3A_390 {add = true} : memref<2048xf32, #tpu.memory_space<vmem>>[vector<16xi32>], vector<16xf32>,
        %add3A_417 = arith.constant 32 : i32
        %add3A_418 = arith.addi %add3A_348, %add3A_417 : i32
        %get3A_419 = arith.index_cast %add3A_338 : i32 to index
        %get3A_420 = arith.index_cast %add3A_418 : i32 to index
        %get3A_421 = tpu.vector_load %arg6[%get3A_419, %get3A_420] {strides = array<i32>} : memref<16x512xf32, #tpu.memory_space<vmem>>, vector<16xf32>,
        %add3A_422 = arith.constant 32 : i32
        %add3A_423 = arith.addi %add3A_348, %add3A_422 : i32
        %get3A_424 = arith.index_cast %add3A_338 : i32 to index
        %get3A_425 = arith.index_cast %add3A_423 : i32 to index
        %get3A_426 = tpu.vector_load %arg8[%get3A_424, %get3A_425] {strides = array<i32>} : memref<16x512xf32, #tpu.memory_space<vmem>>, vector<16xf32>,
        %mul3A_427 = arith.constant 3.000000e+01 : f32
        %mul3A_428 = vector.broadcast %mul3A_427 : f32 to vector<16xf32>
        %mul3A_429 = arith.mulf %get3A_421, %mul3A_428 : vector<16xf32>
        %convert_element_type3A_430 = arith.fptosi %mul3A_429 : vector<16xf32> to vector<16xi32>
        %mul3A_431 = arith.constant 16 : i32
        %mul3A_432 = vector.broadcast %mul3A_431 : i32 to vector<16xi32>
        %mul3A_433 = arith.muli %convert_element_type3A_430, %mul3A_432 : vector<16xi32>
        %add3A_434 = arith.addi %mul3A_433, %iota3A : vector<16xi32>
        %gather3A_435 = tpu.vector_load_idx %arg10[%add3A_434] : memref<496xf32, #tpu.memory_space<vmem>>[vector<16xi32>], vector<16xf32>,
        %add3A_436 = arith.constant 16 : i32
        %add3A_437 = vector.broadcast %add3A_436 : i32 to vector<16xi32>
        %add3A_438 = arith.addi %add3A_434, %add3A_437 : vector<16xi32>
        %gather3A_439 = tpu.vector_load_idx %arg10[%add3A_438] : memref<496xf32, #tpu.memory_space<vmem>>[vector<16xi32>], vector<16xf32>,
        %gt3A_440 = arith.cmpf ogt, %get3A_421, %gather3A_435 : vector<16xf32>
        %convert_element_type3A_441 = arith.extui %gt3A_440 : vector<16xi1> to vector<16xi32>
        %gt3A_442 = arith.cmpf ogt, %get3A_421, %gather3A_439 : vector<16xf32>
        %convert_element_type3A_443 = arith.extui %gt3A_442 : vector<16xi1> to vector<16xi32>
        %add3A_444 = arith.addi %mul3A_8, %convert_element_type3A_430 : vector<16xi32>
        %add3A_445 = arith.addi %convert_element_type3A_441, %convert_element_type3A_443 : vector<16xi32>
        %add3A_446 = arith.constant 32 : i32
        %add3A_447 = vector.broadcast %add3A_446 : i32 to vector<16xi32>
        %add3A_448 = arith.addi %add3A_445, %add3A_447 : vector<16xi32>
        %add3A_449 = arith.addi %add3A_444, %add3A_448 : vector<16xi32>
        %add3A_450 = arith.constant 32 : i32
        %add3A_451 = vector.broadcast %add3A_450 : i32 to vector<16xi32>
        %add3A_452 = arith.addi %add3A_449, %add3A_451 : vector<16xi32>
        tpu.vector_store_idx %arg9[%add3A_444], %broadcast_in_dim3A_5 {add = true} : memref<2048xf32, #tpu.memory_space<vmem>>[vector<16xi32>], vector<16xf32>,
        tpu.vector_store_idx %arg9[%add3A_449], %broadcast_in_dim3A_5 {add = true} : memref<2048xf32, #tpu.memory_space<vmem>>[vector<16xi32>], vector<16xf32>,
        tpu.vector_store_idx %arg9[%add3A_452], %get3A_426 {add = true} : memref<2048xf32, #tpu.memory_space<vmem>>[vector<16xi32>], vector<16xf32>,
        %add3A_453 = arith.constant 48 : i32
        %add3A_454 = arith.addi %add3A_348, %add3A_453 : i32
        %get3A_455 = arith.index_cast %add3A_338 : i32 to index
        %get3A_456 = arith.index_cast %add3A_454 : i32 to index
        %get3A_457 = tpu.vector_load %arg6[%get3A_455, %get3A_456] {strides = array<i32>} : memref<16x512xf32, #tpu.memory_space<vmem>>, vector<16xf32>,
        %add3A_458 = arith.constant 48 : i32
        %add3A_459 = arith.addi %add3A_348, %add3A_458 : i32
        %get3A_460 = arith.index_cast %add3A_338 : i32 to index
        %get3A_461 = arith.index_cast %add3A_459 : i32 to index
        %get3A_462 = tpu.vector_load %arg8[%get3A_460, %get3A_461] {strides = array<i32>} : memref<16x512xf32, #tpu.memory_space<vmem>>, vector<16xf32>,
        %mul3A_463 = arith.constant 3.000000e+01 : f32
        %mul3A_464 = vector.broadcast %mul3A_463 : f32 to vector<16xf32>
        %mul3A_465 = arith.mulf %get3A_457, %mul3A_464 : vector<16xf32>
        %convert_element_type3A_466 = arith.fptosi %mul3A_465 : vector<16xf32> to vector<16xi32>
        %mul3A_467 = arith.constant 16 : i32
        %mul3A_468 = vector.broadcast %mul3A_467 : i32 to vector<16xi32>
        %mul3A_469 = arith.muli %convert_element_type3A_466, %mul3A_468 : vector<16xi32>
        %add3A_470 = arith.addi %mul3A_469, %iota3A : vector<16xi32>
        %gather3A_471 = tpu.vector_load_idx %arg10[%add3A_470] : memref<496xf32, #tpu.memory_space<vmem>>[vector<16xi32>], vector<16xf32>,
        %add3A_472 = arith.constant 16 : i32
        %add3A_473 = vector.broadcast %add3A_472 : i32 to vector<16xi32>
        %add3A_474 = arith.addi %add3A_470, %add3A_473 : vector<16xi32>
        %gather3A_475 = tpu.vector_load_idx %arg10[%add3A_474] : memref<496xf32, #tpu.memory_space<vmem>>[vector<16xi32>], vector<16xf32>,
        %gt3A_476 = arith.cmpf ogt, %get3A_457, %gather3A_471 : vector<16xf32>
        %convert_element_type3A_477 = arith.extui %gt3A_476 : vector<16xi1> to vector<16xi32>
        %gt3A_478 = arith.cmpf ogt, %get3A_457, %gather3A_475 : vector<16xf32>
        %convert_element_type3A_479 = arith.extui %gt3A_478 : vector<16xi1> to vector<16xi32>
        %add3A_480 = arith.addi %mul3A_8, %convert_element_type3A_466 : vector<16xi32>
        %add3A_481 = arith.addi %convert_element_type3A_477, %convert_element_type3A_479 : vector<16xi32>
        %add3A_482 = arith.constant 32 : i32
        %add3A_483 = vector.broadcast %add3A_482 : i32 to vector<16xi32>
        %add3A_484 = arith.addi %add3A_481, %add3A_483 : vector<16xi32>
        %add3A_485 = arith.addi %add3A_480, %add3A_484 : vector<16xi32>
        %add3A_486 = arith.constant 32 : i32
        %add3A_487 = vector.broadcast %add3A_486 : i32 to vector<16xi32>
        %add3A_488 = arith.addi %add3A_485, %add3A_487 : vector<16xi32>
        tpu.vector_store_idx %arg9[%add3A_480], %broadcast_in_dim3A_5 {add = true} : memref<2048xf32, #tpu.memory_space<vmem>>[vector<16xi32>], vector<16xf32>,
        tpu.vector_store_idx %arg9[%add3A_485], %broadcast_in_dim3A_5 {add = true} : memref<2048xf32, #tpu.memory_space<vmem>>[vector<16xi32>], vector<16xf32>,
        tpu.vector_store_idx %arg9[%add3A_488], %get3A_462 {add = true} : memref<2048xf32, #tpu.memory_space<vmem>>[vector<16xi32>], vector<16xf32>,
      }
      %scan3A_343 = arith.constant 8 : i32
    }
    %scan3A_293 = arith.constant 16 : i32
    %add3A_294 = arith.constant 96 : i32
    %add3A_295 = arith.addi %mul3A_2, %add3A_294 : i32
    %dma_wait3A_296 = arith.constant 0 : i32
    %dma_wait3A_297 = tpu.memref_slice %arg2[%add3A_295, %dma_wait3A_296] : memref<4096x512xf32, #tpu.memory_space<hbm>> -> memref<16x512xf32, #tpu.memory_space<hbm>>
    %dma_wait3A_298 = arith.constant 0 : i32
    %dma_wait3A_299 = tpu.memref_slice %arg2[%add3A_295, %dma_wait3A_298] : memref<4096x512xf32, #tpu.memory_space<hbm>> -> memref<16x512xf32, #tpu.memory_space<hbm>>
    tpu.wait_dma2 semaphore(%arg11 : memref<!tpu.dma_semaphore, #tpu.memory_space<semaphore_mem>>) src(%dma_wait3A_299 : memref<16x512xf32, #tpu.memory_space<hbm>>) dst(%arg5 : memref<16x512xf32, #tpu.memory_space<vmem>>)
    %dma_wait3A_300 = arith.constant 0 : i32
    %dma_wait3A_301 = tpu.memref_slice %arg3[%add3A_295, %dma_wait3A_300] : memref<4096x512xf32, #tpu.memory_space<hbm>> -> memref<16x512xf32, #tpu.memory_space<hbm>>
    %dma_wait3A_302 = arith.constant 0 : i32
    %dma_wait3A_303 = tpu.memref_slice %arg3[%add3A_295, %dma_wait3A_302] : memref<4096x512xf32, #tpu.memory_space<hbm>> -> memref<16x512xf32, #tpu.memory_space<hbm>>
    tpu.wait_dma2 semaphore(%arg13 : memref<!tpu.dma_semaphore, #tpu.memory_space<semaphore_mem>>) src(%dma_wait3A_303 : memref<16x512xf32, #tpu.memory_space<hbm>>) dst(%arg7 : memref<16x512xf32, #tpu.memory_space<vmem>>)
    %add3A_304 = arith.constant 112 : i32
    %add3A_305 = arith.addi %mul3A_2, %add3A_304 : i32
    %dma_start3A_306 = arith.constant 0 : i32
    %dma_start3A_307 = tpu.memref_slice %arg2[%add3A_305, %dma_start3A_306] : memref<4096x512xf32, #tpu.memory_space<hbm>> -> memref<16x512xf32, #tpu.memory_space<hbm>>
    %dma_start3A_308 = arith.constant 0 : i32
    %dma_start3A_309 = tpu.memref_slice %arg2[%add3A_305, %dma_start3A_308] : memref<4096x512xf32, #tpu.memory_space<hbm>> -> memref<16x512xf32, #tpu.memory_space<hbm>>
    tpu.enqueue_dma source(%dma_start3A_309 : memref<16x512xf32, #tpu.memory_space<hbm>>) target(%arg6 : memref<16x512xf32, #tpu.memory_space<vmem>>) target_semaphore(%arg12 : memref<!tpu.dma_semaphore, #tpu.memory_space<semaphore_mem>>)
    %dma_start3A_310 = arith.constant 0 : i32
    %dma_start3A_311 = tpu.memref_slice %arg3[%add3A_305, %dma_start3A_310] : memref<4096x512xf32, #tpu.memory_space<hbm>> -> memref<16x512xf32, #tpu.memory_space<hbm>>
    %dma_start3A_312 = arith.constant 0 : i32
    %dma_start3A_313 = tpu.memref_slice %arg3[%add3A_305, %dma_start3A_312] : memref<4096x512xf32, #tpu.memory_space<hbm>> -> memref<16x512xf32, #tpu.memory_space<hbm>>
    tpu.enqueue_dma source(%dma_start3A_313 : memref<16x512xf32, #tpu.memory_space<hbm>>) target(%arg8 : memref<16x512xf32, #tpu.memory_space<vmem>>) target_semaphore(%arg14 : memref<!tpu.dma_semaphore, #tpu.memory_space<semaphore_mem>>)
    %scan3A_314 = arith.constant 0 : i32
    %scan3A_315 = arith.constant 16 : i32
    %scan3A_316 = arith.addi %scan3A_314, %scan3A_315 : i32
    %scan3A_317 = arith.constant 1 : i32
    scf.for %scan3A_334 = %scan3A_314 to %scan3A_316 step %scan3A_317  : i32 {
      %mul3A_335 = arith.constant 1 : i32
      %mul3A_336 = arith.muli %scan3A_334, %mul3A_335 : i32
      %add3A_337 = arith.constant 0 : i32
      %add3A_338 = arith.addi %add3A_337, %mul3A_336 : i32
      %scan3A_339 = arith.constant 0 : i32
      %scan3A_340 = arith.constant 8 : i32
      %scan3A_341 = arith.addi %scan3A_339, %scan3A_340 : i32
      %scan3A_342 = arith.constant 1 : i32
      scf.for %scan3A_344 = %scan3A_339 to %scan3A_341 step %scan3A_342  : i32 {
        %mul3A_345 = arith.constant 64 : i32
        %mul3A_346 = arith.muli %scan3A_344, %mul3A_345 : i32
        %add3A_347 = arith.constant 0 : i32
        %add3A_348 = arith.addi %add3A_347, %mul3A_346 : i32
        %add3A_349 = arith.constant 0 : i32
        %add3A_350 = arith.addi %add3A_348, %add3A_349 : i32
        %get3A = arith.index_cast %add3A_338 : i32 to index
        %get3A_351 = arith.index_cast %add3A_350 : i32 to index
        %get3A_352 = tpu.vector_load %arg5[%get3A, %get3A_351] {strides = array<i32>} : memref<16x512xf32, #tpu.memory_space<vmem>>, vector<16xf32>,
        %add3A_353 = arith.constant 0 : i32
        %add3A_354 = arith.addi %add3A_348, %add3A_353 : i32
        %get3A_355 = arith.index_cast %add3A_338 : i32 to index
        %get3A_356 = arith.index_cast %add3A_354 : i32 to index
        %get3A_357 = tpu.vector_load %arg7[%get3A_355, %get3A_356] {strides = array<i32>} : memref<16x512xf32, #tpu.memory_space<vmem>>, vector<16xf32>,
        %mul3A_358 = arith.constant 3.000000e+01 : f32
        %mul3A_359 = vector.broadcast %mul3A_358 : f32 to vector<16xf32>
        %mul3A_360 = arith.mulf %get3A_352, %mul3A_359 : vector<16xf32>
        %convert_element_type3A = arith.fptosi %mul3A_360 : vector<16xf32> to vector<16xi32>
        %mul3A_361 = arith.constant 16 : i32
        %mul3A_362 = vector.broadcast %mul3A_361 : i32 to vector<16xi32>
        %mul3A_363 = arith.muli %convert_element_type3A, %mul3A_362 : vector<16xi32>
        %add3A_364 = arith.addi %mul3A_363, %iota3A : vector<16xi32>
        %gather3A = tpu.vector_load_idx %arg10[%add3A_364] : memref<496xf32, #tpu.memory_space<vmem>>[vector<16xi32>], vector<16xf32>,
        %add3A_365 = arith.constant 16 : i32
        %add3A_366 = vector.broadcast %add3A_365 : i32 to vector<16xi32>
        %add3A_367 = arith.addi %add3A_364, %add3A_366 : vector<16xi32>
        %gather3A_368 = tpu.vector_load_idx %arg10[%add3A_367] : memref<496xf32, #tpu.memory_space<vmem>>[vector<16xi32>], vector<16xf32>,
        %gt3A = arith.cmpf ogt, %get3A_352, %gather3A : vector<16xf32>
        %convert_element_type3A_369 = arith.extui %gt3A : vector<16xi1> to vector<16xi32>
        %gt3A_370 = arith.cmpf ogt, %get3A_352, %gather3A_368 : vector<16xf32>
        %convert_element_type3A_371 = arith.extui %gt3A_370 : vector<16xi1> to vector<16xi32>
        %add3A_372 = arith.addi %mul3A_8, %convert_element_type3A : vector<16xi32>
        %add3A_373 = arith.addi %convert_element_type3A_369, %convert_element_type3A_371 : vector<16xi32>
        %add3A_374 = arith.constant 32 : i32
        %add3A_375 = vector.broadcast %add3A_374 : i32 to vector<16xi32>
        %add3A_376 = arith.addi %add3A_373, %add3A_375 : vector<16xi32>
        %add3A_377 = arith.addi %add3A_372, %add3A_376 : vector<16xi32>
        %add3A_378 = arith.constant 32 : i32
        %add3A_379 = vector.broadcast %add3A_378 : i32 to vector<16xi32>
        %add3A_380 = arith.addi %add3A_377, %add3A_379 : vector<16xi32>
        tpu.vector_store_idx %arg9[%add3A_372], %broadcast_in_dim3A_5 {add = true} : memref<2048xf32, #tpu.memory_space<vmem>>[vector<16xi32>], vector<16xf32>,
        tpu.vector_store_idx %arg9[%add3A_377], %broadcast_in_dim3A_5 {add = true} : memref<2048xf32, #tpu.memory_space<vmem>>[vector<16xi32>], vector<16xf32>,
        tpu.vector_store_idx %arg9[%add3A_380], %get3A_357 {add = true} : memref<2048xf32, #tpu.memory_space<vmem>>[vector<16xi32>], vector<16xf32>,
        %add3A_381 = arith.constant 16 : i32
        %add3A_382 = arith.addi %add3A_348, %add3A_381 : i32
        %get3A_383 = arith.index_cast %add3A_338 : i32 to index
        %get3A_384 = arith.index_cast %add3A_382 : i32 to index
        %get3A_385 = tpu.vector_load %arg5[%get3A_383, %get3A_384] {strides = array<i32>} : memref<16x512xf32, #tpu.memory_space<vmem>>, vector<16xf32>,
        %add3A_386 = arith.constant 16 : i32
        %add3A_387 = arith.addi %add3A_348, %add3A_386 : i32
        %get3A_388 = arith.index_cast %add3A_338 : i32 to index
        %get3A_389 = arith.index_cast %add3A_387 : i32 to index
        %get3A_390 = tpu.vector_load %arg7[%get3A_388, %get3A_389] {strides = array<i32>} : memref<16x512xf32, #tpu.memory_space<vmem>>, vector<16xf32>,
        %mul3A_391 = arith.constant 3.000000e+01 : f32
        %mul3A_392 = vector.broadcast %mul3A_391 : f32 to vector<16xf32>
        %mul3A_393 = arith.mulf %get3A_385, %mul3A_392 : vector<16xf32>
        %convert_element_type3A_394 = arith.fptosi %mul3A_393 : vector<16xf32> to vector<16xi32>
        %mul3A_395 = arith.constant 16 : i32
        %mul3A_396 = vector.broadcast %mul3A_395 : i32 to vector<16xi32>
        %mul3A_397 = arith.muli %convert_element_type3A_394, %mul3A_396 : vector<16xi32>
        %add3A_398 = arith.addi %mul3A_397, %iota3A : vector<16xi32>
        %gather3A_399 = tpu.vector_load_idx %arg10[%add3A_398] : memref<496xf32, #tpu.memory_space<vmem>>[vector<16xi32>], vector<16xf32>,
        %add3A_400 = arith.constant 16 : i32
        %add3A_401 = vector.broadcast %add3A_400 : i32 to vector<16xi32>
        %add3A_402 = arith.addi %add3A_398, %add3A_401 : vector<16xi32>
        %gather3A_403 = tpu.vector_load_idx %arg10[%add3A_402] : memref<496xf32, #tpu.memory_space<vmem>>[vector<16xi32>], vector<16xf32>,
        %gt3A_404 = arith.cmpf ogt, %get3A_385, %gather3A_399 : vector<16xf32>
        %convert_element_type3A_405 = arith.extui %gt3A_404 : vector<16xi1> to vector<16xi32>
        %gt3A_406 = arith.cmpf ogt, %get3A_385, %gather3A_403 : vector<16xf32>
        %convert_element_type3A_407 = arith.extui %gt3A_406 : vector<16xi1> to vector<16xi32>
        %add3A_408 = arith.addi %mul3A_8, %convert_element_type3A_394 : vector<16xi32>
        %add3A_409 = arith.addi %convert_element_type3A_405, %convert_element_type3A_407 : vector<16xi32>
        %add3A_410 = arith.constant 32 : i32
        %add3A_411 = vector.broadcast %add3A_410 : i32 to vector<16xi32>
        %add3A_412 = arith.addi %add3A_409, %add3A_411 : vector<16xi32>
        %add3A_413 = arith.addi %add3A_408, %add3A_412 : vector<16xi32>
        %add3A_414 = arith.constant 32 : i32
        %add3A_415 = vector.broadcast %add3A_414 : i32 to vector<16xi32>
        %add3A_416 = arith.addi %add3A_413, %add3A_415 : vector<16xi32>
        tpu.vector_store_idx %arg9[%add3A_408], %broadcast_in_dim3A_5 {add = true} : memref<2048xf32, #tpu.memory_space<vmem>>[vector<16xi32>], vector<16xf32>,
        tpu.vector_store_idx %arg9[%add3A_413], %broadcast_in_dim3A_5 {add = true} : memref<2048xf32, #tpu.memory_space<vmem>>[vector<16xi32>], vector<16xf32>,
        tpu.vector_store_idx %arg9[%add3A_416], %get3A_390 {add = true} : memref<2048xf32, #tpu.memory_space<vmem>>[vector<16xi32>], vector<16xf32>,
        %add3A_417 = arith.constant 32 : i32
        %add3A_418 = arith.addi %add3A_348, %add3A_417 : i32
        %get3A_419 = arith.index_cast %add3A_338 : i32 to index
        %get3A_420 = arith.index_cast %add3A_418 : i32 to index
        %get3A_421 = tpu.vector_load %arg5[%get3A_419, %get3A_420] {strides = array<i32>} : memref<16x512xf32, #tpu.memory_space<vmem>>, vector<16xf32>,
        %add3A_422 = arith.constant 32 : i32
        %add3A_423 = arith.addi %add3A_348, %add3A_422 : i32
        %get3A_424 = arith.index_cast %add3A_338 : i32 to index
        %get3A_425 = arith.index_cast %add3A_423 : i32 to index
        %get3A_426 = tpu.vector_load %arg7[%get3A_424, %get3A_425] {strides = array<i32>} : memref<16x512xf32, #tpu.memory_space<vmem>>, vector<16xf32>,
        %mul3A_427 = arith.constant 3.000000e+01 : f32
        %mul3A_428 = vector.broadcast %mul3A_427 : f32 to vector<16xf32>
        %mul3A_429 = arith.mulf %get3A_421, %mul3A_428 : vector<16xf32>
        %convert_element_type3A_430 = arith.fptosi %mul3A_429 : vector<16xf32> to vector<16xi32>
        %mul3A_431 = arith.constant 16 : i32
        %mul3A_432 = vector.broadcast %mul3A_431 : i32 to vector<16xi32>
        %mul3A_433 = arith.muli %convert_element_type3A_430, %mul3A_432 : vector<16xi32>
        %add3A_434 = arith.addi %mul3A_433, %iota3A : vector<16xi32>
        %gather3A_435 = tpu.vector_load_idx %arg10[%add3A_434] : memref<496xf32, #tpu.memory_space<vmem>>[vector<16xi32>], vector<16xf32>,
        %add3A_436 = arith.constant 16 : i32
        %add3A_437 = vector.broadcast %add3A_436 : i32 to vector<16xi32>
        %add3A_438 = arith.addi %add3A_434, %add3A_437 : vector<16xi32>
        %gather3A_439 = tpu.vector_load_idx %arg10[%add3A_438] : memref<496xf32, #tpu.memory_space<vmem>>[vector<16xi32>], vector<16xf32>,
        %gt3A_440 = arith.cmpf ogt, %get3A_421, %gather3A_435 : vector<16xf32>
        %convert_element_type3A_441 = arith.extui %gt3A_440 : vector<16xi1> to vector<16xi32>
        %gt3A_442 = arith.cmpf ogt, %get3A_421, %gather3A_439 : vector<16xf32>
        %convert_element_type3A_443 = arith.extui %gt3A_442 : vector<16xi1> to vector<16xi32>
        %add3A_444 = arith.addi %mul3A_8, %convert_element_type3A_430 : vector<16xi32>
        %add3A_445 = arith.addi %convert_element_type3A_441, %convert_element_type3A_443 : vector<16xi32>
        %add3A_446 = arith.constant 32 : i32
        %add3A_447 = vector.broadcast %add3A_446 : i32 to vector<16xi32>
        %add3A_448 = arith.addi %add3A_445, %add3A_447 : vector<16xi32>
        %add3A_449 = arith.addi %add3A_444, %add3A_448 : vector<16xi32>
        %add3A_450 = arith.constant 32 : i32
        %add3A_451 = vector.broadcast %add3A_450 : i32 to vector<16xi32>
        %add3A_452 = arith.addi %add3A_449, %add3A_451 : vector<16xi32>
        tpu.vector_store_idx %arg9[%add3A_444], %broadcast_in_dim3A_5 {add = true} : memref<2048xf32, #tpu.memory_space<vmem>>[vector<16xi32>], vector<16xf32>,
        tpu.vector_store_idx %arg9[%add3A_449], %broadcast_in_dim3A_5 {add = true} : memref<2048xf32, #tpu.memory_space<vmem>>[vector<16xi32>], vector<16xf32>,
        tpu.vector_store_idx %arg9[%add3A_452], %get3A_426 {add = true} : memref<2048xf32, #tpu.memory_space<vmem>>[vector<16xi32>], vector<16xf32>,
        %add3A_453 = arith.constant 48 : i32
        %add3A_454 = arith.addi %add3A_348, %add3A_453 : i32
        %get3A_455 = arith.index_cast %add3A_338 : i32 to index
        %get3A_456 = arith.index_cast %add3A_454 : i32 to index
        %get3A_457 = tpu.vector_load %arg5[%get3A_455, %get3A_456] {strides = array<i32>} : memref<16x512xf32, #tpu.memory_space<vmem>>, vector<16xf32>,
        %add3A_458 = arith.constant 48 : i32
        %add3A_459 = arith.addi %add3A_348, %add3A_458 : i32
        %get3A_460 = arith.index_cast %add3A_338 : i32 to index
        %get3A_461 = arith.index_cast %add3A_459 : i32 to index
        %get3A_462 = tpu.vector_load %arg7[%get3A_460, %get3A_461] {strides = array<i32>} : memref<16x512xf32, #tpu.memory_space<vmem>>, vector<16xf32>,
        %mul3A_463 = arith.constant 3.000000e+01 : f32
        %mul3A_464 = vector.broadcast %mul3A_463 : f32 to vector<16xf32>
        %mul3A_465 = arith.mulf %get3A_457, %mul3A_464 : vector<16xf32>
        %convert_element_type3A_466 = arith.fptosi %mul3A_465 : vector<16xf32> to vector<16xi32>
        %mul3A_467 = arith.constant 16 : i32
        %mul3A_468 = vector.broadcast %mul3A_467 : i32 to vector<16xi32>
        %mul3A_469 = arith.muli %convert_element_type3A_466, %mul3A_468 : vector<16xi32>
        %add3A_470 = arith.addi %mul3A_469, %iota3A : vector<16xi32>
        %gather3A_471 = tpu.vector_load_idx %arg10[%add3A_470] : memref<496xf32, #tpu.memory_space<vmem>>[vector<16xi32>], vector<16xf32>,
        %add3A_472 = arith.constant 16 : i32
        %add3A_473 = vector.broadcast %add3A_472 : i32 to vector<16xi32>
        %add3A_474 = arith.addi %add3A_470, %add3A_473 : vector<16xi32>
        %gather3A_475 = tpu.vector_load_idx %arg10[%add3A_474] : memref<496xf32, #tpu.memory_space<vmem>>[vector<16xi32>], vector<16xf32>,
        %gt3A_476 = arith.cmpf ogt, %get3A_457, %gather3A_471 : vector<16xf32>
        %convert_element_type3A_477 = arith.extui %gt3A_476 : vector<16xi1> to vector<16xi32>
        %gt3A_478 = arith.cmpf ogt, %get3A_457, %gather3A_475 : vector<16xf32>
        %convert_element_type3A_479 = arith.extui %gt3A_478 : vector<16xi1> to vector<16xi32>
        %add3A_480 = arith.addi %mul3A_8, %convert_element_type3A_466 : vector<16xi32>
        %add3A_481 = arith.addi %convert_element_type3A_477, %convert_element_type3A_479 : vector<16xi32>
        %add3A_482 = arith.constant 32 : i32
        %add3A_483 = vector.broadcast %add3A_482 : i32 to vector<16xi32>
        %add3A_484 = arith.addi %add3A_481, %add3A_483 : vector<16xi32>
        %add3A_485 = arith.addi %add3A_480, %add3A_484 : vector<16xi32>
        %add3A_486 = arith.constant 32 : i32
        %add3A_487 = vector.broadcast %add3A_486 : i32 to vector<16xi32>
        %add3A_488 = arith.addi %add3A_485, %add3A_487 : vector<16xi32>
        tpu.vector_store_idx %arg9[%add3A_480], %broadcast_in_dim3A_5 {add = true} : memref<2048xf32, #tpu.memory_space<vmem>>[vector<16xi32>], vector<16xf32>,
        tpu.vector_store_idx %arg9[%add3A_485], %broadcast_in_dim3A_5 {add = true} : memref<2048xf32, #tpu.memory_space<vmem>>[vector<16xi32>], vector<16xf32>,
        tpu.vector_store_idx %arg9[%add3A_488], %get3A_462 {add = true} : memref<2048xf32, #tpu.memory_space<vmem>>[vector<16xi32>], vector<16xf32>,
      }
      %scan3A_343 = arith.constant 8 : i32
    }
    %scan3A_318 = arith.constant 16 : i32
    %add3A_319 = arith.constant 112 : i32
    %add3A_320 = arith.addi %mul3A_2, %add3A_319 : i32
    %dma_wait3A_321 = arith.constant 0 : i32
    %dma_wait3A_322 = tpu.memref_slice %arg2[%add3A_320, %dma_wait3A_321] : memref<4096x512xf32, #tpu.memory_space<hbm>> -> memref<16x512xf32, #tpu.memory_space<hbm>>
    %dma_wait3A_323 = arith.constant 0 : i32
    %dma_wait3A_324 = tpu.memref_slice %arg2[%add3A_320, %dma_wait3A_323] : memref<4096x512xf32, #tpu.memory_space<hbm>> -> memref<16x512xf32, #tpu.memory_space<hbm>>
    tpu.wait_dma2 semaphore(%arg12 : memref<!tpu.dma_semaphore, #tpu.memory_space<semaphore_mem>>) src(%dma_wait3A_324 : memref<16x512xf32, #tpu.memory_space<hbm>>) dst(%arg6 : memref<16x512xf32, #tpu.memory_space<vmem>>)
    %dma_wait3A_325 = arith.constant 0 : i32
    %dma_wait3A_326 = tpu.memref_slice %arg3[%add3A_320, %dma_wait3A_325] : memref<4096x512xf32, #tpu.memory_space<hbm>> -> memref<16x512xf32, #tpu.memory_space<hbm>>
    %dma_wait3A_327 = arith.constant 0 : i32
    %dma_wait3A_328 = tpu.memref_slice %arg3[%add3A_320, %dma_wait3A_327] : memref<4096x512xf32, #tpu.memory_space<hbm>> -> memref<16x512xf32, #tpu.memory_space<hbm>>
    tpu.wait_dma2 semaphore(%arg14 : memref<!tpu.dma_semaphore, #tpu.memory_space<semaphore_mem>>) src(%dma_wait3A_328 : memref<16x512xf32, #tpu.memory_space<hbm>>) dst(%arg8 : memref<16x512xf32, #tpu.memory_space<vmem>>)
    %scan3A_329 = arith.constant 0 : i32
    %scan3A_330 = arith.constant 16 : i32
    %scan3A_331 = arith.addi %scan3A_329, %scan3A_330 : i32
    %scan3A_332 = arith.constant 1 : i32
    scf.for %scan3A_334 = %scan3A_329 to %scan3A_331 step %scan3A_332  : i32 {
      %mul3A_335 = arith.constant 1 : i32
      %mul3A_336 = arith.muli %scan3A_334, %mul3A_335 : i32
      %add3A_337 = arith.constant 0 : i32
      %add3A_338 = arith.addi %add3A_337, %mul3A_336 : i32
      %scan3A_339 = arith.constant 0 : i32
      %scan3A_340 = arith.constant 8 : i32
      %scan3A_341 = arith.addi %scan3A_339, %scan3A_340 : i32
      %scan3A_342 = arith.constant 1 : i32
      scf.for %scan3A_344 = %scan3A_339 to %scan3A_341 step %scan3A_342  : i32 {
        %mul3A_345 = arith.constant 64 : i32
        %mul3A_346 = arith.muli %scan3A_344, %mul3A_345 : i32
        %add3A_347 = arith.constant 0 : i32
        %add3A_348 = arith.addi %add3A_347, %mul3A_346 : i32
        %add3A_349 = arith.constant 0 : i32
        %add3A_350 = arith.addi %add3A_348, %add3A_349 : i32
        %get3A = arith.index_cast %add3A_338 : i32 to index
        %get3A_351 = arith.index_cast %add3A_350 : i32 to index
        %get3A_352 = tpu.vector_load %arg6[%get3A, %get3A_351] {strides = array<i32>} : memref<16x512xf32, #tpu.memory_space<vmem>>, vector<16xf32>,
        %add3A_353 = arith.constant 0 : i32
        %add3A_354 = arith.addi %add3A_348, %add3A_353 : i32
        %get3A_355 = arith.index_cast %add3A_338 : i32 to index
        %get3A_356 = arith.index_cast %add3A_354 : i32 to index
        %get3A_357 = tpu.vector_load %arg8[%get3A_355, %get3A_356] {strides = array<i32>} : memref<16x512xf32, #tpu.memory_space<vmem>>, vector<16xf32>,
        %mul3A_358 = arith.constant 3.000000e+01 : f32
        %mul3A_359 = vector.broadcast %mul3A_358 : f32 to vector<16xf32>
        %mul3A_360 = arith.mulf %get3A_352, %mul3A_359 : vector<16xf32>
        %convert_element_type3A = arith.fptosi %mul3A_360 : vector<16xf32> to vector<16xi32>
        %mul3A_361 = arith.constant 16 : i32
        %mul3A_362 = vector.broadcast %mul3A_361 : i32 to vector<16xi32>
        %mul3A_363 = arith.muli %convert_element_type3A, %mul3A_362 : vector<16xi32>
        %add3A_364 = arith.addi %mul3A_363, %iota3A : vector<16xi32>
        %gather3A = tpu.vector_load_idx %arg10[%add3A_364] : memref<496xf32, #tpu.memory_space<vmem>>[vector<16xi32>], vector<16xf32>,
        %add3A_365 = arith.constant 16 : i32
        %add3A_366 = vector.broadcast %add3A_365 : i32 to vector<16xi32>
        %add3A_367 = arith.addi %add3A_364, %add3A_366 : vector<16xi32>
        %gather3A_368 = tpu.vector_load_idx %arg10[%add3A_367] : memref<496xf32, #tpu.memory_space<vmem>>[vector<16xi32>], vector<16xf32>,
        %gt3A = arith.cmpf ogt, %get3A_352, %gather3A : vector<16xf32>
        %convert_element_type3A_369 = arith.extui %gt3A : vector<16xi1> to vector<16xi32>
        %gt3A_370 = arith.cmpf ogt, %get3A_352, %gather3A_368 : vector<16xf32>
        %convert_element_type3A_371 = arith.extui %gt3A_370 : vector<16xi1> to vector<16xi32>
        %add3A_372 = arith.addi %mul3A_8, %convert_element_type3A : vector<16xi32>
        %add3A_373 = arith.addi %convert_element_type3A_369, %convert_element_type3A_371 : vector<16xi32>
        %add3A_374 = arith.constant 32 : i32
        %add3A_375 = vector.broadcast %add3A_374 : i32 to vector<16xi32>
        %add3A_376 = arith.addi %add3A_373, %add3A_375 : vector<16xi32>
        %add3A_377 = arith.addi %add3A_372, %add3A_376 : vector<16xi32>
        %add3A_378 = arith.constant 32 : i32
        %add3A_379 = vector.broadcast %add3A_378 : i32 to vector<16xi32>
        %add3A_380 = arith.addi %add3A_377, %add3A_379 : vector<16xi32>
        tpu.vector_store_idx %arg9[%add3A_372], %broadcast_in_dim3A_5 {add = true} : memref<2048xf32, #tpu.memory_space<vmem>>[vector<16xi32>], vector<16xf32>,
        tpu.vector_store_idx %arg9[%add3A_377], %broadcast_in_dim3A_5 {add = true} : memref<2048xf32, #tpu.memory_space<vmem>>[vector<16xi32>], vector<16xf32>,
        tpu.vector_store_idx %arg9[%add3A_380], %get3A_357 {add = true} : memref<2048xf32, #tpu.memory_space<vmem>>[vector<16xi32>], vector<16xf32>,
        %add3A_381 = arith.constant 16 : i32
        %add3A_382 = arith.addi %add3A_348, %add3A_381 : i32
        %get3A_383 = arith.index_cast %add3A_338 : i32 to index
        %get3A_384 = arith.index_cast %add3A_382 : i32 to index
        %get3A_385 = tpu.vector_load %arg6[%get3A_383, %get3A_384] {strides = array<i32>} : memref<16x512xf32, #tpu.memory_space<vmem>>, vector<16xf32>,
        %add3A_386 = arith.constant 16 : i32
        %add3A_387 = arith.addi %add3A_348, %add3A_386 : i32
        %get3A_388 = arith.index_cast %add3A_338 : i32 to index
        %get3A_389 = arith.index_cast %add3A_387 : i32 to index
        %get3A_390 = tpu.vector_load %arg8[%get3A_388, %get3A_389] {strides = array<i32>} : memref<16x512xf32, #tpu.memory_space<vmem>>, vector<16xf32>,
        %mul3A_391 = arith.constant 3.000000e+01 : f32
        %mul3A_392 = vector.broadcast %mul3A_391 : f32 to vector<16xf32>
        %mul3A_393 = arith.mulf %get3A_385, %mul3A_392 : vector<16xf32>
        %convert_element_type3A_394 = arith.fptosi %mul3A_393 : vector<16xf32> to vector<16xi32>
        %mul3A_395 = arith.constant 16 : i32
        %mul3A_396 = vector.broadcast %mul3A_395 : i32 to vector<16xi32>
        %mul3A_397 = arith.muli %convert_element_type3A_394, %mul3A_396 : vector<16xi32>
        %add3A_398 = arith.addi %mul3A_397, %iota3A : vector<16xi32>
        %gather3A_399 = tpu.vector_load_idx %arg10[%add3A_398] : memref<496xf32, #tpu.memory_space<vmem>>[vector<16xi32>], vector<16xf32>,
        %add3A_400 = arith.constant 16 : i32
        %add3A_401 = vector.broadcast %add3A_400 : i32 to vector<16xi32>
        %add3A_402 = arith.addi %add3A_398, %add3A_401 : vector<16xi32>
        %gather3A_403 = tpu.vector_load_idx %arg10[%add3A_402] : memref<496xf32, #tpu.memory_space<vmem>>[vector<16xi32>], vector<16xf32>,
        %gt3A_404 = arith.cmpf ogt, %get3A_385, %gather3A_399 : vector<16xf32>
        %convert_element_type3A_405 = arith.extui %gt3A_404 : vector<16xi1> to vector<16xi32>
        %gt3A_406 = arith.cmpf ogt, %get3A_385, %gather3A_403 : vector<16xf32>
        %convert_element_type3A_407 = arith.extui %gt3A_406 : vector<16xi1> to vector<16xi32>
        %add3A_408 = arith.addi %mul3A_8, %convert_element_type3A_394 : vector<16xi32>
        %add3A_409 = arith.addi %convert_element_type3A_405, %convert_element_type3A_407 : vector<16xi32>
        %add3A_410 = arith.constant 32 : i32
        %add3A_411 = vector.broadcast %add3A_410 : i32 to vector<16xi32>
        %add3A_412 = arith.addi %add3A_409, %add3A_411 : vector<16xi32>
        %add3A_413 = arith.addi %add3A_408, %add3A_412 : vector<16xi32>
        %add3A_414 = arith.constant 32 : i32
        %add3A_415 = vector.broadcast %add3A_414 : i32 to vector<16xi32>
        %add3A_416 = arith.addi %add3A_413, %add3A_415 : vector<16xi32>
        tpu.vector_store_idx %arg9[%add3A_408], %broadcast_in_dim3A_5 {add = true} : memref<2048xf32, #tpu.memory_space<vmem>>[vector<16xi32>], vector<16xf32>,
        tpu.vector_store_idx %arg9[%add3A_413], %broadcast_in_dim3A_5 {add = true} : memref<2048xf32, #tpu.memory_space<vmem>>[vector<16xi32>], vector<16xf32>,
        tpu.vector_store_idx %arg9[%add3A_416], %get3A_390 {add = true} : memref<2048xf32, #tpu.memory_space<vmem>>[vector<16xi32>], vector<16xf32>,
        %add3A_417 = arith.constant 32 : i32
        %add3A_418 = arith.addi %add3A_348, %add3A_417 : i32
        %get3A_419 = arith.index_cast %add3A_338 : i32 to index
        %get3A_420 = arith.index_cast %add3A_418 : i32 to index
        %get3A_421 = tpu.vector_load %arg6[%get3A_419, %get3A_420] {strides = array<i32>} : memref<16x512xf32, #tpu.memory_space<vmem>>, vector<16xf32>,
        %add3A_422 = arith.constant 32 : i32
        %add3A_423 = arith.addi %add3A_348, %add3A_422 : i32
        %get3A_424 = arith.index_cast %add3A_338 : i32 to index
        %get3A_425 = arith.index_cast %add3A_423 : i32 to index
        %get3A_426 = tpu.vector_load %arg8[%get3A_424, %get3A_425] {strides = array<i32>} : memref<16x512xf32, #tpu.memory_space<vmem>>, vector<16xf32>,
        %mul3A_427 = arith.constant 3.000000e+01 : f32
        %mul3A_428 = vector.broadcast %mul3A_427 : f32 to vector<16xf32>
        %mul3A_429 = arith.mulf %get3A_421, %mul3A_428 : vector<16xf32>
        %convert_element_type3A_430 = arith.fptosi %mul3A_429 : vector<16xf32> to vector<16xi32>
        %mul3A_431 = arith.constant 16 : i32
        %mul3A_432 = vector.broadcast %mul3A_431 : i32 to vector<16xi32>
        %mul3A_433 = arith.muli %convert_element_type3A_430, %mul3A_432 : vector<16xi32>
        %add3A_434 = arith.addi %mul3A_433, %iota3A : vector<16xi32>
        %gather3A_435 = tpu.vector_load_idx %arg10[%add3A_434] : memref<496xf32, #tpu.memory_space<vmem>>[vector<16xi32>], vector<16xf32>,
        %add3A_436 = arith.constant 16 : i32
        %add3A_437 = vector.broadcast %add3A_436 : i32 to vector<16xi32>
        %add3A_438 = arith.addi %add3A_434, %add3A_437 : vector<16xi32>
        %gather3A_439 = tpu.vector_load_idx %arg10[%add3A_438] : memref<496xf32, #tpu.memory_space<vmem>>[vector<16xi32>], vector<16xf32>,
        %gt3A_440 = arith.cmpf ogt, %get3A_421, %gather3A_435 : vector<16xf32>
        %convert_element_type3A_441 = arith.extui %gt3A_440 : vector<16xi1> to vector<16xi32>
        %gt3A_442 = arith.cmpf ogt, %get3A_421, %gather3A_439 : vector<16xf32>
        %convert_element_type3A_443 = arith.extui %gt3A_442 : vector<16xi1> to vector<16xi32>
        %add3A_444 = arith.addi %mul3A_8, %convert_element_type3A_430 : vector<16xi32>
        %add3A_445 = arith.addi %convert_element_type3A_441, %convert_element_type3A_443 : vector<16xi32>
        %add3A_446 = arith.constant 32 : i32
        %add3A_447 = vector.broadcast %add3A_446 : i32 to vector<16xi32>
        %add3A_448 = arith.addi %add3A_445, %add3A_447 : vector<16xi32>
        %add3A_449 = arith.addi %add3A_444, %add3A_448 : vector<16xi32>
        %add3A_450 = arith.constant 32 : i32
        %add3A_451 = vector.broadcast %add3A_450 : i32 to vector<16xi32>
        %add3A_452 = arith.addi %add3A_449, %add3A_451 : vector<16xi32>
        tpu.vector_store_idx %arg9[%add3A_444], %broadcast_in_dim3A_5 {add = true} : memref<2048xf32, #tpu.memory_space<vmem>>[vector<16xi32>], vector<16xf32>,
        tpu.vector_store_idx %arg9[%add3A_449], %broadcast_in_dim3A_5 {add = true} : memref<2048xf32, #tpu.memory_space<vmem>>[vector<16xi32>], vector<16xf32>,
        tpu.vector_store_idx %arg9[%add3A_452], %get3A_426 {add = true} : memref<2048xf32, #tpu.memory_space<vmem>>[vector<16xi32>], vector<16xf32>,
        %add3A_453 = arith.constant 48 : i32
        %add3A_454 = arith.addi %add3A_348, %add3A_453 : i32
        %get3A_455 = arith.index_cast %add3A_338 : i32 to index
        %get3A_456 = arith.index_cast %add3A_454 : i32 to index
        %get3A_457 = tpu.vector_load %arg6[%get3A_455, %get3A_456] {strides = array<i32>} : memref<16x512xf32, #tpu.memory_space<vmem>>, vector<16xf32>,
        %add3A_458 = arith.constant 48 : i32
        %add3A_459 = arith.addi %add3A_348, %add3A_458 : i32
        %get3A_460 = arith.index_cast %add3A_338 : i32 to index
        %get3A_461 = arith.index_cast %add3A_459 : i32 to index
        %get3A_462 = tpu.vector_load %arg8[%get3A_460, %get3A_461] {strides = array<i32>} : memref<16x512xf32, #tpu.memory_space<vmem>>, vector<16xf32>,
        %mul3A_463 = arith.constant 3.000000e+01 : f32
        %mul3A_464 = vector.broadcast %mul3A_463 : f32 to vector<16xf32>
        %mul3A_465 = arith.mulf %get3A_457, %mul3A_464 : vector<16xf32>
        %convert_element_type3A_466 = arith.fptosi %mul3A_465 : vector<16xf32> to vector<16xi32>
        %mul3A_467 = arith.constant 16 : i32
        %mul3A_468 = vector.broadcast %mul3A_467 : i32 to vector<16xi32>
        %mul3A_469 = arith.muli %convert_element_type3A_466, %mul3A_468 : vector<16xi32>
        %add3A_470 = arith.addi %mul3A_469, %iota3A : vector<16xi32>
        %gather3A_471 = tpu.vector_load_idx %arg10[%add3A_470] : memref<496xf32, #tpu.memory_space<vmem>>[vector<16xi32>], vector<16xf32>,
        %add3A_472 = arith.constant 16 : i32
        %add3A_473 = vector.broadcast %add3A_472 : i32 to vector<16xi32>
        %add3A_474 = arith.addi %add3A_470, %add3A_473 : vector<16xi32>
        %gather3A_475 = tpu.vector_load_idx %arg10[%add3A_474] : memref<496xf32, #tpu.memory_space<vmem>>[vector<16xi32>], vector<16xf32>,
        %gt3A_476 = arith.cmpf ogt, %get3A_457, %gather3A_471 : vector<16xf32>
        %convert_element_type3A_477 = arith.extui %gt3A_476 : vector<16xi1> to vector<16xi32>
        %gt3A_478 = arith.cmpf ogt, %get3A_457, %gather3A_475 : vector<16xf32>
        %convert_element_type3A_479 = arith.extui %gt3A_478 : vector<16xi1> to vector<16xi32>
        %add3A_480 = arith.addi %mul3A_8, %convert_element_type3A_466 : vector<16xi32>
        %add3A_481 = arith.addi %convert_element_type3A_477, %convert_element_type3A_479 : vector<16xi32>
        %add3A_482 = arith.constant 32 : i32
        %add3A_483 = vector.broadcast %add3A_482 : i32 to vector<16xi32>
        %add3A_484 = arith.addi %add3A_481, %add3A_483 : vector<16xi32>
        %add3A_485 = arith.addi %add3A_480, %add3A_484 : vector<16xi32>
        %add3A_486 = arith.constant 32 : i32
        %add3A_487 = vector.broadcast %add3A_486 : i32 to vector<16xi32>
        %add3A_488 = arith.addi %add3A_485, %add3A_487 : vector<16xi32>
        tpu.vector_store_idx %arg9[%add3A_480], %broadcast_in_dim3A_5 {add = true} : memref<2048xf32, #tpu.memory_space<vmem>>[vector<16xi32>], vector<16xf32>,
        tpu.vector_store_idx %arg9[%add3A_485], %broadcast_in_dim3A_5 {add = true} : memref<2048xf32, #tpu.memory_space<vmem>>[vector<16xi32>], vector<16xf32>,
        tpu.vector_store_idx %arg9[%add3A_488], %get3A_462 {add = true} : memref<2048xf32, #tpu.memory_space<vmem>>[vector<16xi32>], vector<16xf32>,
      }
      %scan3A_343 = arith.constant 8 : i32
    }
    %scan3A_333 = arith.constant 16 : i32
    "tpu.region"() ({
      %run_scoped3A = tpu.sem_alloc : memref<!tpu.dma_semaphore, #tpu.memory_space<semaphore_mem>>
      %dma_start3A_334 = arith.constant 0 : i32
      %dma_start3A_335 = tpu.memref_slice %arg4[%add3A, %dma_start3A_334] : memref<32x2048xf32, #tpu.memory_space<hbm>> -> memref<1x2048xf32, #tpu.memory_space<hbm>>
      %dma_start3A_336 = tpu.memref_squeeze %dma_start3A_335 : memref<1x2048xf32, #tpu.memory_space<hbm>> -> memref<2048xf32, #tpu.memory_space<hbm>>
      %dma_start3A_337 = arith.constant 0 : i32
      %dma_start3A_338 = tpu.memref_slice %arg4[%add3A, %dma_start3A_337] : memref<32x2048xf32, #tpu.memory_space<hbm>> -> memref<1x2048xf32, #tpu.memory_space<hbm>>
      %dma_start3A_339 = tpu.memref_squeeze %dma_start3A_338 : memref<1x2048xf32, #tpu.memory_space<hbm>> -> memref<2048xf32, #tpu.memory_space<hbm>>
      tpu.enqueue_dma source(%arg9 : memref<2048xf32, #tpu.memory_space<vmem>>) target(%dma_start3A_339 : memref<2048xf32, #tpu.memory_space<hbm>>) target_semaphore(%run_scoped3A : memref<!tpu.dma_semaphore, #tpu.memory_space<semaphore_mem>>)
      %dma_wait3A_340 = arith.constant 0 : i32
      %dma_wait3A_341 = tpu.memref_slice %arg4[%add3A, %dma_wait3A_340] : memref<32x2048xf32, #tpu.memory_space<hbm>> -> memref<1x2048xf32, #tpu.memory_space<hbm>>
      %dma_wait3A_342 = tpu.memref_squeeze %dma_wait3A_341 : memref<1x2048xf32, #tpu.memory_space<hbm>> -> memref<2048xf32, #tpu.memory_space<hbm>>
      %dma_wait3A_343 = arith.constant 0 : i32
      %dma_wait3A_344 = tpu.memref_slice %arg4[%add3A, %dma_wait3A_343] : memref<32x2048xf32, #tpu.memory_space<hbm>> -> memref<1x2048xf32, #tpu.memory_space<hbm>>
      %dma_wait3A_345 = tpu.memref_squeeze %dma_wait3A_344 : memref<1x2048xf32, #tpu.memory_space<hbm>> -> memref<2048xf32, #tpu.memory_space<hbm>>
      tpu.wait_dma2 semaphore(%run_scoped3A : memref<!tpu.dma_semaphore, #tpu.memory_space<semaphore_mem>>) src(%arg9 : memref<2048xf32, #tpu.memory_space<vmem>>) dst(%dma_wait3A_345 : memref<2048xf32, #tpu.memory_space<hbm>>)
      tpu.yield
    }) : () -> ()
    return
  }
}

module attributes {stable_mosaic.version = 14 : i64} {
  func.func @_combine_body(%arg0: memref<512x128xf32, #tpu.memory_space<vmem>>, %arg1: memref<1x1xf32, #tpu.memory_space<vmem>>) attributes {dimension_semantics = [], scalar_prefetch = 0 : i64, scratch_operands = 0 : i64, tpu.core_type = #tpu.core_type<tc>} {
    %get3A = arith.constant 0 : index
    %get3A_0 = arith.constant 0 : index
    %get3A_1 = vector.load %arg0[%get3A, %get3A_0] : memref<512x128xf32, #tpu.memory_space<vmem>>, vector<512x128xf32>
    %reduce_sum3A = arith.constant dense<0.000000e+00> : vector<128xf32>
    %reduce_sum3A_2 = vector.multi_reduction <add>, %get3A_1, %reduce_sum3A [0] : vector<512x128xf32> to vector<128xf32>
    %broadcast_in_dim3A = vector.shape_cast %reduce_sum3A_2 : vector<128xf32> to vector<1x128xf32>
    %slice3A = vector.extract_strided_slice %broadcast_in_dim3A {offsets = [0, 0], sizes = [1, 30], strides = [1, 1]} : vector<1x128xf32> to vector<1x30xf32>
    %slice3A_3 = vector.extract_strided_slice %broadcast_in_dim3A {offsets = [0, 33], sizes = [1, 30], strides = [1, 1]} : vector<1x128xf32> to vector<1x30xf32>
    %slice3A_4 = vector.extract_strided_slice %broadcast_in_dim3A {offsets = [0, 65], sizes = [1, 30], strides = [1, 1]} : vector<1x128xf32> to vector<1x30xf32>
    %gt3A = arith.constant 0.000000e+00 : f32
    %gt3A_5 = vector.broadcast %gt3A : f32 to vector<1x30xf32>
    %gt3A_6 = arith.cmpf ogt, %slice3A_3, %gt3A_5 : vector<1x30xf32>
    %div3A = arith.divf %slice3A_4, %slice3A : vector<1x30xf32>
    %jit3A = arith.constant 0.000000e+00 : f32
    %broadcast_in_dim3A_7 = vector.broadcast %jit3A : f32 to vector<1x30xf32>
    %select_n3A = arith.select %gt3A_6, %div3A, %broadcast_in_dim3A_7 : vector<1x30xi1>, vector<1x30xf32>
    %reduce_sum3A_8 = vector.shape_cast %select_n3A : vector<1x30xf32> to vector<1x1x30xf32>
    %reduce_sum3A_9 = arith.constant dense<0.000000e+00> : vector<1xf32>
    %reduce_sum3A_10 = vector.multi_reduction <add>, %reduce_sum3A_8, %reduce_sum3A_9 [1, 2] : vector<1x1x30xf32> to vector<1xf32>
    %reduce_sum3A_11 = vector.shape_cast %reduce_sum3A_10 : vector<1xf32> to vector<1x1x1xf32>
    %reduce_sum3A_12 = vector.extract %reduce_sum3A_11[0, 0, 0] : f32 from vector<1x1x1xf32>
    %div3A_13 = arith.divf %slice3A_3, %slice3A : vector<1x30xf32>
    %jit3A_14 = arith.constant 0.000000e+00 : f32
    %broadcast_in_dim3A_15 = vector.broadcast %jit3A_14 : f32 to vector<1x30xf32>
    %select_n3A_16 = arith.select %gt3A_6, %div3A_13, %broadcast_in_dim3A_15 : vector<1x30xi1>, vector<1x30xf32>
    %reduce_sum3A_17 = vector.shape_cast %select_n3A_16 : vector<1x30xf32> to vector<1x1x30xf32>
    %reduce_sum3A_18 = arith.constant dense<0.000000e+00> : vector<1xf32>
    %reduce_sum3A_19 = vector.multi_reduction <add>, %reduce_sum3A_17, %reduce_sum3A_18 [1, 2] : vector<1x1x30xf32> to vector<1xf32>
    %reduce_sum3A_20 = vector.shape_cast %reduce_sum3A_19 : vector<1xf32> to vector<1x1x1xf32>
    %reduce_sum3A_21 = vector.extract %reduce_sum3A_20[0, 0, 0] : f32 from vector<1x1x1xf32>
    %add3A = arith.constant 1.000000e-07 : f32
    %add3A_22 = arith.addf %reduce_sum3A_21, %add3A : f32
    %div3A_23 = arith.divf %reduce_sum3A_12, %add3A_22 : f32
    %reshape3A = vector.broadcast %div3A_23 : f32 to vector<1x1xf32>
    %swap3A = arith.constant 0 : index
    %swap3A_24 = arith.constant 0 : index
    %swap3A_25 = vector.load %arg1[%swap3A, %swap3A_24] : memref<1x1xf32, #tpu.memory_space<vmem>>, vector<1x1xf32>
    tpu.vector_store %arg1[%swap3A, %swap3A_24], %reshape3A {strides = array<i32>} : memref<1x1xf32, #tpu.memory_space<vmem>>, vector<1x1xf32>,
    return
  }
}

module attributes {stable_mosaic.version = 14 : i64} {
  func.func @_dense_body(%arg0: i32, %arg1: i32, %arg2: memref<1x19x64x512xf32, #tpu.memory_space<vmem>>, %arg3: memref<1x64x512xi32, #tpu.memory_space<vmem>>, %arg4: memref<64x512xf32, #tpu.memory_space<vmem>>, %arg5: memref<64x512xf32, #tpu.memory_space<vmem>>) attributes {dimension_semantics = [#tpu.dimension_semantics<arbitrary>, #tpu.dimension_semantics<arbitrary>], iteration_bounds = array<i64: 8, 8>, scalar_prefetch = 0 : i64, scratch_operands = 0 : i64, tpu.core_type = #tpu.core_type<tc>, window_params = [{transform_indices = @transform_0, window_bounds = array<i64: 1, 19, 64, 512>}, {transform_indices = @transform_1, window_bounds = array<i64: 1, 64, 512>}, {transform_indices = @transform_2, window_bounds = array<i64: 64, 512>}, {transform_indices = @transform_3, window_bounds = array<i64: 64, 512>}]} {
    %get3A = arith.constant 0 : index
    %get3A_0 = arith.constant 0 : index
    %get3A_1 = arith.constant 0 : index
    %get3A_2 = vector.load %arg3[%get3A, %get3A_0, %get3A_1] : memref<1x64x512xi32, #tpu.memory_space<vmem>>, vector<1x64x512xi32>
    %get3A_3 = vector.shape_cast %get3A_2 : vector<1x64x512xi32> to vector<64x512xi32>
    %get3A_4 = arith.constant 0 : index
    %get3A_5 = arith.constant 0 : index
    %get3A_6 = arith.constant 0 : index
    %get3A_7 = arith.constant 0 : index
    %get3A_8 = vector.load %arg2[%get3A_4, %get3A_5, %get3A_6, %get3A_7] : memref<1x19x64x512xf32, #tpu.memory_space<vmem>>, vector<1x1x64x512xf32>
    %get3A_9 = vector.shape_cast %get3A_8 : vector<1x1x64x512xf32> to vector<64x512xf32>
    %get3A_10 = arith.constant 0 : index
    %get3A_11 = arith.constant 1 : index
    %get3A_12 = arith.constant 0 : index
    %get3A_13 = arith.constant 0 : index
    %get3A_14 = vector.load %arg2[%get3A_10, %get3A_11, %get3A_12, %get3A_13] : memref<1x19x64x512xf32, #tpu.memory_space<vmem>>, vector<1x1x64x512xf32>
    %get3A_15 = vector.shape_cast %get3A_14 : vector<1x1x64x512xf32> to vector<64x512xf32>
    %max3A = arith.maximumf %get3A_9, %get3A_15 : vector<64x512xf32>
    %get3A_16 = arith.constant 0 : index
    %get3A_17 = arith.constant 2 : index
    %get3A_18 = arith.constant 0 : index
    %get3A_19 = arith.constant 0 : index
    %get3A_20 = vector.load %arg2[%get3A_16, %get3A_17, %get3A_18, %get3A_19] : memref<1x19x64x512xf32, #tpu.memory_space<vmem>>, vector<1x1x64x512xf32>
    %get3A_21 = vector.shape_cast %get3A_20 : vector<1x1x64x512xf32> to vector<64x512xf32>
    %max3A_22 = arith.maximumf %max3A, %get3A_21 : vector<64x512xf32>
    %get3A_23 = arith.constant 0 : index
    %get3A_24 = arith.constant 3 : index
    %get3A_25 = arith.constant 0 : index
    %get3A_26 = arith.constant 0 : index
    %get3A_27 = vector.load %arg2[%get3A_23, %get3A_24, %get3A_25, %get3A_26] : memref<1x19x64x512xf32, #tpu.memory_space<vmem>>, vector<1x1x64x512xf32>
    %get3A_28 = vector.shape_cast %get3A_27 : vector<1x1x64x512xf32> to vector<64x512xf32>
    %max3A_29 = arith.maximumf %max3A_22, %get3A_28 : vector<64x512xf32>
    %get3A_30 = arith.constant 0 : index
    %get3A_31 = arith.constant 4 : index
    %get3A_32 = arith.constant 0 : index
    %get3A_33 = arith.constant 0 : index
    %get3A_34 = vector.load %arg2[%get3A_30, %get3A_31, %get3A_32, %get3A_33] : memref<1x19x64x512xf32, #tpu.memory_space<vmem>>, vector<1x1x64x512xf32>
    %get3A_35 = vector.shape_cast %get3A_34 : vector<1x1x64x512xf32> to vector<64x512xf32>
    %max3A_36 = arith.maximumf %max3A_29, %get3A_35 : vector<64x512xf32>
    %get3A_37 = arith.constant 0 : index
    %get3A_38 = arith.constant 5 : index
    %get3A_39 = arith.constant 0 : index
    %get3A_40 = arith.constant 0 : index
    %get3A_41 = vector.load %arg2[%get3A_37, %get3A_38, %get3A_39, %get3A_40] : memref<1x19x64x512xf32, #tpu.memory_space<vmem>>, vector<1x1x64x512xf32>
    %get3A_42 = vector.shape_cast %get3A_41 : vector<1x1x64x512xf32> to vector<64x512xf32>
    %max3A_43 = arith.maximumf %max3A_36, %get3A_42 : vector<64x512xf32>
    %get3A_44 = arith.constant 0 : index
    %get3A_45 = arith.constant 6 : index
    %get3A_46 = arith.constant 0 : index
    %get3A_47 = arith.constant 0 : index
    %get3A_48 = vector.load %arg2[%get3A_44, %get3A_45, %get3A_46, %get3A_47] : memref<1x19x64x512xf32, #tpu.memory_space<vmem>>, vector<1x1x64x512xf32>
    %get3A_49 = vector.shape_cast %get3A_48 : vector<1x1x64x512xf32> to vector<64x512xf32>
    %max3A_50 = arith.maximumf %max3A_43, %get3A_49 : vector<64x512xf32>
    %get3A_51 = arith.constant 0 : index
    %get3A_52 = arith.constant 7 : index
    %get3A_53 = arith.constant 0 : index
    %get3A_54 = arith.constant 0 : index
    %get3A_55 = vector.load %arg2[%get3A_51, %get3A_52, %get3A_53, %get3A_54] : memref<1x19x64x512xf32, #tpu.memory_space<vmem>>, vector<1x1x64x512xf32>
    %get3A_56 = vector.shape_cast %get3A_55 : vector<1x1x64x512xf32> to vector<64x512xf32>
    %max3A_57 = arith.maximumf %max3A_50, %get3A_56 : vector<64x512xf32>
    %get3A_58 = arith.constant 0 : index
    %get3A_59 = arith.constant 8 : index
    %get3A_60 = arith.constant 0 : index
    %get3A_61 = arith.constant 0 : index
    %get3A_62 = vector.load %arg2[%get3A_58, %get3A_59, %get3A_60, %get3A_61] : memref<1x19x64x512xf32, #tpu.memory_space<vmem>>, vector<1x1x64x512xf32>
    %get3A_63 = vector.shape_cast %get3A_62 : vector<1x1x64x512xf32> to vector<64x512xf32>
    %max3A_64 = arith.maximumf %max3A_57, %get3A_63 : vector<64x512xf32>
    %get3A_65 = arith.constant 0 : index
    %get3A_66 = arith.constant 9 : index
    %get3A_67 = arith.constant 0 : index
    %get3A_68 = arith.constant 0 : index
    %get3A_69 = vector.load %arg2[%get3A_65, %get3A_66, %get3A_67, %get3A_68] : memref<1x19x64x512xf32, #tpu.memory_space<vmem>>, vector<1x1x64x512xf32>
    %get3A_70 = vector.shape_cast %get3A_69 : vector<1x1x64x512xf32> to vector<64x512xf32>
    %max3A_71 = arith.maximumf %max3A_64, %get3A_70 : vector<64x512xf32>
    %get3A_72 = arith.constant 0 : index
    %get3A_73 = arith.constant 10 : index
    %get3A_74 = arith.constant 0 : index
    %get3A_75 = arith.constant 0 : index
    %get3A_76 = vector.load %arg2[%get3A_72, %get3A_73, %get3A_74, %get3A_75] : memref<1x19x64x512xf32, #tpu.memory_space<vmem>>, vector<1x1x64x512xf32>
    %get3A_77 = vector.shape_cast %get3A_76 : vector<1x1x64x512xf32> to vector<64x512xf32>
    %max3A_78 = arith.maximumf %max3A_71, %get3A_77 : vector<64x512xf32>
    %get3A_79 = arith.constant 0 : index
    %get3A_80 = arith.constant 11 : index
    %get3A_81 = arith.constant 0 : index
    %get3A_82 = arith.constant 0 : index
    %get3A_83 = vector.load %arg2[%get3A_79, %get3A_80, %get3A_81, %get3A_82] : memref<1x19x64x512xf32, #tpu.memory_space<vmem>>, vector<1x1x64x512xf32>
    %get3A_84 = vector.shape_cast %get3A_83 : vector<1x1x64x512xf32> to vector<64x512xf32>
    %max3A_85 = arith.maximumf %max3A_78, %get3A_84 : vector<64x512xf32>
    %get3A_86 = arith.constant 0 : index
    %get3A_87 = arith.constant 12 : index
    %get3A_88 = arith.constant 0 : index
    %get3A_89 = arith.constant 0 : index
    %get3A_90 = vector.load %arg2[%get3A_86, %get3A_87, %get3A_88, %get3A_89] : memref<1x19x64x512xf32, #tpu.memory_space<vmem>>, vector<1x1x64x512xf32>
    %get3A_91 = vector.shape_cast %get3A_90 : vector<1x1x64x512xf32> to vector<64x512xf32>
    %max3A_92 = arith.maximumf %max3A_85, %get3A_91 : vector<64x512xf32>
    %get3A_93 = arith.constant 0 : index
    %get3A_94 = arith.constant 13 : index
    %get3A_95 = arith.constant 0 : index
    %get3A_96 = arith.constant 0 : index
    %get3A_97 = vector.load %arg2[%get3A_93, %get3A_94, %get3A_95, %get3A_96] : memref<1x19x64x512xf32, #tpu.memory_space<vmem>>, vector<1x1x64x512xf32>
    %get3A_98 = vector.shape_cast %get3A_97 : vector<1x1x64x512xf32> to vector<64x512xf32>
    %max3A_99 = arith.maximumf %max3A_92, %get3A_98 : vector<64x512xf32>
    %get3A_100 = arith.constant 0 : index
    %get3A_101 = arith.constant 14 : index
    %get3A_102 = arith.constant 0 : index
    %get3A_103 = arith.constant 0 : index
    %get3A_104 = vector.load %arg2[%get3A_100, %get3A_101, %get3A_102, %get3A_103] : memref<1x19x64x512xf32, #tpu.memory_space<vmem>>, vector<1x1x64x512xf32>
    %get3A_105 = vector.shape_cast %get3A_104 : vector<1x1x64x512xf32> to vector<64x512xf32>
    %max3A_106 = arith.maximumf %max3A_99, %get3A_105 : vector<64x512xf32>
    %get3A_107 = arith.constant 0 : index
    %get3A_108 = arith.constant 15 : index
    %get3A_109 = arith.constant 0 : index
    %get3A_110 = arith.constant 0 : index
    %get3A_111 = vector.load %arg2[%get3A_107, %get3A_108, %get3A_109, %get3A_110] : memref<1x19x64x512xf32, #tpu.memory_space<vmem>>, vector<1x1x64x512xf32>
    %get3A_112 = vector.shape_cast %get3A_111 : vector<1x1x64x512xf32> to vector<64x512xf32>
    %max3A_113 = arith.maximumf %max3A_106, %get3A_112 : vector<64x512xf32>
    %get3A_114 = arith.constant 0 : index
    %get3A_115 = arith.constant 16 : index
    %get3A_116 = arith.constant 0 : index
    %get3A_117 = arith.constant 0 : index
    %get3A_118 = vector.load %arg2[%get3A_114, %get3A_115, %get3A_116, %get3A_117] : memref<1x19x64x512xf32, #tpu.memory_space<vmem>>, vector<1x1x64x512xf32>
    %get3A_119 = vector.shape_cast %get3A_118 : vector<1x1x64x512xf32> to vector<64x512xf32>
    %max3A_120 = arith.maximumf %max3A_113, %get3A_119 : vector<64x512xf32>
    %get3A_121 = arith.constant 0 : index
    %get3A_122 = arith.constant 17 : index
    %get3A_123 = arith.constant 0 : index
    %get3A_124 = arith.constant 0 : index
    %get3A_125 = vector.load %arg2[%get3A_121, %get3A_122, %get3A_123, %get3A_124] : memref<1x19x64x512xf32, #tpu.memory_space<vmem>>, vector<1x1x64x512xf32>
    %get3A_126 = vector.shape_cast %get3A_125 : vector<1x1x64x512xf32> to vector<64x512xf32>
    %max3A_127 = arith.maximumf %max3A_120, %get3A_126 : vector<64x512xf32>
    %get3A_128 = arith.constant 0 : index
    %get3A_129 = arith.constant 18 : index
    %get3A_130 = arith.constant 0 : index
    %get3A_131 = arith.constant 0 : index
    %get3A_132 = vector.load %arg2[%get3A_128, %get3A_129, %get3A_130, %get3A_131] : memref<1x19x64x512xf32, #tpu.memory_space<vmem>>, vector<1x1x64x512xf32>
    %get3A_133 = vector.shape_cast %get3A_132 : vector<1x1x64x512xf32> to vector<64x512xf32>
    %max3A_134 = arith.maximumf %max3A_127, %get3A_133 : vector<64x512xf32>
    %broadcast_in_dim3A = arith.constant 0.000000e+00 : f32
    %broadcast_in_dim3A_135 = vector.broadcast %broadcast_in_dim3A : f32 to vector<64x512xf32>
    %broadcast_in_dim3A_136 = arith.constant 0.000000e+00 : f32
    %broadcast_in_dim3A_137 = vector.broadcast %broadcast_in_dim3A_136 : f32 to vector<64x512xf32>
    %get3A_138 = arith.constant 0 : index
    %get3A_139 = arith.constant 0 : index
    %get3A_140 = arith.constant 0 : index
    %get3A_141 = arith.constant 0 : index
    %get3A_142 = vector.load %arg2[%get3A_138, %get3A_139, %get3A_140, %get3A_141] : memref<1x19x64x512xf32, #tpu.memory_space<vmem>>, vector<1x1x64x512xf32>
    %get3A_143 = vector.shape_cast %get3A_142 : vector<1x1x64x512xf32> to vector<64x512xf32>
    %sub3A = arith.subf %get3A_143, %max3A_134 : vector<64x512xf32>
    %exp3A = math.exp %sub3A : vector<64x512xf32>
    %add3A = arith.addf %broadcast_in_dim3A_135, %exp3A : vector<64x512xf32>
    %eq3A = arith.constant 0 : i32
    %eq3A_144 = vector.broadcast %eq3A : i32 to vector<64x512xi32>
    %eq3A_145 = arith.cmpi eq, %get3A_3, %eq3A_144 : vector<64x512xi32>
    %jit3A = arith.constant 0.000000e+00 : f32
    %broadcast_in_dim3A_146 = vector.broadcast %jit3A : f32 to vector<64x512xf32>
    %select_n3A = arith.select %eq3A_145, %get3A_143, %broadcast_in_dim3A_146 : vector<64x512xi1>, vector<64x512xf32>
    %add3A_147 = arith.addf %broadcast_in_dim3A_137, %select_n3A : vector<64x512xf32>
    %get3A_148 = arith.constant 0 : index
    %get3A_149 = arith.constant 1 : index
    %get3A_150 = arith.constant 0 : index
    %get3A_151 = arith.constant 0 : index
    %get3A_152 = vector.load %arg2[%get3A_148, %get3A_149, %get3A_150, %get3A_151] : memref<1x19x64x512xf32, #tpu.memory_space<vmem>>, vector<1x1x64x512xf32>
    %get3A_153 = vector.shape_cast %get3A_152 : vector<1x1x64x512xf32> to vector<64x512xf32>
    %sub3A_154 = arith.subf %get3A_153, %max3A_134 : vector<64x512xf32>
    %exp3A_155 = math.exp %sub3A_154 : vector<64x512xf32>
    %add3A_156 = arith.addf %add3A, %exp3A_155 : vector<64x512xf32>
    %eq3A_157 = arith.constant 1 : i32
    %eq3A_158 = vector.broadcast %eq3A_157 : i32 to vector<64x512xi32>
    %eq3A_159 = arith.cmpi eq, %get3A_3, %eq3A_158 : vector<64x512xi32>
    %jit3A_160 = arith.constant 0.000000e+00 : f32
    %broadcast_in_dim3A_161 = vector.broadcast %jit3A_160 : f32 to vector<64x512xf32>
    %select_n3A_162 = arith.select %eq3A_159, %get3A_153, %broadcast_in_dim3A_161 : vector<64x512xi1>, vector<64x512xf32>
    %add3A_163 = arith.addf %add3A_147, %select_n3A_162 : vector<64x512xf32>
    %get3A_164 = arith.constant 0 : index
    %get3A_165 = arith.constant 2 : index
    %get3A_166 = arith.constant 0 : index
    %get3A_167 = arith.constant 0 : index
    %get3A_168 = vector.load %arg2[%get3A_164, %get3A_165, %get3A_166, %get3A_167] : memref<1x19x64x512xf32, #tpu.memory_space<vmem>>, vector<1x1x64x512xf32>
    %get3A_169 = vector.shape_cast %get3A_168 : vector<1x1x64x512xf32> to vector<64x512xf32>
    %sub3A_170 = arith.subf %get3A_169, %max3A_134 : vector<64x512xf32>
    %exp3A_171 = math.exp %sub3A_170 : vector<64x512xf32>
    %add3A_172 = arith.addf %add3A_156, %exp3A_171 : vector<64x512xf32>
    %eq3A_173 = arith.constant 2 : i32
    %eq3A_174 = vector.broadcast %eq3A_173 : i32 to vector<64x512xi32>
    %eq3A_175 = arith.cmpi eq, %get3A_3, %eq3A_174 : vector<64x512xi32>
    %jit3A_176 = arith.constant 0.000000e+00 : f32
    %broadcast_in_dim3A_177 = vector.broadcast %jit3A_176 : f32 to vector<64x512xf32>
    %select_n3A_178 = arith.select %eq3A_175, %get3A_169, %broadcast_in_dim3A_177 : vector<64x512xi1>, vector<64x512xf32>
    %add3A_179 = arith.addf %add3A_163, %select_n3A_178 : vector<64x512xf32>
    %get3A_180 = arith.constant 0 : index
    %get3A_181 = arith.constant 3 : index
    %get3A_182 = arith.constant 0 : index
    %get3A_183 = arith.constant 0 : index
    %get3A_184 = vector.load %arg2[%get3A_180, %get3A_181, %get3A_182, %get3A_183] : memref<1x19x64x512xf32, #tpu.memory_space<vmem>>, vector<1x1x64x512xf32>
    %get3A_185 = vector.shape_cast %get3A_184 : vector<1x1x64x512xf32> to vector<64x512xf32>
    %sub3A_186 = arith.subf %get3A_185, %max3A_134 : vector<64x512xf32>
    %exp3A_187 = math.exp %sub3A_186 : vector<64x512xf32>
    %add3A_188 = arith.addf %add3A_172, %exp3A_187 : vector<64x512xf32>
    %eq3A_189 = arith.constant 3 : i32
    %eq3A_190 = vector.broadcast %eq3A_189 : i32 to vector<64x512xi32>
    %eq3A_191 = arith.cmpi eq, %get3A_3, %eq3A_190 : vector<64x512xi32>
    %jit3A_192 = arith.constant 0.000000e+00 : f32
    %broadcast_in_dim3A_193 = vector.broadcast %jit3A_192 : f32 to vector<64x512xf32>
    %select_n3A_194 = arith.select %eq3A_191, %get3A_185, %broadcast_in_dim3A_193 : vector<64x512xi1>, vector<64x512xf32>
    %add3A_195 = arith.addf %add3A_179, %select_n3A_194 : vector<64x512xf32>
    %get3A_196 = arith.constant 0 : index
    %get3A_197 = arith.constant 4 : index
    %get3A_198 = arith.constant 0 : index
    %get3A_199 = arith.constant 0 : index
    %get3A_200 = vector.load %arg2[%get3A_196, %get3A_197, %get3A_198, %get3A_199] : memref<1x19x64x512xf32, #tpu.memory_space<vmem>>, vector<1x1x64x512xf32>
    %get3A_201 = vector.shape_cast %get3A_200 : vector<1x1x64x512xf32> to vector<64x512xf32>
    %sub3A_202 = arith.subf %get3A_201, %max3A_134 : vector<64x512xf32>
    %exp3A_203 = math.exp %sub3A_202 : vector<64x512xf32>
    %add3A_204 = arith.addf %add3A_188, %exp3A_203 : vector<64x512xf32>
    %eq3A_205 = arith.constant 4 : i32
    %eq3A_206 = vector.broadcast %eq3A_205 : i32 to vector<64x512xi32>
    %eq3A_207 = arith.cmpi eq, %get3A_3, %eq3A_206 : vector<64x512xi32>
    %jit3A_208 = arith.constant 0.000000e+00 : f32
    %broadcast_in_dim3A_209 = vector.broadcast %jit3A_208 : f32 to vector<64x512xf32>
    %select_n3A_210 = arith.select %eq3A_207, %get3A_201, %broadcast_in_dim3A_209 : vector<64x512xi1>, vector<64x512xf32>
    %add3A_211 = arith.addf %add3A_195, %select_n3A_210 : vector<64x512xf32>
    %get3A_212 = arith.constant 0 : index
    %get3A_213 = arith.constant 5 : index
    %get3A_214 = arith.constant 0 : index
    %get3A_215 = arith.constant 0 : index
    %get3A_216 = vector.load %arg2[%get3A_212, %get3A_213, %get3A_214, %get3A_215] : memref<1x19x64x512xf32, #tpu.memory_space<vmem>>, vector<1x1x64x512xf32>
    %get3A_217 = vector.shape_cast %get3A_216 : vector<1x1x64x512xf32> to vector<64x512xf32>
    %sub3A_218 = arith.subf %get3A_217, %max3A_134 : vector<64x512xf32>
    %exp3A_219 = math.exp %sub3A_218 : vector<64x512xf32>
    %add3A_220 = arith.addf %add3A_204, %exp3A_219 : vector<64x512xf32>
    %eq3A_221 = arith.constant 5 : i32
    %eq3A_222 = vector.broadcast %eq3A_221 : i32 to vector<64x512xi32>
    %eq3A_223 = arith.cmpi eq, %get3A_3, %eq3A_222 : vector<64x512xi32>
    %jit3A_224 = arith.constant 0.000000e+00 : f32
    %broadcast_in_dim3A_225 = vector.broadcast %jit3A_224 : f32 to vector<64x512xf32>
    %select_n3A_226 = arith.select %eq3A_223, %get3A_217, %broadcast_in_dim3A_225 : vector<64x512xi1>, vector<64x512xf32>
    %add3A_227 = arith.addf %add3A_211, %select_n3A_226 : vector<64x512xf32>
    %get3A_228 = arith.constant 0 : index
    %get3A_229 = arith.constant 6 : index
    %get3A_230 = arith.constant 0 : index
    %get3A_231 = arith.constant 0 : index
    %get3A_232 = vector.load %arg2[%get3A_228, %get3A_229, %get3A_230, %get3A_231] : memref<1x19x64x512xf32, #tpu.memory_space<vmem>>, vector<1x1x64x512xf32>
    %get3A_233 = vector.shape_cast %get3A_232 : vector<1x1x64x512xf32> to vector<64x512xf32>
    %sub3A_234 = arith.subf %get3A_233, %max3A_134 : vector<64x512xf32>
    %exp3A_235 = math.exp %sub3A_234 : vector<64x512xf32>
    %add3A_236 = arith.addf %add3A_220, %exp3A_235 : vector<64x512xf32>
    %eq3A_237 = arith.constant 6 : i32
    %eq3A_238 = vector.broadcast %eq3A_237 : i32 to vector<64x512xi32>
    %eq3A_239 = arith.cmpi eq, %get3A_3, %eq3A_238 : vector<64x512xi32>
    %jit3A_240 = arith.constant 0.000000e+00 : f32
    %broadcast_in_dim3A_241 = vector.broadcast %jit3A_240 : f32 to vector<64x512xf32>
    %select_n3A_242 = arith.select %eq3A_239, %get3A_233, %broadcast_in_dim3A_241 : vector<64x512xi1>, vector<64x512xf32>
    %add3A_243 = arith.addf %add3A_227, %select_n3A_242 : vector<64x512xf32>
    %get3A_244 = arith.constant 0 : index
    %get3A_245 = arith.constant 7 : index
    %get3A_246 = arith.constant 0 : index
    %get3A_247 = arith.constant 0 : index
    %get3A_248 = vector.load %arg2[%get3A_244, %get3A_245, %get3A_246, %get3A_247] : memref<1x19x64x512xf32, #tpu.memory_space<vmem>>, vector<1x1x64x512xf32>
    %get3A_249 = vector.shape_cast %get3A_248 : vector<1x1x64x512xf32> to vector<64x512xf32>
    %sub3A_250 = arith.subf %get3A_249, %max3A_134 : vector<64x512xf32>
    %exp3A_251 = math.exp %sub3A_250 : vector<64x512xf32>
    %add3A_252 = arith.addf %add3A_236, %exp3A_251 : vector<64x512xf32>
    %eq3A_253 = arith.constant 7 : i32
    %eq3A_254 = vector.broadcast %eq3A_253 : i32 to vector<64x512xi32>
    %eq3A_255 = arith.cmpi eq, %get3A_3, %eq3A_254 : vector<64x512xi32>
    %jit3A_256 = arith.constant 0.000000e+00 : f32
    %broadcast_in_dim3A_257 = vector.broadcast %jit3A_256 : f32 to vector<64x512xf32>
    %select_n3A_258 = arith.select %eq3A_255, %get3A_249, %broadcast_in_dim3A_257 : vector<64x512xi1>, vector<64x512xf32>
    %add3A_259 = arith.addf %add3A_243, %select_n3A_258 : vector<64x512xf32>
    %get3A_260 = arith.constant 0 : index
    %get3A_261 = arith.constant 8 : index
    %get3A_262 = arith.constant 0 : index
    %get3A_263 = arith.constant 0 : index
    %get3A_264 = vector.load %arg2[%get3A_260, %get3A_261, %get3A_262, %get3A_263] : memref<1x19x64x512xf32, #tpu.memory_space<vmem>>, vector<1x1x64x512xf32>
    %get3A_265 = vector.shape_cast %get3A_264 : vector<1x1x64x512xf32> to vector<64x512xf32>
    %sub3A_266 = arith.subf %get3A_265, %max3A_134 : vector<64x512xf32>
    %exp3A_267 = math.exp %sub3A_266 : vector<64x512xf32>
    %add3A_268 = arith.addf %add3A_252, %exp3A_267 : vector<64x512xf32>
    %eq3A_269 = arith.constant 8 : i32
    %eq3A_270 = vector.broadcast %eq3A_269 : i32 to vector<64x512xi32>
    %eq3A_271 = arith.cmpi eq, %get3A_3, %eq3A_270 : vector<64x512xi32>
    %jit3A_272 = arith.constant 0.000000e+00 : f32
    %broadcast_in_dim3A_273 = vector.broadcast %jit3A_272 : f32 to vector<64x512xf32>
    %select_n3A_274 = arith.select %eq3A_271, %get3A_265, %broadcast_in_dim3A_273 : vector<64x512xi1>, vector<64x512xf32>
    %add3A_275 = arith.addf %add3A_259, %select_n3A_274 : vector<64x512xf32>
    %get3A_276 = arith.constant 0 : index
    %get3A_277 = arith.constant 9 : index
    %get3A_278 = arith.constant 0 : index
    %get3A_279 = arith.constant 0 : index
    %get3A_280 = vector.load %arg2[%get3A_276, %get3A_277, %get3A_278, %get3A_279] : memref<1x19x64x512xf32, #tpu.memory_space<vmem>>, vector<1x1x64x512xf32>
    %get3A_281 = vector.shape_cast %get3A_280 : vector<1x1x64x512xf32> to vector<64x512xf32>
    %sub3A_282 = arith.subf %get3A_281, %max3A_134 : vector<64x512xf32>
    %exp3A_283 = math.exp %sub3A_282 : vector<64x512xf32>
    %add3A_284 = arith.addf %add3A_268, %exp3A_283 : vector<64x512xf32>
    %eq3A_285 = arith.constant 9 : i32
    %eq3A_286 = vector.broadcast %eq3A_285 : i32 to vector<64x512xi32>
    %eq3A_287 = arith.cmpi eq, %get3A_3, %eq3A_286 : vector<64x512xi32>
    %jit3A_288 = arith.constant 0.000000e+00 : f32
    %broadcast_in_dim3A_289 = vector.broadcast %jit3A_288 : f32 to vector<64x512xf32>
    %select_n3A_290 = arith.select %eq3A_287, %get3A_281, %broadcast_in_dim3A_289 : vector<64x512xi1>, vector<64x512xf32>
    %add3A_291 = arith.addf %add3A_275, %select_n3A_290 : vector<64x512xf32>
    %get3A_292 = arith.constant 0 : index
    %get3A_293 = arith.constant 10 : index
    %get3A_294 = arith.constant 0 : index
    %get3A_295 = arith.constant 0 : index
    %get3A_296 = vector.load %arg2[%get3A_292, %get3A_293, %get3A_294, %get3A_295] : memref<1x19x64x512xf32, #tpu.memory_space<vmem>>, vector<1x1x64x512xf32>
    %get3A_297 = vector.shape_cast %get3A_296 : vector<1x1x64x512xf32> to vector<64x512xf32>
    %sub3A_298 = arith.subf %get3A_297, %max3A_134 : vector<64x512xf32>
    %exp3A_299 = math.exp %sub3A_298 : vector<64x512xf32>
    %add3A_300 = arith.addf %add3A_284, %exp3A_299 : vector<64x512xf32>
    %eq3A_301 = arith.constant 10 : i32
    %eq3A_302 = vector.broadcast %eq3A_301 : i32 to vector<64x512xi32>
    %eq3A_303 = arith.cmpi eq, %get3A_3, %eq3A_302 : vector<64x512xi32>
    %jit3A_304 = arith.constant 0.000000e+00 : f32
    %broadcast_in_dim3A_305 = vector.broadcast %jit3A_304 : f32 to vector<64x512xf32>
    %select_n3A_306 = arith.select %eq3A_303, %get3A_297, %broadcast_in_dim3A_305 : vector<64x512xi1>, vector<64x512xf32>
    %add3A_307 = arith.addf %add3A_291, %select_n3A_306 : vector<64x512xf32>
    %get3A_308 = arith.constant 0 : index
    %get3A_309 = arith.constant 11 : index
    %get3A_310 = arith.constant 0 : index
    %get3A_311 = arith.constant 0 : index
    %get3A_312 = vector.load %arg2[%get3A_308, %get3A_309, %get3A_310, %get3A_311] : memref<1x19x64x512xf32, #tpu.memory_space<vmem>>, vector<1x1x64x512xf32>
    %get3A_313 = vector.shape_cast %get3A_312 : vector<1x1x64x512xf32> to vector<64x512xf32>
    %sub3A_314 = arith.subf %get3A_313, %max3A_134 : vector<64x512xf32>
    %exp3A_315 = math.exp %sub3A_314 : vector<64x512xf32>
    %add3A_316 = arith.addf %add3A_300, %exp3A_315 : vector<64x512xf32>
    %eq3A_317 = arith.constant 11 : i32
    %eq3A_318 = vector.broadcast %eq3A_317 : i32 to vector<64x512xi32>
    %eq3A_319 = arith.cmpi eq, %get3A_3, %eq3A_318 : vector<64x512xi32>
    %jit3A_320 = arith.constant 0.000000e+00 : f32
    %broadcast_in_dim3A_321 = vector.broadcast %jit3A_320 : f32 to vector<64x512xf32>
    %select_n3A_322 = arith.select %eq3A_319, %get3A_313, %broadcast_in_dim3A_321 : vector<64x512xi1>, vector<64x512xf32>
    %add3A_323 = arith.addf %add3A_307, %select_n3A_322 : vector<64x512xf32>
    %get3A_324 = arith.constant 0 : index
    %get3A_325 = arith.constant 12 : index
    %get3A_326 = arith.constant 0 : index
    %get3A_327 = arith.constant 0 : index
    %get3A_328 = vector.load %arg2[%get3A_324, %get3A_325, %get3A_326, %get3A_327] : memref<1x19x64x512xf32, #tpu.memory_space<vmem>>, vector<1x1x64x512xf32>
    %get3A_329 = vector.shape_cast %get3A_328 : vector<1x1x64x512xf32> to vector<64x512xf32>
    %sub3A_330 = arith.subf %get3A_329, %max3A_134 : vector<64x512xf32>
    %exp3A_331 = math.exp %sub3A_330 : vector<64x512xf32>
    %add3A_332 = arith.addf %add3A_316, %exp3A_331 : vector<64x512xf32>
    %eq3A_333 = arith.constant 12 : i32
    %eq3A_334 = vector.broadcast %eq3A_333 : i32 to vector<64x512xi32>
    %eq3A_335 = arith.cmpi eq, %get3A_3, %eq3A_334 : vector<64x512xi32>
    %jit3A_336 = arith.constant 0.000000e+00 : f32
    %broadcast_in_dim3A_337 = vector.broadcast %jit3A_336 : f32 to vector<64x512xf32>
    %select_n3A_338 = arith.select %eq3A_335, %get3A_329, %broadcast_in_dim3A_337 : vector<64x512xi1>, vector<64x512xf32>
    %add3A_339 = arith.addf %add3A_323, %select_n3A_338 : vector<64x512xf32>
    %get3A_340 = arith.constant 0 : index
    %get3A_341 = arith.constant 13 : index
    %get3A_342 = arith.constant 0 : index
    %get3A_343 = arith.constant 0 : index
    %get3A_344 = vector.load %arg2[%get3A_340, %get3A_341, %get3A_342, %get3A_343] : memref<1x19x64x512xf32, #tpu.memory_space<vmem>>, vector<1x1x64x512xf32>
    %get3A_345 = vector.shape_cast %get3A_344 : vector<1x1x64x512xf32> to vector<64x512xf32>
    %sub3A_346 = arith.subf %get3A_345, %max3A_134 : vector<64x512xf32>
    %exp3A_347 = math.exp %sub3A_346 : vector<64x512xf32>
    %add3A_348 = arith.addf %add3A_332, %exp3A_347 : vector<64x512xf32>
    %eq3A_349 = arith.constant 13 : i32
    %eq3A_350 = vector.broadcast %eq3A_349 : i32 to vector<64x512xi32>
    %eq3A_351 = arith.cmpi eq, %get3A_3, %eq3A_350 : vector<64x512xi32>
    %jit3A_352 = arith.constant 0.000000e+00 : f32
    %broadcast_in_dim3A_353 = vector.broadcast %jit3A_352 : f32 to vector<64x512xf32>
    %select_n3A_354 = arith.select %eq3A_351, %get3A_345, %broadcast_in_dim3A_353 : vector<64x512xi1>, vector<64x512xf32>
    %add3A_355 = arith.addf %add3A_339, %select_n3A_354 : vector<64x512xf32>
    %get3A_356 = arith.constant 0 : index
    %get3A_357 = arith.constant 14 : index
    %get3A_358 = arith.constant 0 : index
    %get3A_359 = arith.constant 0 : index
    %get3A_360 = vector.load %arg2[%get3A_356, %get3A_357, %get3A_358, %get3A_359] : memref<1x19x64x512xf32, #tpu.memory_space<vmem>>, vector<1x1x64x512xf32>
    %get3A_361 = vector.shape_cast %get3A_360 : vector<1x1x64x512xf32> to vector<64x512xf32>
    %sub3A_362 = arith.subf %get3A_361, %max3A_134 : vector<64x512xf32>
    %exp3A_363 = math.exp %sub3A_362 : vector<64x512xf32>
    %add3A_364 = arith.addf %add3A_348, %exp3A_363 : vector<64x512xf32>
    %eq3A_365 = arith.constant 14 : i32
    %eq3A_366 = vector.broadcast %eq3A_365 : i32 to vector<64x512xi32>
    %eq3A_367 = arith.cmpi eq, %get3A_3, %eq3A_366 : vector<64x512xi32>
    %jit3A_368 = arith.constant 0.000000e+00 : f32
    %broadcast_in_dim3A_369 = vector.broadcast %jit3A_368 : f32 to vector<64x512xf32>
    %select_n3A_370 = arith.select %eq3A_367, %get3A_361, %broadcast_in_dim3A_369 : vector<64x512xi1>, vector<64x512xf32>
    %add3A_371 = arith.addf %add3A_355, %select_n3A_370 : vector<64x512xf32>
    %get3A_372 = arith.constant 0 : index
    %get3A_373 = arith.constant 15 : index
    %get3A_374 = arith.constant 0 : index
    %get3A_375 = arith.constant 0 : index
    %get3A_376 = vector.load %arg2[%get3A_372, %get3A_373, %get3A_374, %get3A_375] : memref<1x19x64x512xf32, #tpu.memory_space<vmem>>, vector<1x1x64x512xf32>
    %get3A_377 = vector.shape_cast %get3A_376 : vector<1x1x64x512xf32> to vector<64x512xf32>
    %sub3A_378 = arith.subf %get3A_377, %max3A_134 : vector<64x512xf32>
    %exp3A_379 = math.exp %sub3A_378 : vector<64x512xf32>
    %add3A_380 = arith.addf %add3A_364, %exp3A_379 : vector<64x512xf32>
    %eq3A_381 = arith.constant 15 : i32
    %eq3A_382 = vector.broadcast %eq3A_381 : i32 to vector<64x512xi32>
    %eq3A_383 = arith.cmpi eq, %get3A_3, %eq3A_382 : vector<64x512xi32>
    %jit3A_384 = arith.constant 0.000000e+00 : f32
    %broadcast_in_dim3A_385 = vector.broadcast %jit3A_384 : f32 to vector<64x512xf32>
    %select_n3A_386 = arith.select %eq3A_383, %get3A_377, %broadcast_in_dim3A_385 : vector<64x512xi1>, vector<64x512xf32>
    %add3A_387 = arith.addf %add3A_371, %select_n3A_386 : vector<64x512xf32>
    %get3A_388 = arith.constant 0 : index
    %get3A_389 = arith.constant 16 : index
    %get3A_390 = arith.constant 0 : index
    %get3A_391 = arith.constant 0 : index
    %get3A_392 = vector.load %arg2[%get3A_388, %get3A_389, %get3A_390, %get3A_391] : memref<1x19x64x512xf32, #tpu.memory_space<vmem>>, vector<1x1x64x512xf32>
    %get3A_393 = vector.shape_cast %get3A_392 : vector<1x1x64x512xf32> to vector<64x512xf32>
    %sub3A_394 = arith.subf %get3A_393, %max3A_134 : vector<64x512xf32>
    %exp3A_395 = math.exp %sub3A_394 : vector<64x512xf32>
    %add3A_396 = arith.addf %add3A_380, %exp3A_395 : vector<64x512xf32>
    %eq3A_397 = arith.constant 16 : i32
    %eq3A_398 = vector.broadcast %eq3A_397 : i32 to vector<64x512xi32>
    %eq3A_399 = arith.cmpi eq, %get3A_3, %eq3A_398 : vector<64x512xi32>
    %jit3A_400 = arith.constant 0.000000e+00 : f32
    %broadcast_in_dim3A_401 = vector.broadcast %jit3A_400 : f32 to vector<64x512xf32>
    %select_n3A_402 = arith.select %eq3A_399, %get3A_393, %broadcast_in_dim3A_401 : vector<64x512xi1>, vector<64x512xf32>
    %add3A_403 = arith.addf %add3A_387, %select_n3A_402 : vector<64x512xf32>
    %get3A_404 = arith.constant 0 : index
    %get3A_405 = arith.constant 17 : index
    %get3A_406 = arith.constant 0 : index
    %get3A_407 = arith.constant 0 : index
    %get3A_408 = vector.load %arg2[%get3A_404, %get3A_405, %get3A_406, %get3A_407] : memref<1x19x64x512xf32, #tpu.memory_space<vmem>>, vector<1x1x64x512xf32>
    %get3A_409 = vector.shape_cast %get3A_408 : vector<1x1x64x512xf32> to vector<64x512xf32>
    %sub3A_410 = arith.subf %get3A_409, %max3A_134 : vector<64x512xf32>
    %exp3A_411 = math.exp %sub3A_410 : vector<64x512xf32>
    %add3A_412 = arith.addf %add3A_396, %exp3A_411 : vector<64x512xf32>
    %eq3A_413 = arith.constant 17 : i32
    %eq3A_414 = vector.broadcast %eq3A_413 : i32 to vector<64x512xi32>
    %eq3A_415 = arith.cmpi eq, %get3A_3, %eq3A_414 : vector<64x512xi32>
    %jit3A_416 = arith.constant 0.000000e+00 : f32
    %broadcast_in_dim3A_417 = vector.broadcast %jit3A_416 : f32 to vector<64x512xf32>
    %select_n3A_418 = arith.select %eq3A_415, %get3A_409, %broadcast_in_dim3A_417 : vector<64x512xi1>, vector<64x512xf32>
    %add3A_419 = arith.addf %add3A_403, %select_n3A_418 : vector<64x512xf32>
    %get3A_420 = arith.constant 0 : index
    %get3A_421 = arith.constant 18 : index
    %get3A_422 = arith.constant 0 : index
    %get3A_423 = arith.constant 0 : index
    %get3A_424 = vector.load %arg2[%get3A_420, %get3A_421, %get3A_422, %get3A_423] : memref<1x19x64x512xf32, #tpu.memory_space<vmem>>, vector<1x1x64x512xf32>
    %get3A_425 = vector.shape_cast %get3A_424 : vector<1x1x64x512xf32> to vector<64x512xf32>
    %sub3A_426 = arith.subf %get3A_425, %max3A_134 : vector<64x512xf32>
    %exp3A_427 = math.exp %sub3A_426 : vector<64x512xf32>
    %add3A_428 = arith.addf %add3A_412, %exp3A_427 : vector<64x512xf32>
    %eq3A_429 = arith.constant 18 : i32
    %eq3A_430 = vector.broadcast %eq3A_429 : i32 to vector<64x512xi32>
    %eq3A_431 = arith.cmpi eq, %get3A_3, %eq3A_430 : vector<64x512xi32>
    %jit3A_432 = arith.constant 0.000000e+00 : f32
    %broadcast_in_dim3A_433 = vector.broadcast %jit3A_432 : f32 to vector<64x512xf32>
    %select_n3A_434 = arith.select %eq3A_431, %get3A_425, %broadcast_in_dim3A_433 : vector<64x512xi1>, vector<64x512xf32>
    %add3A_435 = arith.addf %add3A_419, %select_n3A_434 : vector<64x512xf32>
    %div3A = arith.constant 1.000000e+00 : f32
    %div3A_436 = vector.broadcast %div3A : f32 to vector<64x512xf32>
    %div3A_437 = arith.divf %div3A_436, %add3A_428 : vector<64x512xf32>
    %sub3A_438 = arith.constant 1.000000e+00 : f32
    %sub3A_439 = vector.broadcast %sub3A_438 : f32 to vector<64x512xf32>
    %sub3A_440 = arith.subf %sub3A_439, %div3A_437 : vector<64x512xf32>
    %swap3A = arith.constant 0 : index
    %swap3A_441 = arith.constant 0 : index
    %swap3A_442 = vector.load %arg4[%swap3A, %swap3A_441] : memref<64x512xf32, #tpu.memory_space<vmem>>, vector<64x512xf32>
    tpu.vector_store %arg4[%swap3A, %swap3A_441], %sub3A_440 {strides = array<i32>} : memref<64x512xf32, #tpu.memory_space<vmem>>, vector<64x512xf32>,
    %log3A = math.log %add3A_428 : vector<64x512xf32>
    %add3A_443 = arith.addf %max3A_134, %log3A : vector<64x512xf32>
    %sub3A_444 = arith.subf %add3A_443, %add3A_435 : vector<64x512xf32>
    %swap3A_445 = arith.constant 0 : index
    %swap3A_446 = arith.constant 0 : index
    %swap3A_447 = vector.load %arg5[%swap3A_445, %swap3A_446] : memref<64x512xf32, #tpu.memory_space<vmem>>, vector<64x512xf32>
    tpu.vector_store %arg5[%swap3A_445, %swap3A_446], %sub3A_444 {strides = array<i32>} : memref<64x512xf32, #tpu.memory_space<vmem>>, vector<64x512xf32>,
    return
  }
  func.func @transform_0(%arg0: i32, %arg1: i32) -> (i32, i32, i32, i32) {
    %c0_i32 = arith.constant 0 : i32
    %c0_i32_0 = arith.constant 0 : i32
    %c0_i32_1 = arith.constant 0 : i32
    return %arg0, %c0_i32, %arg1, %c0_i32_0 : i32, i32, i32, i32
  }
  func.func @transform_1(%arg0: i32, %arg1: i32) -> (i32, i32, i32) {
    %c0_i32 = arith.constant 0 : i32
    %c0_i32_0 = arith.constant 0 : i32
    return %arg0, %arg1, %c0_i32 : i32, i32, i32
  }
  func.func @transform_2(%arg0: i32, %arg1: i32) -> (i32, i32) {
    %mul3A = arith.constant 8 : i32
    %mul3A_0 = arith.muli %arg0, %mul3A : i32
    %add3A = arith.addi %mul3A_0, %arg1 : i32
    %c0_i32 = arith.constant 0 : i32
    %c0_i32_1 = arith.constant 0 : i32
    return %add3A, %c0_i32 : i32, i32
  }
  func.func @transform_3(%arg0: i32, %arg1: i32) -> (i32, i32) {
    %mul3A = arith.constant 8 : i32
    %mul3A_0 = arith.muli %arg0, %mul3A : i32
    %add3A = arith.addi %mul3A_0, %arg1 : i32
    %c0_i32 = arith.constant 0 : i32
    %c0_i32_1 = arith.constant 0 : i32
    return %add3A, %c0_i32 : i32, i32
  }
}

</mosaic_0001>

<sc_bundles>
// kernel: kernel.5.cloned.1.call-start
scs
__scs_entry_jumppad:
0x0: {  	(pc) =	sbr.rel $0x88, $3  }
0x1: {  	(tag) =	ssettag $0x0;
	lr =	simm.s32 $0x1  }
0x2: {  	[smem:$0x3F9F] =	sst lr;
	_ =	strace $0xD0000000  }
0x3: {  	_ = 	snop  }
0x4: {  	_ = 	snop  }
0x5: {  	_ = 	snop  }
0x6: {  	_ = 	snop  }
0x7: {  	_ = 	snop  }
__scs_overlays_trampoline_lowered:
0x8: {  	[smem:$0x3FAE] =	sst s0  }
0x9: {  	[smem:$0x3FAF] =	sst s1  }
0xa: {  	[smem:$0x3FB0] =	sst s2  }
0xb: {  	[smem:$0x3FB1] =	sst s3  }
0xc: {  	[smem:$0x3FB2] =	sst s4  }
0xd: {  	[smem:$0x3FB3] =	sst s5  }
0xe: {  	[smem:$0x3FB4] =	sst s6  }
0xf: {  	[smem:$0x3FB5] =	sst s7  }
0x10: {  	[smem:$0x3FB6] =	sst s8  }
0x11: {  	[smem:$0x3FB7] =	sst s9;
	s0 =	simm.s32 @!p0 $0x0  }
0x12: {  	s1 =	sld [smem:$0x3F9D];
	s0 =	simm.s32 @p0 $0x1  }
0x13: {  	[smem:$0x3FB8] =	sst s0;
	s0 =	simm.s32 @!p1 $0x0  }
0x14: {  	s2 =	sld [smem:$0x3F9C];
	s0 =	simm.s32 @p1 $0x1  }
0x15: {  	[smem:$0x3FB9] =	sst s0;
	s0 =	simm.s32 @!p2 $0x0  }
0x16: {  	s3 =	sld [smem:$0x3FDB];
	s0 =	simm.s32 @p2 $0x1  }
0x17: {  	s4 =	simm.s32 $0x1BF5;
	[smem:$0x3FBB] =	sst s0  }
0x18: {  	s0 =	sld [smem:$0x3F9E];
	_ =	swait.ge [sflag:s4], $0x0  }
0x19: {  	s7 =	sld [smem:$0x3F9F]  }
0x1a: {  	s8 =	sadd.s32 $0xFFFFE003, lr  }
0x1b: {  	s9 =	sadd.s32 $0xFFFFFEF7, lr;
	s5 =	simm.s32 $0xFFFFFFFF;
	p2 =	slt.u32 s8, $0xFFFFF086  }
0x1c: {  	p1 =	slt.u32 s9, $0xF7A;
	s5 =	simm.s32 @!p2 $0x0  }
0x1d: {  	s5 =	simm.s32 @p1 $0x1;
	p0 =	seq.s32 s7, s2  }
0x1e: {  	s7 =	smul.u32 @!p0 $0xF7A, s2;
	p2 =	seq.s32 @!p0 s5, $0x0  }
0x1f: {  	s9 =	smul.u32 $0xF7A, s1;
	s8 =	simm.s32 @!p0 $0x1BF5;
	p2 =	por !p2, p0  }
0x20: {  	[sflag:s8] =	ssyncset.s32 @!p0 $0xFFFFF086;
	s6 =	sadd.s32 @!p0 s3, s7;
	s7 =	simm.s32 @!p0 $0x108  }
0x21: {  	s3 =	sadd.s32 s3, s9;
	s6 =	sadd.s32 @!p0 $0x88, s6;
	s7 =	simm.s32 @p2 $0x1082  }
0x22: {  	[simem:s7], [sflag:s8] =	dma.local @!p0 [hbm:s6], $0xF7A  }
0x23: {  	s9 =	sor.u32 $0xD0000000, s2;
	s6 =	simm.s32 $0x108;
	_ =	swait.ge @!p0 [sflag:s8], $0x0  }
0x24: {  	s3 =	sadd.s32 $0x88, s3;
	s6 =	simm.s32 @!p1 $0x1082;
	[sflag:s4] =	ssyncset.s32 $0xFFFFF086  }
0x25: {  	[simem:s6], [sflag:s4] =	dma.local [hbm:s3], $0xF7A  }
0x26: {  	[smem:$0x3F9F] =	sst s1;
	(tag) =	ssettag s2;
	_ =	strace s9  }
0x27: {  	s1 =	sld [smem:$0x3FAF]  }
0x28: {  	s2 =	sld [smem:$0x3FB0]  }
0x29: {  	s4 =	sld [smem:$0x3FB2]  }
0x2a: {  	p0 =	seq.s32 s5, $0x0;
	s5 =	sld [smem:$0x3FB3]  }
0x2b: {  	s6 =	sld [smem:$0x3FB4]  }
0x2c: {  	s7 =	sld [smem:$0x3FB5]  }
0x2d: {  	s3 =	simm.s32 $0x108;
	s8 =	sld [smem:$0x3FB6]  }
0x2e: {  	s3 =	simm.s32 @!p0 $0x1082;
	s9 =	sld [smem:$0x3FB7]  }
0x2f: {  	lr =	sadd.s32 s0, s3;
	s0 =	sld [smem:$0x3FAE]  }
0x30: {  	s3 =	sld [smem:$0x3FB1]  }
0x31: {  	[smem:$0x3FBA] =	sst s10  }
0x32: {  	s10 =	sld [smem:$0x3FB8];
	_ =	sdelay $0x3  }
0x33: {  	p0 =	seq.s32 s10, $0x1;
	s10 =	sld [smem:$0x3FBA];
	_ =	sdelay $0x3  }
0x34: {  	[smem:$0x3FBA] =	sst s10  }
0x35: {  	s10 =	sld [smem:$0x3FB9];
	_ =	sdelay $0x3  }
0x36: {  	p1 =	seq.s32 s10, $0x1;
	s10 =	sld [smem:$0x3FBA];
	_ =	sdelay $0x3  }
0x37: {  	[smem:$0x3FBA] =	sst s10  }
0x38: {  	s10 =	sld [smem:$0x3FBB]  }
0x39: {  	_ = 	snop;
	(pc) =	sbr.ind lr, $3  }
0x3a: {  	_ = 	snop  }
0x3b: {  	_ = 	snop  }
0x3c: {  	p2 =	seq.s32 s10, $0x1;
	s10 =	sld [smem:$0x3FBA]  }
0x3d: {  	_ =	shalt  }
0x3e: {  	_ =	shalt  }
0x3f: {  	_ =	shalt  }
0x40: {  	_ =	shalt  }
0x41: {  	_ =	shalt  }
0x42: {  	_ =	shalt  }
0x43: {  	_ =	shalt  }
0x44: {  	_ =	shalt  }
0x45: {  	_ =	shalt  }
0x46: {  	_ =	shalt  }
0x47: {  	_ =	shalt  }
0x48: {  	_ =	shalt  }
0x49: {  	_ =	shalt  }
0x4a: {  	_ =	shalt  }
0x4b: {  	_ =	shalt  }
0x4c: {  	_ =	shalt  }
0x4d: {  	_ =	shalt  }
0x4e: {  	_ =	shalt  }
0x4f: {  	_ =	shalt  }
0x50: {  	_ =	shalt  }
0x51: {  	_ =	shalt  }
0x52: {  	_ =	shalt  }
0x53: {  	_ =	shalt  }
0x54: {  	_ =	shalt  }
0x55: {  	_ =	shalt  }
0x56: {  	_ =	shalt  }
0x57: {  	_ =	shalt  }
0x58: {  	_ =	shalt  }
0x59: {  	_ =	shalt  }
0x5a: {  	_ =	shalt  }
0x5b: {  	_ =	shalt  }
0x5c: {  	_ =	shalt  }
0x5d: {  	_ =	shalt  }
0x5e: {  	_ =	shalt  }
0x5f: {  	_ =	shalt  }
0x60: {  	_ =	shalt  }
0x61: {  	_ =	shalt  }
0x62: {  	_ =	shalt  }
0x63: {  	_ =	shalt  }
0x64: {  	_ =	shalt  }
0x65: {  	_ =	shalt  }
0x66: {  	_ =	shalt  }
0x67: {  	_ =	shalt  }
0x68: {  	_ =	shalt  }
0x69: {  	_ =	shalt  }
0x6a: {  	_ =	shalt  }
0x6b: {  	_ =	shalt  }
0x6c: {  	_ =	shalt  }
0x6d: {  	_ =	shalt  }
0x6e: {  	_ =	shalt  }
0x6f: {  	_ =	shalt  }
0x70: {  	_ =	shalt  }
0x71: {  	_ =	shalt  }
0x72: {  	_ =	shalt  }
0x73: {  	_ =	shalt  }
0x74: {  	_ =	shalt  }
0x75: {  	_ =	shalt  }
0x76: {  	_ =	shalt  }
0x77: {  	_ =	shalt  }
0x78: {  	_ =	shalt  }
0x79: {  	_ =	shalt  }
0x7a: {  	_ =	shalt  }
0x7b: {  	_ =	shalt  }
0x7c: {  	_ =	shalt  }
0x7d: {  	_ =	shalt  }
0x7e: {  	_ =	shalt  }
0x7f: {  	_ =	shalt  }
0x80: {  	_ =	shalt  }
0x81: {  	_ =	shalt  }
0x82: {  	_ =	shalt  }
0x83: {  	_ =	shalt  }
0x84: {  	_ =	shalt  }
0x85: {  	_ =	shalt  }
0x86: {  	_ =	shalt  }
0x87: {  	_ =	shalt  }
.Lfunc_end0:
.L_simem_size_0:
called_computation_lowered:
.L_overlay_start_0:
0x88: {  	s2 =	sld [smem:$0x3FD9]  }
0x89: {  	s3 =	sld [smem:$0x3FFE];
	_ =	sdelay $0x1  }
0x8a: {  	s1 =	srdreg.scid  }
0x8b: {  	s0 =	sand.u32 $0x1, s1  }
0x8c: {  	s16 =	sshll.u32 s0, $0xA;
	s2 =	sadd.s32 s3, s2  }
0x8d: {  	s2 =	sadd.s32 s2, s16  }
0x8e: {  	[smem:$0x3FC6] =	sst s2  }
0x8f: {  	_ = 	snop  }
0x90: {  	(tm) =	ssettm $0x1  }
0x91: {  	s17 =	sld [smem:$0x3FFB];
	_ =	sdelay $0x3  }
0x92: {  	_ =	strace s17  }
0x93: {  	s2 =	sld [smem:$0x3FFC];
	_ =	sdelay $0x3  }
0x94: {  	_ =	strace s2  }
0x95: {  	s2 =	sld [smem:$0x3FFD];
	_ =	sdelay $0x3  }
0x96: {  	_ =	strace s2  }
0x97: {  	_ =	strace $0x8FFFFFFF  }
0x98: {  	s18 =	sld [smem:$0x3FDB];
	_ =	sdelay $0x1  }
0x99: {  	s19 =	simm.s32 $_scs_section_size  }
0x9a: {  	s4 =	simm.s32 $_size__tile_overlayer_lowered;
	s5 =	simm.s32 $_tile_overlayer_lowered  }
0x9b: {  	s22 =	simm.s32 $0x1BFF;
	s21 =	sshll.u32 s5, $0x1;
	s2 =	sadd.s32 s19, s18  }
0x9c: {  	s6 =	simm.s32 $0x0;
	s20 =	sshll.u32 s4, $0x1;
	s4 =	sadd.s32 s21, s2  }
0x9d: {  	[timem:s6], [sflag:s22] =	dma.local [hbm:s4], s20  }
0x9e: {  	_ =	swait.ge [sflag:s22], s20  }
0x9f: {  	s3 =	ssub.s32 $0x0, s20;
	[sflag:s22] =	ssyncset.done $0x0  }
0xa0: {  	[sflag:s22] =	ssyncadd.s32 s3;
	_ =	sdelay $0x1  }
0xa1: {  	s23 =	simm.s32 $0x1B8B  }
0xa2: {  	_ =	swait.ge [sflag:s23], $0x1  }
0xa3: {  	[sflag:s23] =	ssyncset.done $0x0  }
0xa4: {  	s25 =	simm.s32 $0x1B8E;
	s24 =	sld [smem:$0x3FFE];
	[sflag:s23] =	ssyncadd.s32 $0xFFFFFFFF  }
0xa5: {  	s26 =	simm.s32 $execute0_lowered;
	[smem:$0x3FD2] =	sst s25  }
0xa6: {  	s4 =	sshll.u32 s26, $0x1;
	_ =	strace $0x80000046;
	[dreg:$0x1] =	wrdreg $0xFFFFFFFF  }
0xa7: {  	s28 =	simm.s32 $_size_execute0_lowered;
	s2 =	sadd.s32 s2, s4;
	[dreg:$0x0] =	wrdreg $0x0  }
0xa8: {  	s4 =	sshll.u32 s28, $0x1;
	[dreg:$0x2] =	wrdreg s2  }
0xa9: {  	[dreg:$0x3] =	wrdreg s4  }
0xaa: {  	[dreg:$0x4] =	wrdreg $0xC0  }
0xab: {  	_ =	task [dreg:s6], $0x5FFFF  }
0xac: {  	[dreg:$0x1] =	wrdreg $0xFFFFFFFF  }
0xad: {  	[dreg:$0x0] =	wrdreg $0x60  }
0xae: {  	[dreg:$0x2] =	wrdreg s24  }
0xaf: {  	[dreg:$0x3] =	wrdreg $0x9  }
0xb0: {  	_ =	task.clear_ibuf [dreg:s6], $0x4FFFF;
	_ =	strace $0x90000046  }
0xb1: {  	s29 =	simm.s32 $0x9;
	_ =	strace $0x80000048  }
0xb2: {  	_ =	swait.ge [sflag:s29], $0x1  }
0xb3: {  	[sflag:s29] =	ssyncadd.s32 $0xFFFFFFFF  }
0xb4: {  	_ =	strace $0x90000048  }
0xb5: {  	_ =	sfence  }
0xb6: {  	s30 =	sld [smem:$0x0];
	_ =	sdelay $0x2  }
0xb7: {  	s31 =	sshll.u32 s1, $0xD;
	s1 =	sshrl.u32 s1, $0x2  }
0xb8: {  	s3 =	sand.u32 $0x4000, s31;
	s1 =	sadd.s32 s1, s30  }
0xb9: {  	s0 =	sor.u32 s3, s0;
	s1 =	sshll.u32 s1, $0x11  }
0xba: {  	s0 =	sor.u32 s1, s0  }
0xbb: {  	s0 =	sadd.s32 $0x8F2B, s0  }
0xbc: {  	[sflag:s0] =	ssyncadd.remote.s32 $0x1  }
0xbd: {  	_ =	sfence.sel $0xFFFF  }
0xbe: {  	[dreg:$0x0] =	wrdreg $0xFFFFFFFF;
	(pc) =	sbr.abs _section_cstart, $3  }
0xbf: {  	[dreg:$0x1] =	wrdreg $0xFFFFFFFF  }
0xc0: {  	_ =	task.clear_ibuf [dreg:s6], $0x2FFFF;
	_ =	strace $0x9FFFFFFF  }
0xc1: {  	(tm) =	ssettm $0x7FFFFFFF  }
tec
execute0_lowered:
.L_overlay_start_1:
0x0: {  	(tag) =	ssettag $0x1  }
0x1: {  	s0 =	rddreg [dreg:$0x0];
	s2 =	simm.s32 $0x0;
	s5 =	stileid.u32  }
0x2: {  	s1 =	srdreg.scid;
	s21 =	simm.s32 $0x4000;
	s28 =	simm.s32 $0x8000  }
0x3: {  	s29 =	simm.s32 $0x2;
	s30 =	simm.s32 $0x4;
	[smem:$0x7FF] =	sst s2  }
0x4: {  	s1 =	sand.u32 $0x1, s1;
	s3 =	sshll.u32 s5, $0x1;
	s4 =	sadd.s32 $0xA00, s0  }
0x5: {  	s5 =	sshll.u32 s5, $0x9;
	s19 =	sadd.s32 $0x40A00, s0;
	_ =	strace $0x80000047  }
0x6: {  	v0 =	vimm.f32 $3.333333510e-02;
	s3 =	sor.u32 s1, s3;
	s5 =	sand.u32 $0x1800, s5;
	s24 =	ssub.s32 $0x2, s1  }
0x7: {  	v1 =	vimm.f32 $6.666667010e-02;
	v2 =	vimm.f32 $1.000000010e-01;
	s6 =	sshll.u32 s3, $0xD;
	s0 =	sadd.s32 s5, s0;
	s3 =	sshll.u32 s3, $0x4  }
0x8: {  	v3 =	vimm.f32 $1.333333400e-01;
	v4 =	vimm.f32 $1.666666720e-01;
	s1 =	sshrl.u32 s24, $0x1;
	s22 =	sor.u32 $0x400, s6;
	s9 =	sor.u32 $0x800, s6  }
0x9: {  	v5 =	vimm.f32 $2.000000030e-01;
	s11 =	sor.u32 $0xC00, s6;
	s3 =	sand.u32 $0x70, s3;
	s13 =	sor.u32 $0x1000, s6  }
0xa: {  	v6 =	vimm.f32 $2.333333340e-01;
	v7 =	vimm.f32 $2.666666810e-01;
	s15 =	sor.u32 $0x1400, s6;
	s23 =	sor.u32 $0x1800, s6;
	s25 =	sadd.s32 s4, s6  }
0xb: {  	v8 =	vimm.f32 $3.000000120e-01;
	v9 =	vimm.f32 $3.333333430e-01;
	s20 =	sor.u32 $0x1C00, s6;
	s26 =	sadd.s32 s19, s6;
	[dreg:$0x3] =	wrdreg s25  }
0xc: {  	v10 =	vimm.f32 $3.666666750e-01;
	v11 =	vimm.f32 $4.000000060e-01;
	v12 =	vimm.f32 $4.333333370e-01;
	s0 =	sadd.s32 s3, s0;
	[dreg:$0x4] =	wrdreg s26;
	s31 =	sadd.s32 s4, s22  }
0xd: {  	v13 =	vimm.f32 $4.666666690e-01;
	v14 =	vimm.f32 $5.333333610e-01;
	v15 =	vimm.f32 $5.666666630e-01;
	s7 =	sadd.s32 s19, s22;
	s8 =	sadd.s32 s4, s9;
	s9 =	sadd.s32 s19, s9  }
0xe: {  	v16 =	vimm.f32 $6.000000240e-01;
	v17 =	vimm.f32 $6.333333250e-01;
	v18 =	vimm.f32 $6.666666860e-01;
	s10 =	sadd.s32 s4, s11;
	s11 =	sadd.s32 s19, s11;
	s12 =	sadd.s32 s4, s13  }
0xf: {  	v19 =	vimm.f32 $6.999999880e-01;
	v20 =	vimm.f32 $7.333333490e-01;
	v21 =	vimm.f32 $7.666666510e-01;
	s13 =	sadd.s32 s19, s13;
	s14 =	sadd.s32 s4, s15;
	s15 =	sadd.s32 s19, s15  }
0x10: {  	v22 =	vimm.f32 $8.000000110e-01;
	v23 =	vimm.f32 $8.333333130e-01;
	v24 =	vimm.f32 $8.666666740e-01;
	s16 =	sadd.s32 s4, s23;
	s17 =	sadd.s32 s19, s23;
	s18 =	sadd.s32 s4, s20  }
0x11: {  	v25 =	vimm.f32 $8.999999760e-01;
	v26 =	vimm.f32 $9.333333370e-01;
	v27 =	vlaneseq.u32;
	s19 =	sadd.s32 s19, s20;
	s22 =	simm.s32 $0x1;
	s23 =	simm.s32 $0x3  }
0x12: {  	v28 =	vimm.f32 $0.0e+00;
	v29 =	vimm.f32 $5.000000000e-01;
	v30 =	vmul.u32 $0x80, v27;
	s25 =	simm.s32 $0x6000;
	s0 =	sadd.s32 $0x80A00, s0;
	[dreg:$0x5] =	wrdreg s31  }
0x13: {  	v31 =	vimm.f32 $9.666666380e-01;
	v32 =	vimm.f32 $1.000000000e+00;
	v34 =	vimm.s32 $0x0;
	s26 =	simm.s32 $0x8800;
	[dreg:$0x2] =	wrdreg s0;
	s0 =	ssub.s32 s24, s1  }
0x14: {  	v33 =	vor.u32 $0x10, v27;
	v35 =	vor.u32 $0x20, v30;
	v36 =	vor.u32 $0x40, v30;
	s24 =	simm.s32 $0x2000;
	s1 =	simm.s32 $0x5;
	s20 =	smax.u32 s0, $0x1  }
.LBB2_1:
0x15: {  	[tilespmem:$0x8800] =	vst v28  }
0x16: {  	[tilespmem:$0x8810] =	vst v0  }
0x17: {  	[tilespmem:$0x8820] =	vst v1  }
0x18: {  	[tilespmem:$0x8830] =	vst v2  }
0x19: {  	[tilespmem:$0x8840] =	vst v3  }
0x1a: {  	[tilespmem:$0x8850] =	vst v4  }
0x1b: {  	[tilespmem:$0x8860] =	vst v5  }
0x1c: {  	[tilespmem:$0x8870] =	vst v6  }
0x1d: {  	[tilespmem:$0x8880] =	vst v7  }
0x1e: {  	[tilespmem:$0x8890] =	vst v8  }
0x1f: {  	[tilespmem:$0x88A0] =	vst v9  }
0x20: {  	[tilespmem:$0x88B0] =	vst v10  }
0x21: {  	[tilespmem:$0x88C0] =	vst v11  }
0x22: {  	[tilespmem:$0x88D0] =	vst v12  }
0x23: {  	[tilespmem:$0x88E0] =	vst v13  }
0x24: {  	[tilespmem:$0x88F0] =	vst v29  }
0x25: {  	[tilespmem:$0x8900] =	vst v14  }
0x26: {  	[tilespmem:$0x8910] =	vst v15  }
0x27: {  	[tilespmem:$0x8920] =	vst v16  }
0x28: {  	[tilespmem:$0x8930] =	vst v17  }
0x29: {  	[tilespmem:$0x8940] =	vst v18  }
0x2a: {  	[tilespmem:$0x8950] =	vst v19  }
0x2b: {  	[tilespmem:$0x8960] =	vst v20  }
0x2c: {  	[tilespmem:$0x8970] =	vst v21  }
0x2d: {  	[tilespmem:$0x8980] =	vst v22  }
0x2e: {  	[tilespmem:$0x8990] =	vst v23  }
0x2f: {  	[tilespmem:$0x89A0] =	vst v24  }
0x30: {  	[tilespmem:$0x89B0] =	vst v25  }
0x31: {  	[tilespmem:$0x89C0] =	vst v26  }
0x32: {  	[tilespmem:$0x89D0] =	vst v31  }
0x33: {  	[tilespmem:$0x89E0] =	vst v32;
	s0 =	simm.s32 $0x40;
	s3 =	simm.s32 $0x0  }
.LBB2_2:
0x34: {  	p0 =	sne.s32 s0, $0x1FC0;
	[tilespmem:s3+$0x8000] =	vst v28;
	s3 =	smov.u32 s0;
	s0 =	sadd.s32 $0x40, s0  }
.Ltmp0:
0x35: {  	(pc) =	sbr.rel @p0 .LBB2_2-.Ltmp0, $2  }
0x36: {  	_ =	sdelay $0x2  }
0x37: {  	s3 =	sshra.s32 s3, $0x2  }
0x38: {  	[tilespmem:s3+$0x8000] =	vst v28;
	s31 =	simm.s32 $0x0;
	s0 =	rddreg [dreg:$0x3]  }
0x39: {  	[tilespmem:s31], [sflag:$0x1] =	stream.linear.gather [hbm4b:s0+s31], $0x2000, $0x38;
	[tilespmem:$0x8A00] =	vst v63  }
0x3a: {  	s5 =	rddreg [dreg:$0x4]  }
0x3b: {  	[tilespmem:s21], [sflag:$0x3] =	stream.linear.gather [hbm4b:s5+s31], $0x2000, $0x38;
	[tilespmem:$0x8A00] =	vst v63  }
0x3c: {  	_ =	swait.ge [sflag:s22], $0x2000  }
0x3d: {  	[sflag:s22] =	ssyncset.done $0x0  }
0x3e: {  	[sflag:s22] =	ssyncadd.s32 $0xFFFFE000  }
0x3f: {  	_ =	swait.ge [sflag:s23], $0x2000  }
0x40: {  	[sflag:s23] =	ssyncset.done $0x0  }
0x41: {  	s6 =	rddreg [dreg:$0x5];
	[sflag:s23] =	ssyncadd.s32 $0xFFFFE000  }
0x42: {  	[tilespmem:s24], [sflag:$0x2] =	stream.linear.gather [hbm4b:s6+s31], $0x2000, $0x38;
	[tilespmem:$0x8A00] =	vst v63  }
0x43: {  	_ = 	snop  }
0x44: {  	[tilespmem:s25], [sflag:$0x4] =	stream.linear.gather [hbm4b:s7+s31], $0x2000, $0x38;
	[tilespmem:$0x8A00] =	vst v63  }
.LBB2_4:
0x45: {  	s0 =	sshll.u32 s31, $0x9;
	s3 =	sshll.u32 s31, $0x7  }
0x46: {  	s0 =	sand.u32 $0x1000, s0;
	s3 =	sand.u32 $0x380, s3  }
0x47: {  	s4 =	simm.s32 $0x0;
	s0 =	sor.u32 s0, s3;
	s3 =	simm.s32 $0x0  }
.LBB2_5:
0x48: {  	s5 =	sand.u32 $0x40, s4  }
0x49: {  	s6 =	sand.u32 $0xC00, s3;
	s5 =	sor.u32 s5, s0  }
0x4a: {  	s5 =	sor.u32 s6, s5  }
0x4b: {  	v37 =	vld [tilespmem:s5+$0x0];
	_ =	sdelay $0x4  }
0x4c: {  	v38 =	vmul.f32 $3.000000000e+01, v37;
	_ =	sdelay $0x1  }
0x4d: {  	v38 =	vtrunc.f32 v38  }
0x4e: {  	v38 =	vcvt.f32.s32 v38;
	_ =	sdelay $0x1  }
0x4f: {  	v39 =	vshll.u32 v38, $0x4  }
0x50: {  	v40 =	vor.u32 v27, v39  }
0x51: {  	v39 =	vadd.s32 v33, v39;
	_ =	sdelay $0x3  }
0x52: {  	v40 =	vld.idx.msk [tilespmem:v40+s26+$0x0], $0xffff  }
0x53: {  	v39 =	vld.idx.msk [tilespmem:v39+s26+$0x0], $0xffff;
	_ =	sdelay $0x3  }
0x54: {  	vm0 =	vgt.f32 v37, v40  }
0x55: {  	vm9 =	vgt.f32 v37, v39;
	v40 =	vsel vm0, $0x1, v34  }
0x56: {  	v37 =	vsel vm9, $0x1, v34;
	v46 =	vadd.s32 v40, v38  }
0x57: {  	v38 =	vadd.s32 v30, v38;
	v37 =	vadd.s32 v37, v46  }
0x58: {  	v37 =	vadd.s32 v35, v37  }
0x59: {  	v47 =	vld [tilespmem:s5+$0x4000];
	v48 =	vadd.s32 $0x20, v37;
	_ =	sdelay $0x2  }
0x5a: {  	[tilespmem:v38+s28+$0x0] =	vst.idx.add.f32.msk $0xffff, v32  }
0x5b: {  	[tilespmem:v37+s28+$0x0] =	vst.idx.add.f32.msk $0xffff, v32  }
0x5c: {  	s6 =	sor.u32 $0x10, s5;
	[tilespmem:v48+s28+$0x0] =	vst.idx.add.f32.msk $0xffff, v47  }
0x5d: {  	v37 =	vld [tilespmem:s6+$0x0];
	_ =	sdelay $0x4  }
0x5e: {  	v49 =	vmul.f32 $3.000000000e+01, v37;
	_ =	sdelay $0x1  }
0x5f: {  	v38 =	vtrunc.f32 v49  }
0x60: {  	v38 =	vcvt.f32.s32 v38;
	_ =	sdelay $0x1  }
0x61: {  	v50 =	vshll.u32 v38, $0x4  }
0x62: {  	v51 =	vor.u32 v27, v50  }
0x63: {  	v39 =	vadd.s32 v33, v50;
	_ =	sdelay $0x3  }
0x64: {  	v40 =	vld.idx.msk [tilespmem:v51+s26+$0x0], $0xffff  }
0x65: {  	v39 =	vld.idx.msk [tilespmem:v39+s26+$0x0], $0xffff;
	_ =	sdelay $0x3  }
0x66: {  	vm10 =	vgt.f32 v37, v40  }
0x67: {  	vm11 =	vgt.f32 v37, v39;
	v40 =	vsel vm10, $0x1, v34  }
0x68: {  	v37 =	vsel vm11, $0x1, v34;
	v52 =	vadd.s32 v40, v38  }
0x69: {  	v38 =	vadd.s32 v30, v38;
	v37 =	vadd.s32 v37, v52  }
0x6a: {  	s6 =	sor.u32 $0x4010, s5;
	v39 =	vadd.s32 v35, v37  }
0x6b: {  	v53 =	vld [tilespmem:s6+$0x0];
	v37 =	vadd.s32 v36, v37;
	_ =	sdelay $0x2  }
0x6c: {  	[tilespmem:v38+s28+$0x0] =	vst.idx.add.f32.msk $0xffff, v32  }
0x6d: {  	[tilespmem:v39+s28+$0x0] =	vst.idx.add.f32.msk $0xffff, v32  }
0x6e: {  	s6 =	sor.u32 $0x20, s5;
	[tilespmem:v37+s28+$0x0] =	vst.idx.add.f32.msk $0xffff, v53  }
0x6f: {  	v37 =	vld [tilespmem:s6+$0x0];
	_ =	sdelay $0x4  }
0x70: {  	v54 =	vmul.f32 $3.000000000e+01, v37;
	_ =	sdelay $0x1  }
0x71: {  	v38 =	vtrunc.f32 v54  }
0x72: {  	v38 =	vcvt.f32.s32 v38;
	_ =	sdelay $0x1  }
0x73: {  	v55 =	vshll.u32 v38, $0x4  }
0x74: {  	v56 =	vor.u32 v27, v55  }
0x75: {  	v39 =	vadd.s32 v33, v55;
	_ =	sdelay $0x3  }
0x76: {  	v40 =	vld.idx.msk [tilespmem:v56+s26+$0x0], $0xffff  }
0x77: {  	v39 =	vld.idx.msk [tilespmem:v39+s26+$0x0], $0xffff;
	_ =	sdelay $0x3  }
0x78: {  	vm12 =	vgt.f32 v37, v40  }
0x79: {  	vm13 =	vgt.f32 v37, v39;
	v40 =	vsel vm12, $0x1, v34  }
0x7a: {  	v37 =	vsel vm13, $0x1, v34;
	v57 =	vadd.s32 v40, v38  }
0x7b: {  	v38 =	vadd.s32 v30, v38;
	v37 =	vadd.s32 v37, v57  }
0x7c: {  	s6 =	sor.u32 $0x4020, s5;
	v39 =	vadd.s32 v35, v37  }
0x7d: {  	v58 =	vld [tilespmem:s6+$0x0];
	v37 =	vadd.s32 v36, v37;
	_ =	sdelay $0x2  }
0x7e: {  	[tilespmem:v38+s28+$0x0] =	vst.idx.add.f32.msk $0xffff, v32  }
0x7f: {  	[tilespmem:v39+s28+$0x0] =	vst.idx.add.f32.msk $0xffff, v32  }
0x80: {  	s6 =	sor.u32 $0x30, s5;
	[tilespmem:v37+s28+$0x0] =	vst.idx.add.f32.msk $0xffff, v58  }
0x81: {  	v37 =	vld [tilespmem:s6+$0x0];
	_ =	sdelay $0x4  }
0x82: {  	v59 =	vmul.f32 $3.000000000e+01, v37;
	_ =	sdelay $0x1  }
0x83: {  	v38 =	vtrunc.f32 v59  }
0x84: {  	v38 =	vcvt.f32.s32 v38;
	_ =	sdelay $0x1  }
0x85: {  	v60 =	vshll.u32 v38, $0x4  }
0x86: {  	v61 =	vor.u32 v27, v60  }
0x87: {  	v39 =	vadd.s32 v33, v60;
	_ =	sdelay $0x3  }
0x88: {  	v40 =	vld.idx.msk [tilespmem:v61+s26+$0x0], $0xffff  }
0x89: {  	v39 =	vld.idx.msk [tilespmem:v39+s26+$0x0], $0xffff;
	_ =	sdelay $0x3  }
0x8a: {  	vm14 =	vgt.f32 v37, v40  }
0x8b: {  	vm15 =	vgt.f32 v37, v39;
	v40 =	vsel vm14, $0x1, v34  }
0x8c: {  	v37 =	vsel vm15, $0x1, v34;
	v62 =	vadd.s32 v40, v38  }
0x8d: {  	v38 =	vadd.s32 v30, v38;
	v37 =	vadd.s32 v37, v62  }
0x8e: {  	s5 =	sor.u32 $0x4030, s5;
	v39 =	vadd.s32 v35, v37  }
0x8f: {  	p0 =	sne.s32 s4, $0x1C0;
	v63 =	vld [tilespmem:s5+$0x0];
	v37 =	vadd.s32 v36, v37  }
.Ltmp1:
0x90: {  	_ = 	snop;
	(pc) =	sbr.rel @p0 .LBB2_5-.Ltmp1, $4  }
0x91: {  	_ = 	snop  }
0x92: {  	[tilespmem:v38+s28+$0x0] =	vst.idx.add.f32.msk $0xffff, v32  }
0x93: {  	[tilespmem:v39+s28+$0x0] =	vst.idx.add.f32.msk $0xffff, v32  }
0x94: {  	s3 =	sadd.s32 $0x200, s3;
	s4 =	sadd.s32 $0x40, s4;
	[tilespmem:v37+s28+$0x0] =	vst.idx.add.f32.msk $0xffff, v63  }
0x95: {  	s31 =	sadd.s32 $0x1, s31  }
0x96: {  	p0 =	sne.s32 s31, $0x10  }
.Ltmp2:
0x97: {  	_ = 	snop;
	(pc) =	sbr.rel @p0 .LBB2_4-.Ltmp2, $1  }
0x98: {  	_ =	sdelay $0x3  }
0x99: {  	_ =	swait.ge [sflag:s29], $0x2000  }
0x9a: {  	[sflag:s29] =	ssyncset.done $0x0  }
0x9b: {  	[sflag:s29] =	ssyncadd.s32 $0xFFFFE000  }
0x9c: {  	_ =	swait.ge [sflag:s30], $0x2000  }
0x9d: {  	[sflag:s30] =	ssyncset.done $0x0  }
0x9e: {  	s31 =	simm.s32 $0x0;
	[sflag:s30] =	ssyncadd.s32 $0xFFFFE000  }
0x9f: {  	[tilespmem:s31], [sflag:$0x1] =	stream.linear.gather [hbm4b:s8+s31], $0x2000, $0x38;
	[tilespmem:$0x8A00] =	vst v63  }
0xa0: {  	_ = 	snop  }
0xa1: {  	[tilespmem:s21], [sflag:$0x3] =	stream.linear.gather [hbm4b:s9+s31], $0x2000, $0x38;
	[tilespmem:$0x8A00] =	vst v63  }
.LBB2_8:
0xa2: {  	s0 =	sshll.u32 s31, $0x9;
	s3 =	sshll.u32 s31, $0x7  }
0xa3: {  	s0 =	sand.u32 $0x1000, s0;
	s3 =	sand.u32 $0x380, s3  }
0xa4: {  	s4 =	simm.s32 $0x0;
	s0 =	sor.u32 s0, s3;
	s3 =	simm.s32 $0x0  }
.LBB2_9:
0xa5: {  	s5 =	sand.u32 $0x40, s4  }
0xa6: {  	s6 =	sand.u32 $0xC00, s3;
	s5 =	sor.u32 s5, s0  }
0xa7: {  	s5 =	sor.u32 s6, s5  }
0xa8: {  	v37 =	vld [tilespmem:s5+$0x2000];
	_ =	sdelay $0x4  }
0xa9: {  	v38 =	vmul.f32 $3.000000000e+01, v37;
	_ =	sdelay $0x1  }
0xaa: {  	v38 =	vtrunc.f32 v38  }
0xab: {  	v38 =	vcvt.f32.s32 v38;
	_ =	sdelay $0x1  }
0xac: {  	v39 =	vshll.u32 v38, $0x4  }
0xad: {  	v40 =	vor.u32 v27, v39  }
0xae: {  	v39 =	vadd.s32 v33, v39;
	_ =	sdelay $0x3  }
0xaf: {  	v40 =	vld.idx.msk [tilespmem:v40+s26+$0x0], $0xffff  }
0xb0: {  	v39 =	vld.idx.msk [tilespmem:v39+s26+$0x0], $0xffff;
	_ =	sdelay $0x3  }
0xb1: {  	vm0 =	vgt.f32 v37, v40  }
0xb2: {  	vm9 =	vgt.f32 v37, v39;
	v40 =	vsel vm0, $0x1, v34  }
0xb3: {  	v37 =	vsel vm9, $0x1, v34;
	v46 =	vadd.s32 v40, v38  }
0xb4: {  	v38 =	vadd.s32 v30, v38;
	v37 =	vadd.s32 v37, v46  }
0xb5: {  	v37 =	vadd.s32 v35, v37  }
0xb6: {  	v47 =	vld [tilespmem:s5+$0x6000];
	v48 =	vadd.s32 $0x20, v37;
	_ =	sdelay $0x2  }
0xb7: {  	[tilespmem:v38+s28+$0x0] =	vst.idx.add.f32.msk $0xffff, v32  }
0xb8: {  	[tilespmem:v37+s28+$0x0] =	vst.idx.add.f32.msk $0xffff, v32  }
0xb9: {  	s6 =	sor.u32 $0x2010, s5;
	[tilespmem:v48+s28+$0x0] =	vst.idx.add.f32.msk $0xffff, v47  }
0xba: {  	v37 =	vld [tilespmem:s6+$0x0];
	_ =	sdelay $0x4  }
0xbb: {  	v49 =	vmul.f32 $3.000000000e+01, v37;
	_ =	sdelay $0x1  }
0xbc: {  	v38 =	vtrunc.f32 v49  }
0xbd: {  	v38 =	vcvt.f32.s32 v38;
	_ =	sdelay $0x1  }
0xbe: {  	v50 =	vshll.u32 v38, $0x4  }
0xbf: {  	v51 =	vor.u32 v27, v50  }
0xc0: {  	v39 =	vadd.s32 v33, v50;
	_ =	sdelay $0x3  }
0xc1: {  	v40 =	vld.idx.msk [tilespmem:v51+s26+$0x0], $0xffff  }
0xc2: {  	v39 =	vld.idx.msk [tilespmem:v39+s26+$0x0], $0xffff;
	_ =	sdelay $0x3  }
0xc3: {  	vm10 =	vgt.f32 v37, v40  }
0xc4: {  	vm11 =	vgt.f32 v37, v39;
	v40 =	vsel vm10, $0x1, v34  }
0xc5: {  	v37 =	vsel vm11, $0x1, v34;
	v52 =	vadd.s32 v40, v38  }
0xc6: {  	v38 =	vadd.s32 v30, v38;
	v37 =	vadd.s32 v37, v52  }
0xc7: {  	s6 =	sor.u32 $0x6010, s5;
	v39 =	vadd.s32 v35, v37  }
0xc8: {  	v53 =	vld [tilespmem:s6+$0x0];
	v37 =	vadd.s32 v36, v37;
	_ =	sdelay $0x2  }
0xc9: {  	[tilespmem:v38+s28+$0x0] =	vst.idx.add.f32.msk $0xffff, v32  }
0xca: {  	[tilespmem:v39+s28+$0x0] =	vst.idx.add.f32.msk $0xffff, v32  }
0xcb: {  	s6 =	sor.u32 $0x2020, s5;
	[tilespmem:v37+s28+$0x0] =	vst.idx.add.f32.msk $0xffff, v53  }
0xcc: {  	v37 =	vld [tilespmem:s6+$0x0];
	_ =	sdelay $0x4  }
0xcd: {  	v54 =	vmul.f32 $3.000000000e+01, v37;
	_ =	sdelay $0x1  }
0xce: {  	v38 =	vtrunc.f32 v54  }
0xcf: {  	v38 =	vcvt.f32.s32 v38;
	_ =	sdelay $0x1  }
0xd0: {  	v55 =	vshll.u32 v38, $0x4  }
0xd1: {  	v56 =	vor.u32 v27, v55  }
0xd2: {  	v39 =	vadd.s32 v33, v55;
	_ =	sdelay $0x3  }
0xd3: {  	v40 =	vld.idx.msk [tilespmem:v56+s26+$0x0], $0xffff  }
0xd4: {  	v39 =	vld.idx.msk [tilespmem:v39+s26+$0x0], $0xffff;
	_ =	sdelay $0x3  }
0xd5: {  	vm12 =	vgt.f32 v37, v40  }
0xd6: {  	vm13 =	vgt.f32 v37, v39;
	v40 =	vsel vm12, $0x1, v34  }
0xd7: {  	v37 =	vsel vm13, $0x1, v34;
	v57 =	vadd.s32 v40, v38  }
0xd8: {  	v38 =	vadd.s32 v30, v38;
	v37 =	vadd.s32 v37, v57  }
0xd9: {  	s6 =	sor.u32 $0x6020, s5;
	v39 =	vadd.s32 v35, v37  }
0xda: {  	v58 =	vld [tilespmem:s6+$0x0];
	v37 =	vadd.s32 v36, v37;
	_ =	sdelay $0x2  }
0xdb: {  	[tilespmem:v38+s28+$0x0] =	vst.idx.add.f32.msk $0xffff, v32  }
0xdc: {  	[tilespmem:v39+s28+$0x0] =	vst.idx.add.f32.msk $0xffff, v32  }
0xdd: {  	s6 =	sor.u32 $0x2030, s5;
	[tilespmem:v37+s28+$0x0] =	vst.idx.add.f32.msk $0xffff, v58  }
0xde: {  	v37 =	vld [tilespmem:s6+$0x0];
	_ =	sdelay $0x4  }
0xdf: {  	v59 =	vmul.f32 $3.000000000e+01, v37;
	_ =	sdelay $0x1  }
0xe0: {  	v38 =	vtrunc.f32 v59  }
0xe1: {  	v38 =	vcvt.f32.s32 v38;
	_ =	sdelay $0x1  }
0xe2: {  	v60 =	vshll.u32 v38, $0x4  }
0xe3: {  	v61 =	vor.u32 v27, v60  }
0xe4: {  	v39 =	vadd.s32 v33, v60;
	_ =	sdelay $0x3  }
0xe5: {  	v40 =	vld.idx.msk [tilespmem:v61+s26+$0x0], $0xffff  }
0xe6: {  	v39 =	vld.idx.msk [tilespmem:v39+s26+$0x0], $0xffff;
	_ =	sdelay $0x3  }
0xe7: {  	vm14 =	vgt.f32 v37, v40  }
0xe8: {  	vm15 =	vgt.f32 v37, v39;
	v40 =	vsel vm14, $0x1, v34  }
0xe9: {  	v37 =	vsel vm15, $0x1, v34;
	v62 =	vadd.s32 v40, v38  }
0xea: {  	v38 =	vadd.s32 v30, v38;
	v37 =	vadd.s32 v37, v62  }
0xeb: {  	s5 =	sor.u32 $0x6030, s5;
	v39 =	vadd.s32 v35, v37  }
0xec: {  	p0 =	sne.s32 s4, $0x1C0;
	v63 =	vld [tilespmem:s5+$0x0];
	v37 =	vadd.s32 v36, v37  }
.Ltmp3:
0xed: {  	_ = 	snop;
	(pc) =	sbr.rel @p0 .LBB2_9-.Ltmp3, $4  }
0xee: {  	_ = 	snop  }
0xef: {  	[tilespmem:v38+s28+$0x0] =	vst.idx.add.f32.msk $0xffff, v32  }
0xf0: {  	[tilespmem:v39+s28+$0x0] =	vst.idx.add.f32.msk $0xffff, v32  }
0xf1: {  	s3 =	sadd.s32 $0x200, s3;
	s4 =	sadd.s32 $0x40, s4;
	[tilespmem:v37+s28+$0x0] =	vst.idx.add.f32.msk $0xffff, v63  }
0xf2: {  	s31 =	sadd.s32 $0x1, s31  }
0xf3: {  	p0 =	sne.s32 s31, $0x10  }
.Ltmp4:
0xf4: {  	_ = 	snop;
	(pc) =	sbr.rel @p0 .LBB2_8-.Ltmp4, $1  }
0xf5: {  	_ =	sdelay $0x3  }
0xf6: {  	_ =	swait.ge [sflag:s22], $0x2000  }
0xf7: {  	[sflag:s22] =	ssyncset.done $0x0  }
0xf8: {  	[sflag:s22] =	ssyncadd.s32 $0xFFFFE000  }
0xf9: {  	_ =	swait.ge [sflag:s23], $0x2000  }
0xfa: {  	[sflag:s23] =	ssyncset.done $0x0  }
0xfb: {  	s31 =	simm.s32 $0x0;
	[sflag:s23] =	ssyncadd.s32 $0xFFFFE000  }
0xfc: {  	[tilespmem:s24], [sflag:$0x2] =	stream.linear.gather [hbm4b:s10+s31], $0x2000, $0x38;
	[tilespmem:$0x8A00] =	vst v63  }
0xfd: {  	_ = 	snop  }
0xfe: {  	[tilespmem:s25], [sflag:$0x4] =	stream.linear.gather [hbm4b:s11+s31], $0x2000, $0x38;
	[tilespmem:$0x8A00] =	vst v63  }
.LBB2_12:
0xff: {  	s0 =	sshll.u32 s31, $0x9;
	s3 =	sshll.u32 s31, $0x7  }
0x100: {  	s0 =	sand.u32 $0x1000, s0;
	s3 =	sand.u32 $0x380, s3  }
0x101: {  	s4 =	simm.s32 $0x0;
	s0 =	sor.u32 s0, s3;
	s3 =	simm.s32 $0x0  }
.LBB2_13:
0x102: {  	s5 =	sand.u32 $0x40, s4  }
0x103: {  	s6 =	sand.u32 $0xC00, s3;
	s5 =	sor.u32 s5, s0  }
0x104: {  	s5 =	sor.u32 s6, s5  }
0x105: {  	v37 =	vld [tilespmem:s5+$0x0];
	_ =	sdelay $0x4  }
0x106: {  	v38 =	vmul.f32 $3.000000000e+01, v37;
	_ =	sdelay $0x1  }
0x107: {  	v38 =	vtrunc.f32 v38  }
0x108: {  	v38 =	vcvt.f32.s32 v38;
	_ =	sdelay $0x1  }
0x109: {  	v39 =	vshll.u32 v38, $0x4  }
0x10a: {  	v40 =	vor.u32 v27, v39  }
0x10b: {  	v39 =	vadd.s32 v33, v39;
	_ =	sdelay $0x3  }
0x10c: {  	v40 =	vld.idx.msk [tilespmem:v40+s26+$0x0], $0xffff  }
0x10d: {  	v39 =	vld.idx.msk [tilespmem:v39+s26+$0x0], $0xffff;
	_ =	sdelay $0x3  }
0x10e: {  	vm0 =	vgt.f32 v37, v40  }
0x10f: {  	vm9 =	vgt.f32 v37, v39;
	v40 =	vsel vm0, $0x1, v34  }
0x110: {  	v37 =	vsel vm9, $0x1, v34;
	v46 =	vadd.s32 v40, v38  }
0x111: {  	v38 =	vadd.s32 v30, v38;
	v37 =	vadd.s32 v37, v46  }
0x112: {  	v37 =	vadd.s32 v35, v37  }
0x113: {  	v47 =	vld [tilespmem:s5+$0x4000];
	v48 =	vadd.s32 $0x20, v37;
	_ =	sdelay $0x2  }
0x114: {  	[tilespmem:v38+s28+$0x0] =	vst.idx.add.f32.msk $0xffff, v32  }
0x115: {  	[tilespmem:v37+s28+$0x0] =	vst.idx.add.f32.msk $0xffff, v32  }
0x116: {  	s6 =	sor.u32 $0x10, s5;
	[tilespmem:v48+s28+$0x0] =	vst.idx.add.f32.msk $0xffff, v47  }
0x117: {  	v37 =	vld [tilespmem:s6+$0x0];
	_ =	sdelay $0x4  }
0x118: {  	v49 =	vmul.f32 $3.000000000e+01, v37;
	_ =	sdelay $0x1  }
0x119: {  	v38 =	vtrunc.f32 v49  }
0x11a: {  	v38 =	vcvt.f32.s32 v38;
	_ =	sdelay $0x1  }
0x11b: {  	v50 =	vshll.u32 v38, $0x4  }
0x11c: {  	v51 =	vor.u32 v27, v50  }
0x11d: {  	v39 =	vadd.s32 v33, v50;
	_ =	sdelay $0x3  }
0x11e: {  	v40 =	vld.idx.msk [tilespmem:v51+s26+$0x0], $0xffff  }
0x11f: {  	v39 =	vld.idx.msk [tilespmem:v39+s26+$0x0], $0xffff;
	_ =	sdelay $0x3  }
0x120: {  	vm10 =	vgt.f32 v37, v40  }
0x121: {  	vm11 =	vgt.f32 v37, v39;
	v40 =	vsel vm10, $0x1, v34  }
0x122: {  	v37 =	vsel vm11, $0x1, v34;
	v52 =	vadd.s32 v40, v38  }
0x123: {  	v38 =	vadd.s32 v30, v38;
	v37 =	vadd.s32 v37, v52  }
0x124: {  	s6 =	sor.u32 $0x4010, s5;
	v39 =	vadd.s32 v35, v37  }
0x125: {  	v53 =	vld [tilespmem:s6+$0x0];
	v37 =	vadd.s32 v36, v37;
	_ =	sdelay $0x2  }
0x126: {  	[tilespmem:v38+s28+$0x0] =	vst.idx.add.f32.msk $0xffff, v32  }
0x127: {  	[tilespmem:v39+s28+$0x0] =	vst.idx.add.f32.msk $0xffff, v32  }
0x128: {  	s6 =	sor.u32 $0x20, s5;
	[tilespmem:v37+s28+$0x0] =	vst.idx.add.f32.msk $0xffff, v53  }
0x129: {  	v37 =	vld [tilespmem:s6+$0x0];
	_ =	sdelay $0x4  }
0x12a: {  	v54 =	vmul.f32 $3.000000000e+01, v37;
	_ =	sdelay $0x1  }
0x12b: {  	v38 =	vtrunc.f32 v54  }
0x12c: {  	v38 =	vcvt.f32.s32 v38;
	_ =	sdelay $0x1  }
0x12d: {  	v55 =	vshll.u32 v38, $0x4  }
0x12e: {  	v56 =	vor.u32 v27, v55  }
0x12f: {  	v39 =	vadd.s32 v33, v55;
	_ =	sdelay $0x3  }
0x130: {  	v40 =	vld.idx.msk [tilespmem:v56+s26+$0x0], $0xffff  }
0x131: {  	v39 =	vld.idx.msk [tilespmem:v39+s26+$0x0], $0xffff;
	_ =	sdelay $0x3  }
0x132: {  	vm12 =	vgt.f32 v37, v40  }
0x133: {  	vm13 =	vgt.f32 v37, v39;
	v40 =	vsel vm12, $0x1, v34  }
0x134: {  	v37 =	vsel vm13, $0x1, v34;
	v57 =	vadd.s32 v40, v38  }
0x135: {  	v38 =	vadd.s32 v30, v38;
	v37 =	vadd.s32 v37, v57  }
0x136: {  	s6 =	sor.u32 $0x4020, s5;
	v39 =	vadd.s32 v35, v37  }
0x137: {  	v58 =	vld [tilespmem:s6+$0x0];
	v37 =	vadd.s32 v36, v37;
	_ =	sdelay $0x2  }
0x138: {  	[tilespmem:v38+s28+$0x0] =	vst.idx.add.f32.msk $0xffff, v32  }
0x139: {  	[tilespmem:v39+s28+$0x0] =	vst.idx.add.f32.msk $0xffff, v32  }
0x13a: {  	s6 =	sor.u32 $0x30, s5;
	[tilespmem:v37+s28+$0x0] =	vst.idx.add.f32.msk $0xffff, v58  }
0x13b: {  	v37 =	vld [tilespmem:s6+$0x0];
	_ =	sdelay $0x4  }
0x13c: {  	v59 =	vmul.f32 $3.000000000e+01, v37;
	_ =	sdelay $0x1  }
0x13d: {  	v38 =	vtrunc.f32 v59  }
0x13e: {  	v38 =	vcvt.f32.s32 v38;
	_ =	sdelay $0x1  }
0x13f: {  	v60 =	vshll.u32 v38, $0x4  }
0x140: {  	v61 =	vor.u32 v27, v60  }
0x141: {  	v39 =	vadd.s32 v33, v60;
	_ =	sdelay $0x3  }
0x142: {  	v40 =	vld.idx.msk [tilespmem:v61+s26+$0x0], $0xffff  }
0x143: {  	v39 =	vld.idx.msk [tilespmem:v39+s26+$0x0], $0xffff;
	_ =	sdelay $0x3  }
0x144: {  	vm14 =	vgt.f32 v37, v40  }
0x145: {  	vm15 =	vgt.f32 v37, v39;
	v40 =	vsel vm14, $0x1, v34  }
0x146: {  	v37 =	vsel vm15, $0x1, v34;
	v62 =	vadd.s32 v40, v38  }
0x147: {  	v38 =	vadd.s32 v30, v38;
	v37 =	vadd.s32 v37, v62  }
0x148: {  	s5 =	sor.u32 $0x4030, s5;
	v39 =	vadd.s32 v35, v37  }
0x149: {  	p0 =	sne.s32 s4, $0x1C0;
	v63 =	vld [tilespmem:s5+$0x0];
	v37 =	vadd.s32 v36, v37  }
.Ltmp5:
0x14a: {  	_ = 	snop;
	(pc) =	sbr.rel @p0 .LBB2_13-.Ltmp5, $4  }
0x14b: {  	_ = 	snop  }
0x14c: {  	[tilespmem:v38+s28+$0x0] =	vst.idx.add.f32.msk $0xffff, v32  }
0x14d: {  	[tilespmem:v39+s28+$0x0] =	vst.idx.add.f32.msk $0xffff, v32  }
0x14e: {  	s3 =	sadd.s32 $0x200, s3;
	s4 =	sadd.s32 $0x40, s4;
	[tilespmem:v37+s28+$0x0] =	vst.idx.add.f32.msk $0xffff, v63  }
0x14f: {  	s31 =	sadd.s32 $0x1, s31  }
0x150: {  	p0 =	sne.s32 s31, $0x10  }
.Ltmp6:
0x151: {  	_ = 	snop;
	(pc) =	sbr.rel @p0 .LBB2_12-.Ltmp6, $1  }
0x152: {  	_ =	sdelay $0x3  }
0x153: {  	_ =	swait.ge [sflag:s29], $0x2000  }
0x154: {  	[sflag:s29] =	ssyncset.done $0x0  }
0x155: {  	[sflag:s29] =	ssyncadd.s32 $0xFFFFE000  }
0x156: {  	_ =	swait.ge [sflag:s30], $0x2000  }
0x157: {  	[sflag:s30] =	ssyncset.done $0x0  }
0x158: {  	s31 =	simm.s32 $0x0;
	[sflag:s30] =	ssyncadd.s32 $0xFFFFE000  }
0x159: {  	[tilespmem:s31], [sflag:$0x1] =	stream.linear.gather [hbm4b:s12+s31], $0x2000, $0x38;
	[tilespmem:$0x8A00] =	vst v63  }
0x15a: {  	_ = 	snop  }
0x15b: {  	[tilespmem:s21], [sflag:$0x3] =	stream.linear.gather [hbm4b:s13+s31], $0x2000, $0x38;
	[tilespmem:$0x8A00] =	vst v63  }
.LBB2_16:
0x15c: {  	s0 =	sshll.u32 s31, $0x9;
	s3 =	sshll.u32 s31, $0x7  }
0x15d: {  	s0 =	sand.u32 $0x1000, s0;
	s3 =	sand.u32 $0x380, s3  }
0x15e: {  	s4 =	simm.s32 $0x0;
	s0 =	sor.u32 s0, s3;
	s3 =	simm.s32 $0x0  }
.LBB2_17:
0x15f: {  	s5 =	sand.u32 $0x40, s4  }
0x160: {  	s6 =	sand.u32 $0xC00, s3;
	s5 =	sor.u32 s5, s0  }
0x161: {  	s5 =	sor.u32 s6, s5  }
0x162: {  	v37 =	vld [tilespmem:s5+$0x2000];
	_ =	sdelay $0x4  }
0x163: {  	v38 =	vmul.f32 $3.000000000e+01, v37;
	_ =	sdelay $0x1  }
0x164: {  	v38 =	vtrunc.f32 v38  }
0x165: {  	v38 =	vcvt.f32.s32 v38;
	_ =	sdelay $0x1  }
0x166: {  	v39 =	vshll.u32 v38, $0x4  }
0x167: {  	v40 =	vor.u32 v27, v39  }
0x168: {  	v39 =	vadd.s32 v33, v39;
	_ =	sdelay $0x3  }
0x169: {  	v40 =	vld.idx.msk [tilespmem:v40+s26+$0x0], $0xffff  }
0x16a: {  	v39 =	vld.idx.msk [tilespmem:v39+s26+$0x0], $0xffff;
	_ =	sdelay $0x3  }
0x16b: {  	vm0 =	vgt.f32 v37, v40  }
0x16c: {  	vm9 =	vgt.f32 v37, v39;
	v40 =	vsel vm0, $0x1, v34  }
0x16d: {  	v37 =	vsel vm9, $0x1, v34;
	v46 =	vadd.s32 v40, v38  }
0x16e: {  	v38 =	vadd.s32 v30, v38;
	v37 =	vadd.s32 v37, v46  }
0x16f: {  	v37 =	vadd.s32 v35, v37  }
0x170: {  	v47 =	vld [tilespmem:s5+$0x6000];
	v48 =	vadd.s32 $0x20, v37;
	_ =	sdelay $0x2  }
0x171: {  	[tilespmem:v38+s28+$0x0] =	vst.idx.add.f32.msk $0xffff, v32  }
0x172: {  	[tilespmem:v37+s28+$0x0] =	vst.idx.add.f32.msk $0xffff, v32  }
0x173: {  	s6 =	sor.u32 $0x2010, s5;
	[tilespmem:v48+s28+$0x0] =	vst.idx.add.f32.msk $0xffff, v47  }
0x174: {  	v37 =	vld [tilespmem:s6+$0x0];
	_ =	sdelay $0x4  }
0x175: {  	v49 =	vmul.f32 $3.000000000e+01, v37;
	_ =	sdelay $0x1  }
0x176: {  	v38 =	vtrunc.f32 v49  }
0x177: {  	v38 =	vcvt.f32.s32 v38;
	_ =	sdelay $0x1  }
0x178: {  	v50 =	vshll.u32 v38, $0x4  }
0x179: {  	v51 =	vor.u32 v27, v50  }
0x17a: {  	v39 =	vadd.s32 v33, v50;
	_ =	sdelay $0x3  }
0x17b: {  	v40 =	vld.idx.msk [tilespmem:v51+s26+$0x0], $0xffff  }
0x17c: {  	v39 =	vld.idx.msk [tilespmem:v39+s26+$0x0], $0xffff;
	_ =	sdelay $0x3  }
0x17d: {  	vm10 =	vgt.f32 v37, v40  }
0x17e: {  	vm11 =	vgt.f32 v37, v39;
	v40 =	vsel vm10, $0x1, v34  }
0x17f: {  	v37 =	vsel vm11, $0x1, v34;
	v52 =	vadd.s32 v40, v38  }
0x180: {  	v38 =	vadd.s32 v30, v38;
	v37 =	vadd.s32 v37, v52  }
0x181: {  	s6 =	sor.u32 $0x6010, s5;
	v39 =	vadd.s32 v35, v37  }
0x182: {  	v53 =	vld [tilespmem:s6+$0x0];
	v37 =	vadd.s32 v36, v37;
	_ =	sdelay $0x2  }
0x183: {  	[tilespmem:v38+s28+$0x0] =	vst.idx.add.f32.msk $0xffff, v32  }
0x184: {  	[tilespmem:v39+s28+$0x0] =	vst.idx.add.f32.msk $0xffff, v32  }
0x185: {  	s6 =	sor.u32 $0x2020, s5;
	[tilespmem:v37+s28+$0x0] =	vst.idx.add.f32.msk $0xffff, v53  }
0x186: {  	v37 =	vld [tilespmem:s6+$0x0];
	_ =	sdelay $0x4  }
0x187: {  	v54 =	vmul.f32 $3.000000000e+01, v37;
	_ =	sdelay $0x1  }
0x188: {  	v38 =	vtrunc.f32 v54  }
0x189: {  	v38 =	vcvt.f32.s32 v38;
	_ =	sdelay $0x1  }
0x18a: {  	v55 =	vshll.u32 v38, $0x4  }
0x18b: {  	v56 =	vor.u32 v27, v55  }
0x18c: {  	v39 =	vadd.s32 v33, v55;
	_ =	sdelay $0x3  }
0x18d: {  	v40 =	vld.idx.msk [tilespmem:v56+s26+$0x0], $0xffff  }
0x18e: {  	v39 =	vld.idx.msk [tilespmem:v39+s26+$0x0], $0xffff;
	_ =	sdelay $0x3  }
0x18f: {  	vm12 =	vgt.f32 v37, v40  }
0x190: {  	vm13 =	vgt.f32 v37, v39;
	v40 =	vsel vm12, $0x1, v34  }
0x191: {  	v37 =	vsel vm13, $0x1, v34;
	v57 =	vadd.s32 v40, v38  }
0x192: {  	v38 =	vadd.s32 v30, v38;
	v37 =	vadd.s32 v37, v57  }
0x193: {  	s6 =	sor.u32 $0x6020, s5;
	v39 =	vadd.s32 v35, v37  }
0x194: {  	v58 =	vld [tilespmem:s6+$0x0];
	v37 =	vadd.s32 v36, v37;
	_ =	sdelay $0x2  }
0x195: {  	[tilespmem:v38+s28+$0x0] =	vst.idx.add.f32.msk $0xffff, v32  }
0x196: {  	[tilespmem:v39+s28+$0x0] =	vst.idx.add.f32.msk $0xffff, v32  }
0x197: {  	s6 =	sor.u32 $0x2030, s5;
	[tilespmem:v37+s28+$0x0] =	vst.idx.add.f32.msk $0xffff, v58  }
0x198: {  	v37 =	vld [tilespmem:s6+$0x0];
	_ =	sdelay $0x4  }
0x199: {  	v59 =	vmul.f32 $3.000000000e+01, v37;
	_ =	sdelay $0x1  }
0x19a: {  	v38 =	vtrunc.f32 v59  }
0x19b: {  	v38 =	vcvt.f32.s32 v38;
	_ =	sdelay $0x1  }
0x19c: {  	v60 =	vshll.u32 v38, $0x4  }
0x19d: {  	v61 =	vor.u32 v27, v60  }
0x19e: {  	v39 =	vadd.s32 v33, v60;
	_ =	sdelay $0x3  }
0x19f: {  	v40 =	vld.idx.msk [tilespmem:v61+s26+$0x0], $0xffff  }
0x1a0: {  	v39 =	vld.idx.msk [tilespmem:v39+s26+$0x0], $0xffff;
	_ =	sdelay $0x3  }
0x1a1: {  	vm14 =	vgt.f32 v37, v40  }
0x1a2: {  	vm15 =	vgt.f32 v37, v39;
	v40 =	vsel vm14, $0x1, v34  }
0x1a3: {  	v37 =	vsel vm15, $0x1, v34;
	v62 =	vadd.s32 v40, v38  }
0x1a4: {  	v38 =	vadd.s32 v30, v38;
	v37 =	vadd.s32 v37, v62  }
0x1a5: {  	s5 =	sor.u32 $0x6030, s5;
	v39 =	vadd.s32 v35, v37  }
0x1a6: {  	p0 =	sne.s32 s4, $0x1C0;
	v63 =	vld [tilespmem:s5+$0x0];
	v37 =	vadd.s32 v36, v37  }
.Ltmp7:
0x1a7: {  	_ = 	snop;
	(pc) =	sbr.rel @p0 .LBB2_17-.Ltmp7, $4  }
0x1a8: {  	_ = 	snop  }
0x1a9: {  	[tilespmem:v38+s28+$0x0] =	vst.idx.add.f32.msk $0xffff, v32  }
0x1aa: {  	[tilespmem:v39+s28+$0x0] =	vst.idx.add.f32.msk $0xffff, v32  }
0x1ab: {  	s3 =	sadd.s32 $0x200, s3;
	s4 =	sadd.s32 $0x40, s4;
	[tilespmem:v37+s28+$0x0] =	vst.idx.add.f32.msk $0xffff, v63  }
0x1ac: {  	s31 =	sadd.s32 $0x1, s31  }
0x1ad: {  	p0 =	sne.s32 s31, $0x10  }
.Ltmp8:
0x1ae: {  	_ = 	snop;
	(pc) =	sbr.rel @p0 .LBB2_16-.Ltmp8, $1  }
0x1af: {  	_ =	sdelay $0x3  }
0x1b0: {  	_ =	swait.ge [sflag:s22], $0x2000  }
0x1b1: {  	[sflag:s22] =	ssyncset.done $0x0  }
0x1b2: {  	[sflag:s22] =	ssyncadd.s32 $0xFFFFE000  }
0x1b3: {  	_ =	swait.ge [sflag:s23], $0x2000  }
0x1b4: {  	[sflag:s23] =	ssyncset.done $0x0  }
0x1b5: {  	s31 =	simm.s32 $0x0;
	[sflag:s23] =	ssyncadd.s32 $0xFFFFE000  }
0x1b6: {  	[tilespmem:s24], [sflag:$0x2] =	stream.linear.gather [hbm4b:s14+s31], $0x2000, $0x38;
	[tilespmem:$0x8A00] =	vst v63  }
0x1b7: {  	_ = 	snop  }
0x1b8: {  	[tilespmem:s25], [sflag:$0x4] =	stream.linear.gather [hbm4b:s15+s31], $0x2000, $0x38;
	[tilespmem:$0x8A00] =	vst v63  }
.LBB2_20:
0x1b9: {  	s0 =	sshll.u32 s31, $0x9;
	s3 =	sshll.u32 s31, $0x7  }
0x1ba: {  	s0 =	sand.u32 $0x1000, s0;
	s3 =	sand.u32 $0x380, s3  }
0x1bb: {  	s4 =	simm.s32 $0x0;
	s0 =	sor.u32 s0, s3;
	s3 =	simm.s32 $0x0  }
.LBB2_21:
0x1bc: {  	s5 =	sand.u32 $0x40, s4  }
0x1bd: {  	s6 =	sand.u32 $0xC00, s3;
	s5 =	sor.u32 s5, s0  }
0x1be: {  	s5 =	sor.u32 s6, s5  }
0x1bf: {  	v37 =	vld [tilespmem:s5+$0x0];
	_ =	sdelay $0x4  }
0x1c0: {  	v38 =	vmul.f32 $3.000000000e+01, v37;
	_ =	sdelay $0x1  }
0x1c1: {  	v38 =	vtrunc.f32 v38  }
0x1c2: {  	v38 =	vcvt.f32.s32 v38;
	_ =	sdelay $0x1  }
0x1c3: {  	v39 =	vshll.u32 v38, $0x4  }
0x1c4: {  	v40 =	vor.u32 v27, v39  }
0x1c5: {  	v39 =	vadd.s32 v33, v39;
	_ =	sdelay $0x3  }
0x1c6: {  	v40 =	vld.idx.msk [tilespmem:v40+s26+$0x0], $0xffff  }
0x1c7: {  	v39 =	vld.idx.msk [tilespmem:v39+s26+$0x0], $0xffff;
	_ =	sdelay $0x3  }
0x1c8: {  	vm0 =	vgt.f32 v37, v40  }
0x1c9: {  	vm9 =	vgt.f32 v37, v39;
	v40 =	vsel vm0, $0x1, v34  }
0x1ca: {  	v37 =	vsel vm9, $0x1, v34;
	v46 =	vadd.s32 v40, v38  }
0x1cb: {  	v38 =	vadd.s32 v30, v38;
	v37 =	vadd.s32 v37, v46  }
0x1cc: {  	v37 =	vadd.s32 v35, v37  }
0x1cd: {  	v47 =	vld [tilespmem:s5+$0x4000];
	v48 =	vadd.s32 $0x20, v37;
	_ =	sdelay $0x2  }
0x1ce: {  	[tilespmem:v38+s28+$0x0] =	vst.idx.add.f32.msk $0xffff, v32  }
0x1cf: {  	[tilespmem:v37+s28+$0x0] =	vst.idx.add.f32.msk $0xffff, v32  }
0x1d0: {  	s6 =	sor.u32 $0x10, s5;
	[tilespmem:v48+s28+$0x0] =	vst.idx.add.f32.msk $0xffff, v47  }
0x1d1: {  	v37 =	vld [tilespmem:s6+$0x0];
	_ =	sdelay $0x4  }
0x1d2: {  	v49 =	vmul.f32 $3.000000000e+01, v37;
	_ =	sdelay $0x1  }
0x1d3: {  	v38 =	vtrunc.f32 v49  }
0x1d4: {  	v38 =	vcvt.f32.s32 v38;
	_ =	sdelay $0x1  }
0x1d5: {  	v50 =	vshll.u32 v38, $0x4  }
0x1d6: {  	v51 =	vor.u32 v27, v50  }
0x1d7: {  	v39 =	vadd.s32 v33, v50;
	_ =	sdelay $0x3  }
0x1d8: {  	v40 =	vld.idx.msk [tilespmem:v51+s26+$0x0], $0xffff  }
0x1d9: {  	v39 =	vld.idx.msk [tilespmem:v39+s26+$0x0], $0xffff;
	_ =	sdelay $0x3  }
0x1da: {  	vm10 =	vgt.f32 v37, v40  }
0x1db: {  	vm11 =	vgt.f32 v37, v39;
	v40 =	vsel vm10, $0x1, v34  }
0x1dc: {  	v37 =	vsel vm11, $0x1, v34;
	v52 =	vadd.s32 v40, v38  }
0x1dd: {  	v38 =	vadd.s32 v30, v38;
	v37 =	vadd.s32 v37, v52  }
0x1de: {  	s6 =	sor.u32 $0x4010, s5;
	v39 =	vadd.s32 v35, v37  }
0x1df: {  	v53 =	vld [tilespmem:s6+$0x0];
	v37 =	vadd.s32 v36, v37;
	_ =	sdelay $0x2  }
0x1e0: {  	[tilespmem:v38+s28+$0x0] =	vst.idx.add.f32.msk $0xffff, v32  }
0x1e1: {  	[tilespmem:v39+s28+$0x0] =	vst.idx.add.f32.msk $0xffff, v32  }
0x1e2: {  	s6 =	sor.u32 $0x20, s5;
	[tilespmem:v37+s28+$0x0] =	vst.idx.add.f32.msk $0xffff, v53  }
0x1e3: {  	v37 =	vld [tilespmem:s6+$0x0];
	_ =	sdelay $0x4  }
0x1e4: {  	v54 =	vmul.f32 $3.000000000e+01, v37;
	_ =	sdelay $0x1  }
0x1e5: {  	v38 =	vtrunc.f32 v54  }
0x1e6: {  	v38 =	vcvt.f32.s32 v38;
	_ =	sdelay $0x1  }
0x1e7: {  	v55 =	vshll.u32 v38, $0x4  }
0x1e8: {  	v56 =	vor.u32 v27, v55  }
0x1e9: {  	v39 =	vadd.s32 v33, v55;
	_ =	sdelay $0x3  }
0x1ea: {  	v40 =	vld.idx.msk [tilespmem:v56+s26+$0x0], $0xffff  }
0x1eb: {  	v39 =	vld.idx.msk [tilespmem:v39+s26+$0x0], $0xffff;
	_ =	sdelay $0x3  }
0x1ec: {  	vm12 =	vgt.f32 v37, v40  }
0x1ed: {  	vm13 =	vgt.f32 v37, v39;
	v40 =	vsel vm12, $0x1, v34  }
0x1ee: {  	v37 =	vsel vm13, $0x1, v34;
	v57 =	vadd.s32 v40, v38  }
0x1ef: {  	v38 =	vadd.s32 v30, v38;
	v37 =	vadd.s32 v37, v57  }
0x1f0: {  	s6 =	sor.u32 $0x4020, s5;
	v39 =	vadd.s32 v35, v37  }
0x1f1: {  	v58 =	vld [tilespmem:s6+$0x0];
	v37 =	vadd.s32 v36, v37;
	_ =	sdelay $0x2  }
0x1f2: {  	[tilespmem:v38+s28+$0x0] =	vst.idx.add.f32.msk $0xffff, v32  }
0x1f3: {  	[tilespmem:v39+s28+$0x0] =	vst.idx.add.f32.msk $0xffff, v32  }
0x1f4: {  	s6 =	sor.u32 $0x30, s5;
	[tilespmem:v37+s28+$0x0] =	vst.idx.add.f32.msk $0xffff, v58  }
0x1f5: {  	v37 =	vld [tilespmem:s6+$0x0];
	_ =	sdelay $0x4  }
0x1f6: {  	v59 =	vmul.f32 $3.000000000e+01, v37;
	_ =	sdelay $0x1  }
0x1f7: {  	v38 =	vtrunc.f32 v59  }
0x1f8: {  	v38 =	vcvt.f32.s32 v38;
	_ =	sdelay $0x1  }
0x1f9: {  	v60 =	vshll.u32 v38, $0x4  }
0x1fa: {  	v61 =	vor.u32 v27, v60  }
0x1fb: {  	v39 =	vadd.s32 v33, v60;
	_ =	sdelay $0x3  }
0x1fc: {  	v40 =	vld.idx.msk [tilespmem:v61+s26+$0x0], $0xffff  }
0x1fd: {  	v39 =	vld.idx.msk [tilespmem:v39+s26+$0x0], $0xffff;
	_ =	sdelay $0x3  }
0x1fe: {  	vm14 =	vgt.f32 v37, v40  }
0x1ff: {  	vm15 =	vgt.f32 v37, v39;
	v40 =	vsel vm14, $0x1, v34  }
0x200: {  	v37 =	vsel vm15, $0x1, v34;
	v62 =	vadd.s32 v40, v38  }
0x201: {  	v38 =	vadd.s32 v30, v38;
	v37 =	vadd.s32 v37, v62  }
0x202: {  	s5 =	sor.u32 $0x4030, s5;
	v39 =	vadd.s32 v35, v37  }
0x203: {  	p0 =	sne.s32 s4, $0x1C0;
	v63 =	vld [tilespmem:s5+$0x0];
	v37 =	vadd.s32 v36, v37  }
.Ltmp9:
0x204: {  	_ = 	snop;
	(pc) =	sbr.rel @p0 .LBB2_21-.Ltmp9, $4  }
0x205: {  	_ = 	snop  }
0x206: {  	[tilespmem:v38+s28+$0x0] =	vst.idx.add.f32.msk $0xffff, v32  }
0x207: {  	[tilespmem:v39+s28+$0x0] =	vst.idx.add.f32.msk $0xffff, v32  }
0x208: {  	s3 =	sadd.s32 $0x200, s3;
	s4 =	sadd.s32 $0x40, s4;
	[tilespmem:v37+s28+$0x0] =	vst.idx.add.f32.msk $0xffff, v63  }
0x209: {  	s31 =	sadd.s32 $0x1, s31  }
0x20a: {  	p0 =	sne.s32 s31, $0x10  }
.Ltmp10:
0x20b: {  	_ = 	snop;
	(pc) =	sbr.rel @p0 .LBB2_20-.Ltmp10, $1  }
0x20c: {  	_ =	sdelay $0x3  }
0x20d: {  	_ =	swait.ge [sflag:s29], $0x2000  }
0x20e: {  	[sflag:s29] =	ssyncset.done $0x0  }
0x20f: {  	[sflag:s29] =	ssyncadd.s32 $0xFFFFE000  }
0x210: {  	_ =	swait.ge [sflag:s30], $0x2000  }
0x211: {  	[sflag:s30] =	ssyncset.done $0x0  }
0x212: {  	s31 =	simm.s32 $0x0;
	[sflag:s30] =	ssyncadd.s32 $0xFFFFE000  }
0x213: {  	[tilespmem:s31], [sflag:$0x1] =	stream.linear.gather [hbm4b:s16+s31], $0x2000, $0x38;
	[tilespmem:$0x8A00] =	vst v63  }
0x214: {  	_ = 	snop  }
0x215: {  	[tilespmem:s21], [sflag:$0x3] =	stream.linear.gather [hbm4b:s17+s31], $0x2000, $0x38;
	[tilespmem:$0x8A00] =	vst v63  }
.LBB2_24:
0x216: {  	s0 =	sshll.u32 s31, $0x9;
	s3 =	sshll.u32 s31, $0x7  }
0x217: {  	s0 =	sand.u32 $0x1000, s0;
	s3 =	sand.u32 $0x380, s3  }
0x218: {  	s4 =	simm.s32 $0x0;
	s0 =	sor.u32 s0, s3;
	s3 =	simm.s32 $0x0  }
.LBB2_25:
0x219: {  	s5 =	sand.u32 $0x40, s4  }
0x21a: {  	s6 =	sand.u32 $0xC00, s3;
	s5 =	sor.u32 s5, s0  }
0x21b: {  	s5 =	sor.u32 s6, s5  }
0x21c: {  	v37 =	vld [tilespmem:s5+$0x2000];
	_ =	sdelay $0x4  }
0x21d: {  	v38 =	vmul.f32 $3.000000000e+01, v37;
	_ =	sdelay $0x1  }
0x21e: {  	v38 =	vtrunc.f32 v38  }
0x21f: {  	v38 =	vcvt.f32.s32 v38;
	_ =	sdelay $0x1  }
0x220: {  	v39 =	vshll.u32 v38, $0x4  }
0x221: {  	v40 =	vor.u32 v27, v39  }
0x222: {  	v39 =	vadd.s32 v33, v39;
	_ =	sdelay $0x3  }
0x223: {  	v40 =	vld.idx.msk [tilespmem:v40+s26+$0x0], $0xffff  }
0x224: {  	v39 =	vld.idx.msk [tilespmem:v39+s26+$0x0], $0xffff;
	_ =	sdelay $0x3  }
0x225: {  	vm0 =	vgt.f32 v37, v40  }
0x226: {  	vm9 =	vgt.f32 v37, v39;
	v40 =	vsel vm0, $0x1, v34  }
0x227: {  	v37 =	vsel vm9, $0x1, v34;
	v46 =	vadd.s32 v40, v38  }
0x228: {  	v38 =	vadd.s32 v30, v38;
	v37 =	vadd.s32 v37, v46  }
0x229: {  	v37 =	vadd.s32 v35, v37  }
0x22a: {  	v47 =	vld [tilespmem:s5+$0x6000];
	v48 =	vadd.s32 $0x20, v37;
	_ =	sdelay $0x2  }
0x22b: {  	[tilespmem:v38+s28+$0x0] =	vst.idx.add.f32.msk $0xffff, v32  }
0x22c: {  	[tilespmem:v37+s28+$0x0] =	vst.idx.add.f32.msk $0xffff, v32  }
0x22d: {  	s6 =	sor.u32 $0x2010, s5;
	[tilespmem:v48+s28+$0x0] =	vst.idx.add.f32.msk $0xffff, v47  }
0x22e: {  	v37 =	vld [tilespmem:s6+$0x0];
	_ =	sdelay $0x4  }
0x22f: {  	v49 =	vmul.f32 $3.000000000e+01, v37;
	_ =	sdelay $0x1  }
0x230: {  	v38 =	vtrunc.f32 v49  }
0x231: {  	v38 =	vcvt.f32.s32 v38;
	_ =	sdelay $0x1  }
0x232: {  	v50 =	vshll.u32 v38, $0x4  }
0x233: {  	v51 =	vor.u32 v27, v50  }
0x234: {  	v39 =	vadd.s32 v33, v50;
	_ =	sdelay $0x3  }
0x235: {  	v40 =	vld.idx.msk [tilespmem:v51+s26+$0x0], $0xffff  }
0x236: {  	v39 =	vld.idx.msk [tilespmem:v39+s26+$0x0], $0xffff;
	_ =	sdelay $0x3  }
0x237: {  	vm10 =	vgt.f32 v37, v40  }
0x238: {  	vm11 =	vgt.f32 v37, v39;
	v40 =	vsel vm10, $0x1, v34  }
0x239: {  	v37 =	vsel vm11, $0x1, v34;
	v52 =	vadd.s32 v40, v38  }
0x23a: {  	v38 =	vadd.s32 v30, v38;
	v37 =	vadd.s32 v37, v52  }
0x23b: {  	s6 =	sor.u32 $0x6010, s5;
	v39 =	vadd.s32 v35, v37  }
0x23c: {  	v53 =	vld [tilespmem:s6+$0x0];
	v37 =	vadd.s32 v36, v37;
	_ =	sdelay $0x2  }
0x23d: {  	[tilespmem:v38+s28+$0x0] =	vst.idx.add.f32.msk $0xffff, v32  }
0x23e: {  	[tilespmem:v39+s28+$0x0] =	vst.idx.add.f32.msk $0xffff, v32  }
0x23f: {  	s6 =	sor.u32 $0x2020, s5;
	[tilespmem:v37+s28+$0x0] =	vst.idx.add.f32.msk $0xffff, v53  }
0x240: {  	v37 =	vld [tilespmem:s6+$0x0];
	_ =	sdelay $0x4  }
0x241: {  	v54 =	vmul.f32 $3.000000000e+01, v37;
	_ =	sdelay $0x1  }
0x242: {  	v38 =	vtrunc.f32 v54  }
0x243: {  	v38 =	vcvt.f32.s32 v38;
	_ =	sdelay $0x1  }
0x244: {  	v55 =	vshll.u32 v38, $0x4  }
0x245: {  	v56 =	vor.u32 v27, v55  }
0x246: {  	v39 =	vadd.s32 v33, v55;
	_ =	sdelay $0x3  }
0x247: {  	v40 =	vld.idx.msk [tilespmem:v56+s26+$0x0], $0xffff  }
0x248: {  	v39 =	vld.idx.msk [tilespmem:v39+s26+$0x0], $0xffff;
	_ =	sdelay $0x3  }
0x249: {  	vm12 =	vgt.f32 v37, v40  }
0x24a: {  	vm13 =	vgt.f32 v37, v39;
	v40 =	vsel vm12, $0x1, v34  }
0x24b: {  	v37 =	vsel vm13, $0x1, v34;
	v57 =	vadd.s32 v40, v38  }
0x24c: {  	v38 =	vadd.s32 v30, v38;
	v37 =	vadd.s32 v37, v57  }
0x24d: {  	s6 =	sor.u32 $0x6020, s5;
	v39 =	vadd.s32 v35, v37  }
0x24e: {  	v58 =	vld [tilespmem:s6+$0x0];
	v37 =	vadd.s32 v36, v37;
	_ =	sdelay $0x2  }
0x24f: {  	[tilespmem:v38+s28+$0x0] =	vst.idx.add.f32.msk $0xffff, v32  }
0x250: {  	[tilespmem:v39+s28+$0x0] =	vst.idx.add.f32.msk $0xffff, v32  }
0x251: {  	s6 =	sor.u32 $0x2030, s5;
	[tilespmem:v37+s28+$0x0] =	vst.idx.add.f32.msk $0xffff, v58  }
0x252: {  	v37 =	vld [tilespmem:s6+$0x0];
	_ =	sdelay $0x4  }
0x253: {  	v59 =	vmul.f32 $3.000000000e+01, v37;
	_ =	sdelay $0x1  }
0x254: {  	v38 =	vtrunc.f32 v59  }
0x255: {  	v38 =	vcvt.f32.s32 v38;
	_ =	sdelay $0x1  }
0x256: {  	v60 =	vshll.u32 v38, $0x4  }
0x257: {  	v61 =	vor.u32 v27, v60  }
0x258: {  	v39 =	vadd.s32 v33, v60;
	_ =	sdelay $0x3  }
0x259: {  	v40 =	vld.idx.msk [tilespmem:v61+s26+$0x0], $0xffff  }
0x25a: {  	v39 =	vld.idx.msk [tilespmem:v39+s26+$0x0], $0xffff;
	_ =	sdelay $0x3  }
0x25b: {  	vm14 =	vgt.f32 v37, v40  }
0x25c: {  	vm15 =	vgt.f32 v37, v39;
	v40 =	vsel vm14, $0x1, v34  }
0x25d: {  	v37 =	vsel vm15, $0x1, v34;
	v62 =	vadd.s32 v40, v38  }
0x25e: {  	v38 =	vadd.s32 v30, v38;
	v37 =	vadd.s32 v37, v62  }
0x25f: {  	s5 =	sor.u32 $0x6030, s5;
	v39 =	vadd.s32 v35, v37  }
0x260: {  	p0 =	sne.s32 s4, $0x1C0;
	v63 =	vld [tilespmem:s5+$0x0];
	v37 =	vadd.s32 v36, v37  }
.Ltmp11:
0x261: {  	_ = 	snop;
	(pc) =	sbr.rel @p0 .LBB2_25-.Ltmp11, $4  }
0x262: {  	_ = 	snop  }
0x263: {  	[tilespmem:v38+s28+$0x0] =	vst.idx.add.f32.msk $0xffff, v32  }
0x264: {  	[tilespmem:v39+s28+$0x0] =	vst.idx.add.f32.msk $0xffff, v32  }
0x265: {  	s3 =	sadd.s32 $0x200, s3;
	s4 =	sadd.s32 $0x40, s4;
	[tilespmem:v37+s28+$0x0] =	vst.idx.add.f32.msk $0xffff, v63  }
0x266: {  	s31 =	sadd.s32 $0x1, s31  }
0x267: {  	p0 =	sne.s32 s31, $0x10  }
.Ltmp12:
0x268: {  	_ = 	snop;
	(pc) =	sbr.rel @p0 .LBB2_24-.Ltmp12, $1  }
0x269: {  	_ =	sdelay $0x3  }
0x26a: {  	_ =	swait.ge [sflag:s22], $0x2000  }
0x26b: {  	[sflag:s22] =	ssyncset.done $0x0  }
0x26c: {  	[sflag:s22] =	ssyncadd.s32 $0xFFFFE000  }
0x26d: {  	_ =	swait.ge [sflag:s23], $0x2000  }
0x26e: {  	[sflag:s23] =	ssyncset.done $0x0  }
0x26f: {  	s31 =	simm.s32 $0x0;
	[sflag:s23] =	ssyncadd.s32 $0xFFFFE000  }
0x270: {  	[tilespmem:s24], [sflag:$0x2] =	stream.linear.gather [hbm4b:s18+s31], $0x2000, $0x38;
	[tilespmem:$0x8A00] =	vst v63  }
0x271: {  	_ = 	snop  }
0x272: {  	[tilespmem:s25], [sflag:$0x4] =	stream.linear.gather [hbm4b:s19+s31], $0x2000, $0x38;
	[tilespmem:$0x8A00] =	vst v63  }
.LBB2_28:
0x273: {  	s0 =	sshll.u32 s31, $0x9;
	s3 =	sshll.u32 s31, $0x7  }
0x274: {  	s0 =	sand.u32 $0x1000, s0;
	s3 =	sand.u32 $0x380, s3  }
0x275: {  	s4 =	simm.s32 $0x0;
	s0 =	sor.u32 s0, s3;
	s3 =	simm.s32 $0x0  }
.LBB2_29:
0x276: {  	s5 =	sand.u32 $0x40, s4  }
0x277: {  	s6 =	sand.u32 $0xC00, s3;
	s5 =	sor.u32 s5, s0  }
0x278: {  	s5 =	sor.u32 s6, s5  }
0x279: {  	v37 =	vld [tilespmem:s5+$0x0];
	_ =	sdelay $0x4  }
0x27a: {  	v38 =	vmul.f32 $3.000000000e+01, v37;
	_ =	sdelay $0x1  }
0x27b: {  	v38 =	vtrunc.f32 v38  }
0x27c: {  	v38 =	vcvt.f32.s32 v38;
	_ =	sdelay $0x1  }
0x27d: {  	v39 =	vshll.u32 v38, $0x4  }
0x27e: {  	v40 =	vor.u32 v27, v39  }
0x27f: {  	v39 =	vadd.s32 v33, v39;
	_ =	sdelay $0x3  }
0x280: {  	v40 =	vld.idx.msk [tilespmem:v40+s26+$0x0], $0xffff  }
0x281: {  	v39 =	vld.idx.msk [tilespmem:v39+s26+$0x0], $0xffff;
	_ =	sdelay $0x3  }
0x282: {  	vm0 =	vgt.f32 v37, v40  }
0x283: {  	vm9 =	vgt.f32 v37, v39;
	v40 =	vsel vm0, $0x1, v34  }
0x284: {  	v37 =	vsel vm9, $0x1, v34;
	v46 =	vadd.s32 v40, v38  }
0x285: {  	v38 =	vadd.s32 v30, v38;
	v37 =	vadd.s32 v37, v46  }
0x286: {  	v37 =	vadd.s32 v35, v37  }
0x287: {  	v47 =	vld [tilespmem:s5+$0x4000];
	v48 =	vadd.s32 $0x20, v37;
	_ =	sdelay $0x2  }
0x288: {  	[tilespmem:v38+s28+$0x0] =	vst.idx.add.f32.msk $0xffff, v32  }
0x289: {  	[tilespmem:v37+s28+$0x0] =	vst.idx.add.f32.msk $0xffff, v32  }
0x28a: {  	s6 =	sor.u32 $0x10, s5;
	[tilespmem:v48+s28+$0x0] =	vst.idx.add.f32.msk $0xffff, v47  }
0x28b: {  	v37 =	vld [tilespmem:s6+$0x0];
	_ =	sdelay $0x4  }
0x28c: {  	v49 =	vmul.f32 $3.000000000e+01, v37;
	_ =	sdelay $0x1  }
0x28d: {  	v38 =	vtrunc.f32 v49  }
0x28e: {  	v38 =	vcvt.f32.s32 v38;
	_ =	sdelay $0x1  }
0x28f: {  	v50 =	vshll.u32 v38, $0x4  }
0x290: {  	v51 =	vor.u32 v27, v50  }
0x291: {  	v39 =	vadd.s32 v33, v50;
	_ =	sdelay $0x3  }
0x292: {  	v40 =	vld.idx.msk [tilespmem:v51+s26+$0x0], $0xffff  }
0x293: {  	v39 =	vld.idx.msk [tilespmem:v39+s26+$0x0], $0xffff;
	_ =	sdelay $0x3  }
0x294: {  	vm10 =	vgt.f32 v37, v40  }
0x295: {  	vm11 =	vgt.f32 v37, v39;
	v40 =	vsel vm10, $0x1, v34  }
0x296: {  	v37 =	vsel vm11, $0x1, v34;
	v52 =	vadd.s32 v40, v38  }
0x297: {  	v38 =	vadd.s32 v30, v38;
	v37 =	vadd.s32 v37, v52  }
0x298: {  	s6 =	sor.u32 $0x4010, s5;
	v39 =	vadd.s32 v35, v37  }
0x299: {  	v53 =	vld [tilespmem:s6+$0x0];
	v37 =	vadd.s32 v36, v37;
	_ =	sdelay $0x2  }
0x29a: {  	[tilespmem:v38+s28+$0x0] =	vst.idx.add.f32.msk $0xffff, v32  }
0x29b: {  	[tilespmem:v39+s28+$0x0] =	vst.idx.add.f32.msk $0xffff, v32  }
0x29c: {  	s6 =	sor.u32 $0x20, s5;
	[tilespmem:v37+s28+$0x0] =	vst.idx.add.f32.msk $0xffff, v53  }
0x29d: {  	v37 =	vld [tilespmem:s6+$0x0];
	_ =	sdelay $0x4  }
0x29e: {  	v54 =	vmul.f32 $3.000000000e+01, v37;
	_ =	sdelay $0x1  }
0x29f: {  	v38 =	vtrunc.f32 v54  }
0x2a0: {  	v38 =	vcvt.f32.s32 v38;
	_ =	sdelay $0x1  }
0x2a1: {  	v55 =	vshll.u32 v38, $0x4  }
0x2a2: {  	v56 =	vor.u32 v27, v55  }
0x2a3: {  	v39 =	vadd.s32 v33, v55;
	_ =	sdelay $0x3  }
0x2a4: {  	v40 =	vld.idx.msk [tilespmem:v56+s26+$0x0], $0xffff  }
0x2a5: {  	v39 =	vld.idx.msk [tilespmem:v39+s26+$0x0], $0xffff;
	_ =	sdelay $0x3  }
0x2a6: {  	vm12 =	vgt.f32 v37, v40  }
0x2a7: {  	vm13 =	vgt.f32 v37, v39;
	v40 =	vsel vm12, $0x1, v34  }
0x2a8: {  	v37 =	vsel vm13, $0x1, v34;
	v57 =	vadd.s32 v40, v38  }
0x2a9: {  	v38 =	vadd.s32 v30, v38;
	v37 =	vadd.s32 v37, v57  }
0x2aa: {  	s6 =	sor.u32 $0x4020, s5;
	v39 =	vadd.s32 v35, v37  }
0x2ab: {  	v58 =	vld [tilespmem:s6+$0x0];
	v37 =	vadd.s32 v36, v37;
	_ =	sdelay $0x2  }
0x2ac: {  	[tilespmem:v38+s28+$0x0] =	vst.idx.add.f32.msk $0xffff, v32  }
0x2ad: {  	[tilespmem:v39+s28+$0x0] =	vst.idx.add.f32.msk $0xffff, v32  }
0x2ae: {  	s6 =	sor.u32 $0x30, s5;
	[tilespmem:v37+s28+$0x0] =	vst.idx.add.f32.msk $0xffff, v58  }
0x2af: {  	v37 =	vld [tilespmem:s6+$0x0];
	_ =	sdelay $0x4  }
0x2b0: {  	v59 =	vmul.f32 $3.000000000e+01, v37;
	_ =	sdelay $0x1  }
0x2b1: {  	v38 =	vtrunc.f32 v59  }
0x2b2: {  	v38 =	vcvt.f32.s32 v38;
	_ =	sdelay $0x1  }
0x2b3: {  	v60 =	vshll.u32 v38, $0x4  }
0x2b4: {  	v61 =	vor.u32 v27, v60  }
0x2b5: {  	v39 =	vadd.s32 v33, v60;
	_ =	sdelay $0x3  }
0x2b6: {  	v40 =	vld.idx.msk [tilespmem:v61+s26+$0x0], $0xffff  }
0x2b7: {  	v39 =	vld.idx.msk [tilespmem:v39+s26+$0x0], $0xffff;
	_ =	sdelay $0x3  }
0x2b8: {  	vm14 =	vgt.f32 v37, v40  }
0x2b9: {  	vm15 =	vgt.f32 v37, v39;
	v40 =	vsel vm14, $0x1, v34  }
0x2ba: {  	v37 =	vsel vm15, $0x1, v34;
	v62 =	vadd.s32 v40, v38  }
0x2bb: {  	v38 =	vadd.s32 v30, v38;
	v37 =	vadd.s32 v37, v62  }
0x2bc: {  	s5 =	sor.u32 $0x4030, s5;
	v39 =	vadd.s32 v35, v37  }
0x2bd: {  	p0 =	sne.s32 s4, $0x1C0;
	v63 =	vld [tilespmem:s5+$0x0];
	v37 =	vadd.s32 v36, v37  }
.Ltmp13:
0x2be: {  	_ = 	snop;
	(pc) =	sbr.rel @p0 .LBB2_29-.Ltmp13, $4  }
0x2bf: {  	_ = 	snop  }
0x2c0: {  	[tilespmem:v38+s28+$0x0] =	vst.idx.add.f32.msk $0xffff, v32  }
0x2c1: {  	[tilespmem:v39+s28+$0x0] =	vst.idx.add.f32.msk $0xffff, v32  }
0x2c2: {  	s3 =	sadd.s32 $0x200, s3;
	s4 =	sadd.s32 $0x40, s4;
	[tilespmem:v37+s28+$0x0] =	vst.idx.add.f32.msk $0xffff, v63  }
0x2c3: {  	s31 =	sadd.s32 $0x1, s31  }
0x2c4: {  	p0 =	sne.s32 s31, $0x10  }
.Ltmp14:
0x2c5: {  	_ = 	snop;
	(pc) =	sbr.rel @p0 .LBB2_28-.Ltmp14, $1  }
0x2c6: {  	_ =	sdelay $0x3  }
0x2c7: {  	_ =	swait.ge [sflag:s29], $0x2000  }
0x2c8: {  	[sflag:s29] =	ssyncset.done $0x0  }
0x2c9: {  	[sflag:s29] =	ssyncadd.s32 $0xFFFFE000  }
0x2ca: {  	_ =	swait.ge [sflag:s30], $0x2000  }
0x2cb: {  	[sflag:s30] =	ssyncset.done $0x0  }
0x2cc: {  	s31 =	simm.s32 $0x0;
	[sflag:s30] =	ssyncadd.s32 $0xFFFFE000  }
.LBB2_32:
0x2cd: {  	s0 =	sshll.u32 s31, $0x9;
	s3 =	sshll.u32 s31, $0x7  }
0x2ce: {  	s0 =	sand.u32 $0x1000, s0;
	s3 =	sand.u32 $0x380, s3  }
0x2cf: {  	s4 =	simm.s32 $0x0;
	s0 =	sor.u32 s0, s3;
	s3 =	simm.s32 $0x0  }
.LBB2_33:
0x2d0: {  	s5 =	sand.u32 $0x40, s4  }
0x2d1: {  	s6 =	sand.u32 $0xC00, s3;
	s5 =	sor.u32 s5, s0  }
0x2d2: {  	s5 =	sor.u32 s6, s5  }
0x2d3: {  	v37 =	vld [tilespmem:s5+$0x2000];
	_ =	sdelay $0x4  }
0x2d4: {  	v38 =	vmul.f32 $3.000000000e+01, v37;
	_ =	sdelay $0x1  }
0x2d5: {  	v38 =	vtrunc.f32 v38  }
0x2d6: {  	v38 =	vcvt.f32.s32 v38;
	_ =	sdelay $0x1  }
0x2d7: {  	v39 =	vshll.u32 v38, $0x4  }
0x2d8: {  	v40 =	vor.u32 v27, v39  }
0x2d9: {  	v39 =	vadd.s32 v33, v39;
	_ =	sdelay $0x3  }
0x2da: {  	v40 =	vld.idx.msk [tilespmem:v40+s26+$0x0], $0xffff  }
0x2db: {  	v39 =	vld.idx.msk [tilespmem:v39+s26+$0x0], $0xffff;
	_ =	sdelay $0x3  }
0x2dc: {  	vm0 =	vgt.f32 v37, v40  }
0x2dd: {  	vm9 =	vgt.f32 v37, v39;
	v40 =	vsel vm0, $0x1, v34  }
0x2de: {  	v37 =	vsel vm9, $0x1, v34;
	v46 =	vadd.s32 v40, v38  }
0x2df: {  	v38 =	vadd.s32 v30, v38;
	v37 =	vadd.s32 v37, v46  }
0x2e0: {  	v37 =	vadd.s32 v35, v37  }
0x2e1: {  	v47 =	vld [tilespmem:s5+$0x6000];
	v48 =	vadd.s32 $0x20, v37;
	_ =	sdelay $0x2  }
0x2e2: {  	[tilespmem:v38+s28+$0x0] =	vst.idx.add.f32.msk $0xffff, v32  }
0x2e3: {  	[tilespmem:v37+s28+$0x0] =	vst.idx.add.f32.msk $0xffff, v32  }
0x2e4: {  	s6 =	sor.u32 $0x2010, s5;
	[tilespmem:v48+s28+$0x0] =	vst.idx.add.f32.msk $0xffff, v47  }
0x2e5: {  	v37 =	vld [tilespmem:s6+$0x0];
	_ =	sdelay $0x4  }
0x2e6: {  	v49 =	vmul.f32 $3.000000000e+01, v37;
	_ =	sdelay $0x1  }
0x2e7: {  	v38 =	vtrunc.f32 v49  }
0x2e8: {  	v38 =	vcvt.f32.s32 v38;
	_ =	sdelay $0x1  }
0x2e9: {  	v50 =	vshll.u32 v38, $0x4  }
0x2ea: {  	v51 =	vor.u32 v27, v50  }
0x2eb: {  	v39 =	vadd.s32 v33, v50;
	_ =	sdelay $0x3  }
0x2ec: {  	v40 =	vld.idx.msk [tilespmem:v51+s26+$0x0], $0xffff  }
0x2ed: {  	v39 =	vld.idx.msk [tilespmem:v39+s26+$0x0], $0xffff;
	_ =	sdelay $0x3  }
0x2ee: {  	vm10 =	vgt.f32 v37, v40  }
0x2ef: {  	vm11 =	vgt.f32 v37, v39;
	v40 =	vsel vm10, $0x1, v34  }
0x2f0: {  	v37 =	vsel vm11, $0x1, v34;
	v52 =	vadd.s32 v40, v38  }
0x2f1: {  	v38 =	vadd.s32 v30, v38;
	v37 =	vadd.s32 v37, v52  }
0x2f2: {  	s6 =	sor.u32 $0x6010, s5;
	v39 =	vadd.s32 v35, v37  }
0x2f3: {  	v53 =	vld [tilespmem:s6+$0x0];
	v37 =	vadd.s32 v36, v37;
	_ =	sdelay $0x2  }
0x2f4: {  	[tilespmem:v38+s28+$0x0] =	vst.idx.add.f32.msk $0xffff, v32  }
0x2f5: {  	[tilespmem:v39+s28+$0x0] =	vst.idx.add.f32.msk $0xffff, v32  }
0x2f6: {  	s6 =	sor.u32 $0x2020, s5;
	[tilespmem:v37+s28+$0x0] =	vst.idx.add.f32.msk $0xffff, v53  }
0x2f7: {  	v37 =	vld [tilespmem:s6+$0x0];
	_ =	sdelay $0x4  }
0x2f8: {  	v54 =	vmul.f32 $3.000000000e+01, v37;
	_ =	sdelay $0x1  }
0x2f9: {  	v38 =	vtrunc.f32 v54  }
0x2fa: {  	v38 =	vcvt.f32.s32 v38;
	_ =	sdelay $0x1  }
0x2fb: {  	v55 =	vshll.u32 v38, $0x4  }
0x2fc: {  	v56 =	vor.u32 v27, v55  }
0x2fd: {  	v39 =	vadd.s32 v33, v55;
	_ =	sdelay $0x3  }
0x2fe: {  	v40 =	vld.idx.msk [tilespmem:v56+s26+$0x0], $0xffff  }
0x2ff: {  	v39 =	vld.idx.msk [tilespmem:v39+s26+$0x0], $0xffff;
	_ =	sdelay $0x3  }
0x300: {  	vm12 =	vgt.f32 v37, v40  }
0x301: {  	vm13 =	vgt.f32 v37, v39;
	v40 =	vsel vm12, $0x1, v34  }
0x302: {  	v37 =	vsel vm13, $0x1, v34;
	v57 =	vadd.s32 v40, v38  }
0x303: {  	v38 =	vadd.s32 v30, v38;
	v37 =	vadd.s32 v37, v57  }
0x304: {  	s6 =	sor.u32 $0x6020, s5;
	v39 =	vadd.s32 v35, v37  }
0x305: {  	v58 =	vld [tilespmem:s6+$0x0];
	v37 =	vadd.s32 v36, v37;
	_ =	sdelay $0x2  }
0x306: {  	[tilespmem:v38+s28+$0x0] =	vst.idx.add.f32.msk $0xffff, v32  }
0x307: {  	[tilespmem:v39+s28+$0x0] =	vst.idx.add.f32.msk $0xffff, v32  }
0x308: {  	s6 =	sor.u32 $0x2030, s5;
	[tilespmem:v37+s28+$0x0] =	vst.idx.add.f32.msk $0xffff, v58  }
0x309: {  	v37 =	vld [tilespmem:s6+$0x0];
	_ =	sdelay $0x4  }
0x30a: {  	v59 =	vmul.f32 $3.000000000e+01, v37;
	_ =	sdelay $0x1  }
0x30b: {  	v38 =	vtrunc.f32 v59  }
0x30c: {  	v38 =	vcvt.f32.s32 v38;
	_ =	sdelay $0x1  }
0x30d: {  	v60 =	vshll.u32 v38, $0x4  }
0x30e: {  	v61 =	vor.u32 v27, v60  }
0x30f: {  	v39 =	vadd.s32 v33, v60;
	_ =	sdelay $0x3  }
0x310: {  	v40 =	vld.idx.msk [tilespmem:v61+s26+$0x0], $0xffff  }
0x311: {  	v39 =	vld.idx.msk [tilespmem:v39+s26+$0x0], $0xffff;
	_ =	sdelay $0x3  }
0x312: {  	vm14 =	vgt.f32 v37, v40  }
0x313: {  	vm15 =	vgt.f32 v37, v39;
	v40 =	vsel vm14, $0x1, v34  }
0x314: {  	v37 =	vsel vm15, $0x1, v34;
	v62 =	vadd.s32 v40, v38  }
0x315: {  	v38 =	vadd.s32 v30, v38;
	v37 =	vadd.s32 v37, v62  }
0x316: {  	s5 =	sor.u32 $0x6030, s5;
	v39 =	vadd.s32 v35, v37  }
0x317: {  	p0 =	sne.s32 s4, $0x1C0;
	v63 =	vld [tilespmem:s5+$0x0];
	v37 =	vadd.s32 v36, v37  }
.Ltmp15:
0x318: {  	_ = 	snop;
	(pc) =	sbr.rel @p0 .LBB2_33-.Ltmp15, $4  }
0x319: {  	_ = 	snop  }
0x31a: {  	[tilespmem:v38+s28+$0x0] =	vst.idx.add.f32.msk $0xffff, v32  }
0x31b: {  	[tilespmem:v39+s28+$0x0] =	vst.idx.add.f32.msk $0xffff, v32  }
0x31c: {  	s3 =	sadd.s32 $0x200, s3;
	s4 =	sadd.s32 $0x40, s4;
	[tilespmem:v37+s28+$0x0] =	vst.idx.add.f32.msk $0xffff, v63  }
0x31d: {  	s31 =	sadd.s32 $0x1, s31  }
0x31e: {  	p0 =	sne.s32 s31, $0x10  }
.Ltmp16:
0x31f: {  	_ = 	snop;
	(pc) =	sbr.rel @p0 .LBB2_32-.Ltmp16, $1  }
0x320: {  	_ =	sdelay $0x3  }
0x321: {  	s2 =	sadd.s32 $0x1, s2  }
0x322: {  	s0 =	rddreg [dreg:$0x2];
	p0 =	sne.s32 s2, s20  }
.Ltmp17:
0x323: {  	s3 =	simm.s32 $0x80;
	s4 =	simm.s32 $0x400;
	(pc) =	sbr.rel @p0 .LBB2_1-.Ltmp17, $4  }
0x324: {  	[hbm4b:s0+s3] =	stream.strided.scatter [tilespmem:s28], [sflag:$0x5], $0x800, s4, s3, $0x38;
	[tilespmem:$0x8A00] =	vst v63  }
0x325: {  	_ =	swait.ge [sflag:s1], $0x800  }
0x326: {  	[sflag:s1] =	ssyncset.done $0x0  }
0x327: {  	[sflag:s1] =	ssyncadd.s32 $0xFFFFF800  }
0x328: {  	_ =	sfence.sel $0x180000  }
0x329: {  	[bflag:$0x0] =	sbarrier.arrive $0xFFFF  }
0x32a: {  	_ =	strace $0x90000047  }
0x32b: {  	s0 =	stileid.u32;
	[bflag:$0x2] =	sbarrier.arrive $0xFFFF  }
0x32c: {  	p0 =	sne.s32 s0, $0x0;
	s0 =	rddreg [dreg:$0x1]  }
0x32d: {  	s0 =	sadd.s32 @!p0 $0x100000, s0  }
0x32e: {  	[sflag:s0] =	ssyncadd.tile.s32 @!p0 $0x1;
	_ =	shalt  }
.Lfunc_end2:
_tile_overlayer_lowered:
.L_overlay_start_2:
0x32f: {  	(tag) =	ssettag $0x2  }
0x330: {  	s0 =	rddreg [dreg:$0x0];
	s2 =	stileid.u32  }
0x331: {  	s1 =	rddreg [dreg:$0x1];
	p0 =	sne.s32 s2, $0x0  }
0x332: {  	s3 =	rddreg [dreg:$0x2];
	[bflag:$0x3] =	sbarrier.arrive $0xFFFF;
	s2 =	simm.s32 @!p0 $0x1C05  }
0x333: {  	[timem:s3], [sflag:s2] =	dma.local @!p0 [hbm:s0], s1  }
0x334: {  	s0 =	simm.s32 @!p0 $0x5  }
0x335: {  	_ =	swait.ge @!p0 [sflag:s0], s1  }
0x336: {  	s1 =	ssub.s32 @!p0 $0x0, s1;
	[sflag:s0] =	ssyncset.done @!p0 $0x0  }
0x337: {  	[sflag:s0] =	ssyncadd.s32 @!p0 s1  }
0x338: {  	[bflag:$0x3] =	sbarrier.arrive $0xFFFF  }
0x339: {  	_ =	shalt  }

</sc_bundles>
